<compile_context>
chip_gen: v7x
topology: tpu7x:2x2x1
jax: 0.10.2.dev20260603
libtpu: 0.0.44.dev20260713+nightly
codegen_flags: <defaults>
</compile_context>

<pallas_src>
import functools

import jax
import jax.numpy as jnp
from jax import lax
from jax.experimental import pallas as pl
from jax.experimental.pallas import tpu as pltpu, tpu_sc as plsc

N = 10000
D = 128
E = 320000
H = 128
C = 10

HA = 144

NC, NS, L = 2, 16, 16
NW = NC * NS
EW = E // NW
CH = 128
NFULL = EW // CH
TAIL = EW - NFULL * CH
CHZ = 128
NRCH = N // CHZ
NRT = N - NRCH * CHZ

@functools.cache
def _mesh():
    return plsc.VectorSubcoreMesh(core_axis_name="c", subcore_axis_name="s")


def _haug_body(x_ref, w_ref, b_ref, out_ref):
    h = jnp.maximum(jnp.dot(x_ref[...], w_ref[...],
                            preferred_element_type=jnp.float32)
                    + b_ref[...][None, :], 0.0)
    pad = (lax.broadcasted_iota(jnp.int32, (h.shape[0], HA - H), 1) == 0)
    out_ref[...] = jnp.concatenate([h, pad.astype(jnp.float32)], axis=1)


_BLK = 1000

_haug = pl.pallas_call(
    _haug_body,
    grid=(N // _BLK,),
    in_specs=[
        pl.BlockSpec((_BLK, D), lambda i: (i, 0)),
        pl.BlockSpec((D, H), lambda i: (0, 0)),
        pl.BlockSpec((H,), lambda i: (0,)),
    ],
    out_specs=pl.BlockSpec((_BLK, HA), lambda i: (i, 0)),
    out_shape=jax.ShapeDtypeStruct((N, HA), jnp.float32),
)


GRP = 13


def _agg_body(h_hbm, src_hbm, dst_hbm, zeros_hbm, out_hbm,
              src_v, dst_v, src1_v, dst1_v, rows_v, rows1_v,
              src_t, dst_t, rows_t, agg_sh, sem, sem1,
              sem_i0, sem_i1, sem_d0, sem_d1, sem_s0, sem_s1):
    c = lax.axis_index("c")
    s = lax.axis_index("s")
    wid = c * NS + s

    for j in range((NRCH + NS - 1) // NS):
        idx = j * NS + s

        @pl.when(idx < NRCH)
        def _():
            pltpu.sync_copy(zeros_hbm, agg_sh.at[pl.ds(idx * CHZ, CHZ)])

    @pl.when(s == 0)
    def _():
        pltpu.sync_copy(zeros_hbm.at[pl.ds(0, NRT)],
                        agg_sh.at[pl.ds(NRCH * CHZ, NRT)])

    plsc.subcore_barrier()

    base = wid * EW

    srcb = (src_v, src1_v)
    dstb = (dst_v, dst1_v)
    rows = (rows_v, rows1_v)
    isem = (sem_i0, sem_i1)
    idsem = (sem_d0, sem_d1)
    gsem = (sem, sem1)
    ssem = (sem_s0, sem_s1)

    def idx_fire(off, b):
        return (pltpu.async_copy(src_hbm.at[pl.ds(off, CH)], srcb[b],
                                 isem[b]),
                pltpu.async_copy(dst_hbm.at[pl.ds(off, CH)], dstb[b],
                                 idsem[b]))

    def body(jj, carry):
        gb = base + jj * GRP * CH
        ih = [None, None]
        gh = [None, None]
        sh = [None, None]
        ih[0] = idx_fire(gb, 0)
        ih[0][0].wait()
        gh[0] = pltpu.async_copy(h_hbm.at[srcb[0]], rows[0], gsem[0])
        for i in range(GRP):
            b = i % 2
            nb = 1 - b
            if i + 1 < GRP:
                ih[nb] = idx_fire(gb + (i + 1) * CH, nb)
            gh[b].wait()
            if i + 1 < GRP:
                ih[nb][0].wait()
                if sh[nb] is not None:
                    sh[nb].wait()
                gh[nb] = pltpu.async_copy(h_hbm.at[srcb[nb]], rows[nb],
                                          gsem[nb])
            ih[b][1].wait()
            sh[b] = pltpu.async_copy(rows[b], agg_sh.at[dstb[b]],
                                     ssem[b], add=True)
        for hdl in sh:
            if hdl is not None:
                hdl.wait()
        return carry

    lax.fori_loop(0, NFULL // GRP, body, 0)

    offt = base + NFULL * CH
    pltpu.sync_copy(src_hbm.at[pl.ds(offt, TAIL)], src_t)
    pltpu.sync_copy(dst_hbm.at[pl.ds(offt, TAIL)], dst_t)
    pltpu.async_copy(h_hbm.at[src_t], rows_t, sem).wait()
    pltpu.sync_copy(rows_t, agg_sh.at[dst_t], add=True)
    plsc.subcore_barrier()

    for j in range((NRCH + NS - 1) // NS):
        idx = j * NS + s

        @pl.when(idx < NRCH)
        def _():
            pltpu.sync_copy(agg_sh.at[pl.ds(idx * CHZ, CHZ)],
                            out_hbm.at[c, pl.ds(idx * CHZ, CHZ)])

    @pl.when(s == 0)
    def _():
        pltpu.sync_copy(agg_sh.at[pl.ds(NRCH * CHZ, NRT)],
                        out_hbm.at[c, pl.ds(NRCH * CHZ, NRT)])


@functools.cache
def _agg():
    return pl.kernel(
        _agg_body,
        out_type=jax.ShapeDtypeStruct((NC, N, HA), jnp.float32),
        mesh=_mesh(),
        scratch_types=[
            pltpu.VMEM((CH,), jnp.int32),
            pltpu.VMEM((CH,), jnp.int32),
            pltpu.VMEM((CH,), jnp.int32),
            pltpu.VMEM((CH,), jnp.int32),
            pltpu.VMEM((CH, HA), jnp.float32),
            pltpu.VMEM((CH, HA), jnp.float32),
            pltpu.VMEM((TAIL,), jnp.int32),
            pltpu.VMEM((TAIL,), jnp.int32),
            pltpu.VMEM((TAIL, HA), jnp.float32),
            pltpu.VMEM_SHARED((N, HA), jnp.float32),
            pltpu.SemaphoreType.DMA,
            pltpu.SemaphoreType.DMA,
            pltpu.SemaphoreType.DMA,
            pltpu.SemaphoreType.DMA,
            pltpu.SemaphoreType.DMA,
            pltpu.SemaphoreType.DMA,
            pltpu.SemaphoreType.DMA,
            pltpu.SemaphoreType.DMA,
        ],
        compiler_params=pltpu.CompilerParams(use_tc_tiling_on_sc=False),
    )


def _post_body(aggs_ref, wet_ref, wc_ref, bc_ref, s2_ref, pc_ref, acc_ref):
    i = pl.program_id(0)
    a = aggs_ref[0] + aggs_ref[1]
    deg = jnp.maximum(a[:, H:H + 1], 1.0)
    z = a[:, :H] / deg
    st = jnp.sum(z * wet_ref[0:1, :], axis=1, keepdims=True)
    sb = jnp.sum(z * wet_ref[1:2, :], axis=1, keepdims=True)
    s2_ref[...] = jnp.concatenate([st, sb], axis=1)

    @pl.when(i == 0)
    def _():
        acc_ref[...] = jnp.zeros_like(acc_ref)

    acc_ref[...] += jnp.sum(z, axis=0, keepdims=True)

    @pl.when(i == N // _BLK - 1)
    def _():
        zg = acc_ref[...] / jnp.float32(N)
        pc_ref[...] = jnp.dot(zg, wc_ref[...],
                              preferred_element_type=jnp.float32) + bc_ref[...]


_post = pl.pallas_call(
    _post_body,
    grid=(N // _BLK,),
    in_specs=[
        pl.BlockSpec((NC, _BLK, HA), lambda i: (0, i, 0)),
        pl.BlockSpec((2, H), lambda i: (0, 0)),
        pl.BlockSpec((H, C), lambda i: (0, 0)),
        pl.BlockSpec((1, C), lambda i: (0, 0)),
    ],
    out_specs=[
        pl.BlockSpec((_BLK, 2), lambda i: (i, 0)),
        pl.BlockSpec((1, C), lambda i: (0, 0)),
    ],
    out_shape=[
        jax.ShapeDtypeStruct((N, 2), jnp.float32),
        jax.ShapeDtypeStruct((1, C), jnp.float32),
    ],
    scratch_shapes=[pltpu.VMEM((1, H), jnp.float32)],
)


def _edge_body(s2_hbm, src_hbm, dst_hbm, be_hbm, out_hbm,
               s2_v, src_v, dst_v, out_v, be_v):
    c = lax.axis_index("c")
    s = lax.axis_index("s")
    wid = c * NS + s
    base = wid * EW

    pltpu.sync_copy(s2_hbm, s2_v)
    pltpu.sync_copy(src_hbm.at[pl.ds(base, EW)], src_v)
    pltpu.sync_copy(dst_hbm.at[pl.ds(base, EW)], dst_v)
    pltpu.sync_copy(be_hbm, be_v)
    bev = be_v[...]
    col0 = jnp.zeros((L,), jnp.int32)
    col1 = col0 + 1

    def body(i, carry):
        ids_s = src_v[pl.ds(i * L, L)]
        ids_d = dst_v[pl.ds(i * L, L)]
        vs = plsc.load_gather(s2_v, [ids_s, col0])
        vd = plsc.load_gather(s2_v, [ids_d, col1])
        out_v[pl.ds(i * L, L)] = vs + vd + bev
        return carry

    lax.fori_loop(0, EW // L, body, 0)
    pltpu.sync_copy(out_v, out_hbm.at[pl.ds(base, EW)])


@functools.cache
def _edge():
    return pl.kernel(
        _edge_body,
        out_type=jax.ShapeDtypeStruct((E,), jnp.float32),
        mesh=_mesh(),
        scratch_types=[
            pltpu.VMEM((N, 2), jnp.float32),
            pltpu.VMEM((EW,), jnp.int32),
            pltpu.VMEM((EW,), jnp.int32),
            pltpu.VMEM((EW,), jnp.float32),
            pltpu.VMEM((L,), jnp.float32),
        ],
        compiler_params=pltpu.CompilerParams(use_tc_tiling_on_sc=False,
                                             needs_layout_passes=False),
    )


def kernel(x, edge_index, W1, b1, Wc, bc, We, be):
    src = edge_index[0].astype(jnp.int32)
    dst = edge_index[1].astype(jnp.int32)

    h_aug = _haug(x, W1, b1)
    zeros_blk = jnp.zeros((CHZ, HA), jnp.float32)
    aggs = _agg()(h_aug, src, dst, zeros_blk)

    s2, pred_class = _post(aggs, We.reshape(2, H), Wc, bc.reshape(1, C))

    be16 = jnp.broadcast_to(be, (L,)).astype(jnp.float32)
    pe = _edge()(s2, src, dst, be16)
    return (pe.reshape(E, 1), pred_class)

# --- scband reference (transcript-rebuilt; emitter-appended) ---
"""Pipeline reference for scband-gnnmodel-47141561041135 (READ-ONLY COPY).

The authoritative reference and input builder live on the scoring server;
editing this copy changes nothing except your own understanding.
"""

import jax, jax.numpy as jnp
import numpy as np

N = 10000
D = 128
E = 320000
H = 128
C = 10


def setup_inputs(seed: int = 0) -> dict:
    key = jax.random.key(seed)
    ks = jax.random.split(key, 8)
    x = jax.random.normal(ks[0], (N, D), dtype=jnp.float32)
    edge_index = jax.random.randint(ks[1], (2, E), 0, N)
    W1 = jax.random.normal(ks[2], (D, H), dtype=jnp.float32) * 0.05
    b1 = jnp.zeros((H,), dtype=jnp.float32)
    Wc = jax.random.normal(ks[3], (H, C), dtype=jnp.float32) * 0.05
    bc = jnp.zeros((C,), dtype=jnp.float32)
    We = jax.random.normal(ks[4], (2 * H, 1), dtype=jnp.float32) * 0.05
    be = jnp.zeros((1,), dtype=jnp.float32)
    return {"x": x, "edge_index": edge_index, "W1": W1, "b1": b1,
            "Wc": Wc, "bc": bc, "We": We, "be": be}


def reference(x, edge_index, W1, b1, Wc, bc, We, be):
    src = edge_index[0]
    dst = edge_index[1]
    # gnn: one message-passing layer with mean aggregation
    h = jax.nn.relu(x @ W1 + b1)
    msgs = h[src]                                   # gather over edges
    agg = jax.ops.segment_sum(msgs, dst, num_segments=N)  # scatter-add
    deg = jax.ops.segment_sum(jnp.ones((E,), jnp.float32), dst, num_segments=N)
    z_node = agg / jnp.maximum(deg, 1.0)[:, None]
    z_graph = jnp.mean(z_node, axis=0, keepdims=True)  # global mean pool -> [1, H]
    # edge prediction head: concat(z_node[src], z_node[dst])
    edge_features = jnp.concatenate([z_node[src], z_node[dst]], axis=1)  # [E, 2H]
    pred_edge = edge_features @ We + be
    pred_class = z_graph @ Wc + bc
    return (pred_edge, pred_class)

if __name__ == "__main__":
    import jax
    _d = setup_inputs()
    print(jax.jit(kernel)(*tuple(_d.values())))

</pallas_src>

<mosaic_0001>
#map = affine_map<(d0, d1) -> (0, 0)>
#map1 = affine_map<(d0, d1) -> (0)>
#map2 = affine_map<(d0, d1) -> (0, 0, 0)>
module attributes {stable_mosaic.version = 14 : i64} {
  func.func @_agg_body(%arg0: i32, %arg1: i32, %arg2: memref<10000x144xf32, #tpu.memory_space<hbm>>, %arg3: memref<320000xi32, #tpu.memory_space<hbm>>, %arg4: memref<320000xi32, #tpu.memory_space<hbm>>, %arg5: memref<128x144xf32, #tpu.memory_space<hbm>>, %arg6: memref<2x10000x144xf32, #tpu.memory_space<hbm>>, %arg7: memref<128xi32, #tpu.memory_space<vmem>>, %arg8: memref<128xi32, #tpu.memory_space<vmem>>, %arg9: memref<128xi32, #tpu.memory_space<vmem>>, %arg10: memref<128xi32, #tpu.memory_space<vmem>>, %arg11: memref<128x144xf32, #tpu.memory_space<vmem>>, %arg12: memref<128x144xf32, #tpu.memory_space<vmem>>, %arg13: memref<16xi32, #tpu.memory_space<vmem>>, %arg14: memref<16xi32, #tpu.memory_space<vmem>>, %arg15: memref<16x144xf32, #tpu.memory_space<vmem>>, %arg16: memref<10000x144xf32, #tpu.memory_space<vmem_shared>>, %arg17: memref<!tpu.dma_semaphore, #tpu.memory_space<semaphore_mem>>, %arg18: memref<!tpu.dma_semaphore, #tpu.memory_space<semaphore_mem>>, %arg19: memref<!tpu.dma_semaphore, #tpu.memory_space<semaphore_mem>>, %arg20: memref<!tpu.dma_semaphore, #tpu.memory_space<semaphore_mem>>, %arg21: memref<!tpu.dma_semaphore, #tpu.memory_space<semaphore_mem>>, %arg22: memref<!tpu.dma_semaphore, #tpu.memory_space<semaphore_mem>>, %arg23: memref<!tpu.dma_semaphore, #tpu.memory_space<semaphore_mem>>, %arg24: memref<!tpu.dma_semaphore, #tpu.memory_space<semaphore_mem>>) attributes {dimension_semantics = [#tpu.dimension_semantics<core_parallel>, #tpu.dimension_semantics<subcore_parallel>], iteration_bounds = array<i64: 2, 16>, scalar_prefetch = 0 : i64, scratch_operands = 18 : i64, tpu.core_type = #tpu.core_type<sc_vector_subcore>, window_params = [{transform_indices = #map}, {transform_indices = #map1}, {transform_indices = #map1}, {transform_indices = #map}, {transform_indices = #map2}]} {
    %mul3A = arith.constant 16 : i32
    %mul3A_0 = arith.muli %arg0, %mul3A : i32
    %add3A = arith.addi %mul3A_0, %arg1 : i32
    %add3A_1 = arith.constant 0 : i32
    %add3A_2 = arith.addi %add3A_1, %arg1 : i32
    %lt3A = arith.constant 78 : i32
    %lt3A_3 = arith.cmpi slt, %add3A_2, %lt3A : i32
    %convert_element_type3A = arith.extui %lt3A_3 : i1 to i32
    %cond3A = arith.constant 0 : i32
    %cond3A_4 = arith.cmpi ne, %convert_element_type3A, %cond3A : i32
    scf.if %cond3A_4 {
      %mul3A_91 = arith.constant 128 : i32
      %mul3A_92 = arith.muli %add3A_2, %mul3A_91 : i32
      "tpu.region"() ({
        %run_scoped3A = tpu.sem_alloc : memref<!tpu.dma_semaphore, #tpu.memory_space<semaphore_mem>>
        %dma_start3A_93 = arith.constant 0 : i32
        %dma_start3A_94 = tpu.memref_slice %arg16[%mul3A_92, %dma_start3A_93] : memref<10000x144xf32, #tpu.memory_space<vmem_shared>> -> memref<128x144xf32, #tpu.memory_space<vmem_shared>>
        tpu.enqueue_dma source(%arg5 : memref<128x144xf32, #tpu.memory_space<hbm>>) target(%dma_start3A_94 : memref<128x144xf32, #tpu.memory_space<vmem_shared>>) target_semaphore(%run_scoped3A : memref<!tpu.dma_semaphore, #tpu.memory_space<semaphore_mem>>)
        %dma_wait3A_95 = arith.constant 0 : i32
        %dma_wait3A_96 = tpu.memref_slice %arg16[%mul3A_92, %dma_wait3A_95] : memref<10000x144xf32, #tpu.memory_space<vmem_shared>> -> memref<128x144xf32, #tpu.memory_space<vmem_shared>>
        tpu.wait_dma2 semaphore(%run_scoped3A : memref<!tpu.dma_semaphore, #tpu.memory_space<semaphore_mem>>) src(%arg5 : memref<128x144xf32, #tpu.memory_space<hbm>>) dst(%dma_wait3A_96 : memref<128x144xf32, #tpu.memory_space<vmem_shared>>)
        tpu.yield
      }) : () -> ()
    } else {
    }
    %add3A_5 = arith.constant 16 : i32
    %add3A_6 = arith.addi %add3A_5, %arg1 : i32
    %lt3A_7 = arith.constant 78 : i32
    %lt3A_8 = arith.cmpi slt, %add3A_6, %lt3A_7 : i32
    %convert_element_type3A_9 = arith.extui %lt3A_8 : i1 to i32
    %cond3A_10 = arith.constant 0 : i32
    %cond3A_11 = arith.cmpi ne, %convert_element_type3A_9, %cond3A_10 : i32
    scf.if %cond3A_11 {
      %mul3A_91 = arith.constant 128 : i32
      %mul3A_92 = arith.muli %add3A_6, %mul3A_91 : i32
      "tpu.region"() ({
        %run_scoped3A = tpu.sem_alloc : memref<!tpu.dma_semaphore, #tpu.memory_space<semaphore_mem>>
        %dma_start3A_93 = arith.constant 0 : i32
        %dma_start3A_94 = tpu.memref_slice %arg16[%mul3A_92, %dma_start3A_93] : memref<10000x144xf32, #tpu.memory_space<vmem_shared>> -> memref<128x144xf32, #tpu.memory_space<vmem_shared>>
        tpu.enqueue_dma source(%arg5 : memref<128x144xf32, #tpu.memory_space<hbm>>) target(%dma_start3A_94 : memref<128x144xf32, #tpu.memory_space<vmem_shared>>) target_semaphore(%run_scoped3A : memref<!tpu.dma_semaphore, #tpu.memory_space<semaphore_mem>>)
        %dma_wait3A_95 = arith.constant 0 : i32
        %dma_wait3A_96 = tpu.memref_slice %arg16[%mul3A_92, %dma_wait3A_95] : memref<10000x144xf32, #tpu.memory_space<vmem_shared>> -> memref<128x144xf32, #tpu.memory_space<vmem_shared>>
        tpu.wait_dma2 semaphore(%run_scoped3A : memref<!tpu.dma_semaphore, #tpu.memory_space<semaphore_mem>>) src(%arg5 : memref<128x144xf32, #tpu.memory_space<hbm>>) dst(%dma_wait3A_96 : memref<128x144xf32, #tpu.memory_space<vmem_shared>>)
        tpu.yield
      }) : () -> ()
    } else {
    }
    %add3A_12 = arith.constant 32 : i32
    %add3A_13 = arith.addi %add3A_12, %arg1 : i32
    %lt3A_14 = arith.constant 78 : i32
    %lt3A_15 = arith.cmpi slt, %add3A_13, %lt3A_14 : i32
    %convert_element_type3A_16 = arith.extui %lt3A_15 : i1 to i32
    %cond3A_17 = arith.constant 0 : i32
    %cond3A_18 = arith.cmpi ne, %convert_element_type3A_16, %cond3A_17 : i32
    scf.if %cond3A_18 {
      %mul3A_91 = arith.constant 128 : i32
      %mul3A_92 = arith.muli %add3A_13, %mul3A_91 : i32
      "tpu.region"() ({
        %run_scoped3A = tpu.sem_alloc : memref<!tpu.dma_semaphore, #tpu.memory_space<semaphore_mem>>
        %dma_start3A_93 = arith.constant 0 : i32
        %dma_start3A_94 = tpu.memref_slice %arg16[%mul3A_92, %dma_start3A_93] : memref<10000x144xf32, #tpu.memory_space<vmem_shared>> -> memref<128x144xf32, #tpu.memory_space<vmem_shared>>
        tpu.enqueue_dma source(%arg5 : memref<128x144xf32, #tpu.memory_space<hbm>>) target(%dma_start3A_94 : memref<128x144xf32, #tpu.memory_space<vmem_shared>>) target_semaphore(%run_scoped3A : memref<!tpu.dma_semaphore, #tpu.memory_space<semaphore_mem>>)
        %dma_wait3A_95 = arith.constant 0 : i32
        %dma_wait3A_96 = tpu.memref_slice %arg16[%mul3A_92, %dma_wait3A_95] : memref<10000x144xf32, #tpu.memory_space<vmem_shared>> -> memref<128x144xf32, #tpu.memory_space<vmem_shared>>
        tpu.wait_dma2 semaphore(%run_scoped3A : memref<!tpu.dma_semaphore, #tpu.memory_space<semaphore_mem>>) src(%arg5 : memref<128x144xf32, #tpu.memory_space<hbm>>) dst(%dma_wait3A_96 : memref<128x144xf32, #tpu.memory_space<vmem_shared>>)
        tpu.yield
      }) : () -> ()
    } else {
    }
    %add3A_19 = arith.constant 48 : i32
    %add3A_20 = arith.addi %add3A_19, %arg1 : i32
    %lt3A_21 = arith.constant 78 : i32
    %lt3A_22 = arith.cmpi slt, %add3A_20, %lt3A_21 : i32
    %convert_element_type3A_23 = arith.extui %lt3A_22 : i1 to i32
    %cond3A_24 = arith.constant 0 : i32
    %cond3A_25 = arith.cmpi ne, %convert_element_type3A_23, %cond3A_24 : i32
    scf.if %cond3A_25 {
      %mul3A_91 = arith.constant 128 : i32
      %mul3A_92 = arith.muli %add3A_20, %mul3A_91 : i32
      "tpu.region"() ({
        %run_scoped3A = tpu.sem_alloc : memref<!tpu.dma_semaphore, #tpu.memory_space<semaphore_mem>>
        %dma_start3A_93 = arith.constant 0 : i32
        %dma_start3A_94 = tpu.memref_slice %arg16[%mul3A_92, %dma_start3A_93] : memref<10000x144xf32, #tpu.memory_space<vmem_shared>> -> memref<128x144xf32, #tpu.memory_space<vmem_shared>>
        tpu.enqueue_dma source(%arg5 : memref<128x144xf32, #tpu.memory_space<hbm>>) target(%dma_start3A_94 : memref<128x144xf32, #tpu.memory_space<vmem_shared>>) target_semaphore(%run_scoped3A : memref<!tpu.dma_semaphore, #tpu.memory_space<semaphore_mem>>)
        %dma_wait3A_95 = arith.constant 0 : i32
        %dma_wait3A_96 = tpu.memref_slice %arg16[%mul3A_92, %dma_wait3A_95] : memref<10000x144xf32, #tpu.memory_space<vmem_shared>> -> memref<128x144xf32, #tpu.memory_space<vmem_shared>>
        tpu.wait_dma2 semaphore(%run_scoped3A : memref<!tpu.dma_semaphore, #tpu.memory_space<semaphore_mem>>) src(%arg5 : memref<128x144xf32, #tpu.memory_space<hbm>>) dst(%dma_wait3A_96 : memref<128x144xf32, #tpu.memory_space<vmem_shared>>)
        tpu.yield
      }) : () -> ()
    } else {
    }
    %add3A_26 = arith.constant 64 : i32
    %add3A_27 = arith.addi %add3A_26, %arg1 : i32
    %lt3A_28 = arith.constant 78 : i32
    %lt3A_29 = arith.cmpi slt, %add3A_27, %lt3A_28 : i32
    %convert_element_type3A_30 = arith.extui %lt3A_29 : i1 to i32
    %cond3A_31 = arith.constant 0 : i32
    %cond3A_32 = arith.cmpi ne, %convert_element_type3A_30, %cond3A_31 : i32
    scf.if %cond3A_32 {
      %mul3A_91 = arith.constant 128 : i32
      %mul3A_92 = arith.muli %add3A_27, %mul3A_91 : i32
      "tpu.region"() ({
        %run_scoped3A = tpu.sem_alloc : memref<!tpu.dma_semaphore, #tpu.memory_space<semaphore_mem>>
        %dma_start3A_93 = arith.constant 0 : i32
        %dma_start3A_94 = tpu.memref_slice %arg16[%mul3A_92, %dma_start3A_93] : memref<10000x144xf32, #tpu.memory_space<vmem_shared>> -> memref<128x144xf32, #tpu.memory_space<vmem_shared>>
        tpu.enqueue_dma source(%arg5 : memref<128x144xf32, #tpu.memory_space<hbm>>) target(%dma_start3A_94 : memref<128x144xf32, #tpu.memory_space<vmem_shared>>) target_semaphore(%run_scoped3A : memref<!tpu.dma_semaphore, #tpu.memory_space<semaphore_mem>>)
        %dma_wait3A_95 = arith.constant 0 : i32
        %dma_wait3A_96 = tpu.memref_slice %arg16[%mul3A_92, %dma_wait3A_95] : memref<10000x144xf32, #tpu.memory_space<vmem_shared>> -> memref<128x144xf32, #tpu.memory_space<vmem_shared>>
        tpu.wait_dma2 semaphore(%run_scoped3A : memref<!tpu.dma_semaphore, #tpu.memory_space<semaphore_mem>>) src(%arg5 : memref<128x144xf32, #tpu.memory_space<hbm>>) dst(%dma_wait3A_96 : memref<128x144xf32, #tpu.memory_space<vmem_shared>>)
        tpu.yield
      }) : () -> ()
    } else {
    }
    %eq3A = arith.constant 0 : i32
    %eq3A_33 = arith.cmpi eq, %arg1, %eq3A : i32
    %convert_element_type3A_34 = arith.extui %eq3A_33 : i1 to i32
    %cond3A_35 = arith.constant 0 : i32
    %cond3A_36 = arith.cmpi ne, %convert_element_type3A_34, %cond3A_35 : i32
    scf.if %cond3A_36 {
      "tpu.region"() ({
        %run_scoped3A = tpu.sem_alloc : memref<!tpu.dma_semaphore, #tpu.memory_space<semaphore_mem>>
        %dma_start3A_91 = arith.constant 9984 : i32
        %dma_start3A_92 = arith.constant 0 : i32
        %dma_start3A_93 = tpu.memref_slice %arg16[%dma_start3A_91, %dma_start3A_92] : memref<10000x144xf32, #tpu.memory_space<vmem_shared>> -> memref<16x144xf32, #tpu.memory_space<vmem_shared>>
        %dma_start3A_94 = arith.constant 0 : i32
        %dma_start3A_95 = arith.constant 0 : i32
        %dma_start3A_96 = tpu.memref_slice %arg5[%dma_start3A_94, %dma_start3A_95] : memref<128x144xf32, #tpu.memory_space<hbm>> -> memref<16x144xf32, #tpu.memory_space<hbm>>
        tpu.enqueue_dma source(%dma_start3A_96 : memref<16x144xf32, #tpu.memory_space<hbm>>) target(%dma_start3A_93 : memref<16x144xf32, #tpu.memory_space<vmem_shared>>) target_semaphore(%run_scoped3A : memref<!tpu.dma_semaphore, #tpu.memory_space<semaphore_mem>>)
        %dma_wait3A_97 = arith.constant 9984 : i32
        %dma_wait3A_98 = arith.constant 0 : i32
        %dma_wait3A_99 = tpu.memref_slice %arg16[%dma_wait3A_97, %dma_wait3A_98] : memref<10000x144xf32, #tpu.memory_space<vmem_shared>> -> memref<16x144xf32, #tpu.memory_space<vmem_shared>>
        %dma_wait3A_100 = arith.constant 0 : i32
        %dma_wait3A_101 = arith.constant 0 : i32
        %dma_wait3A_102 = tpu.memref_slice %arg5[%dma_wait3A_100, %dma_wait3A_101] : memref<128x144xf32, #tpu.memory_space<hbm>> -> memref<16x144xf32, #tpu.memory_space<hbm>>
        tpu.wait_dma2 semaphore(%run_scoped3A : memref<!tpu.dma_semaphore, #tpu.memory_space<semaphore_mem>>) src(%dma_wait3A_102 : memref<16x144xf32, #tpu.memory_space<hbm>>) dst(%dma_wait3A_99 : memref<16x144xf32, #tpu.memory_space<vmem_shared>>)
        tpu.yield
      }) : () -> ()
    } else {
    }
    %barrier3A = arith.constant 0 : index
    tpu.barrier barrier_id(%barrier3A)
    %mul3A_37 = arith.constant 10000 : i32
    %mul3A_38 = arith.muli %add3A, %mul3A_37 : i32
    %scan3A = arith.constant 0 : i32
    %scan3A_39 = arith.constant 0 : i32
    %scan3A_40 = arith.constant 6 : i32
    %scan3A_41 = arith.addi %scan3A_39, %scan3A_40 : i32
    %scan3A_42 = arith.constant 1 : i32
    scf.for %scan3A_91 = %scan3A_39 to %scan3A_41 step %scan3A_42  : i32 {
      %mul3A_92 = arith.constant 13 : i32
      %mul3A_93 = arith.muli %scan3A_91, %mul3A_92 : i32
      %mul3A_94 = arith.constant 128 : i32
      %mul3A_95 = arith.muli %mul3A_93, %mul3A_94 : i32
      %add3A_96 = arith.addi %mul3A_38, %mul3A_95 : i32
      %dma_start3A_97 = tpu.memref_slice %arg3[%add3A_96] : memref<320000xi32, #tpu.memory_space<hbm>> -> memref<128xi32, #tpu.memory_space<hbm>>
      %dma_start3A_98 = tpu.memref_slice %arg3[%add3A_96] : memref<320000xi32, #tpu.memory_space<hbm>> -> memref<128xi32, #tpu.memory_space<hbm>>
      tpu.enqueue_dma source(%dma_start3A_98 : memref<128xi32, #tpu.memory_space<hbm>>) target(%arg7 : memref<128xi32, #tpu.memory_space<vmem>>) target_semaphore(%arg19 : memref<!tpu.dma_semaphore, #tpu.memory_space<semaphore_mem>>)
      %dma_start3A_99 = tpu.memref_slice %arg4[%add3A_96] : memref<320000xi32, #tpu.memory_space<hbm>> -> memref<128xi32, #tpu.memory_space<hbm>>
      %dma_start3A_100 = tpu.memref_slice %arg4[%add3A_96] : memref<320000xi32, #tpu.memory_space<hbm>> -> memref<128xi32, #tpu.memory_space<hbm>>
      tpu.enqueue_dma source(%dma_start3A_100 : memref<128xi32, #tpu.memory_space<hbm>>) target(%arg8 : memref<128xi32, #tpu.memory_space<vmem>>) target_semaphore(%arg21 : memref<!tpu.dma_semaphore, #tpu.memory_space<semaphore_mem>>)
      %dma_wait3A_101 = tpu.memref_slice %arg3[%add3A_96] : memref<320000xi32, #tpu.memory_space<hbm>> -> memref<128xi32, #tpu.memory_space<hbm>>
      %dma_wait3A_102 = tpu.memref_slice %arg3[%add3A_96] : memref<320000xi32, #tpu.memory_space<hbm>> -> memref<128xi32, #tpu.memory_space<hbm>>
      tpu.wait_dma2 semaphore(%arg19 : memref<!tpu.dma_semaphore, #tpu.memory_space<semaphore_mem>>) src(%dma_wait3A_102 : memref<128xi32, #tpu.memory_space<hbm>>) dst(%arg7 : memref<128xi32, #tpu.memory_space<vmem>>)
      %dma_start3A_103 = arith.constant 0 : i32
      %dma_start3A_104 = arith.constant 0 : i32
      %dma_start3A_105 = tpu.memref_slice %arg2[%dma_start3A_103, %dma_start3A_104] : memref<10000x144xf32, #tpu.memory_space<hbm>> -> memref<10000x144xf32, #tpu.memory_space<hbm>>
      tpu.enqueue_indirect_dma source(%dma_start3A_105 : memref<10000x144xf32, #tpu.memory_space<hbm>>) target(%arg11 : memref<128x144xf32, #tpu.memory_space<vmem>>) offsets(%arg7 : memref<128xi32, #tpu.memory_space<vmem>>) semaphore(%arg17 : memref<!tpu.dma_semaphore, #tpu.memory_space<semaphore_mem>>)
      %add3A_106 = arith.constant 128 : i32
      %add3A_107 = arith.addi %add3A_96, %add3A_106 : i32
      %dma_start3A_108 = tpu.memref_slice %arg3[%add3A_107] : memref<320000xi32, #tpu.memory_space<hbm>> -> memref<128xi32, #tpu.memory_space<hbm>>
      %dma_start3A_109 = tpu.memref_slice %arg3[%add3A_107] : memref<320000xi32, #tpu.memory_space<hbm>> -> memref<128xi32, #tpu.memory_space<hbm>>
      tpu.enqueue_dma source(%dma_start3A_109 : memref<128xi32, #tpu.memory_space<hbm>>) target(%arg9 : memref<128xi32, #tpu.memory_space<vmem>>) target_semaphore(%arg20 : memref<!tpu.dma_semaphore, #tpu.memory_space<semaphore_mem>>)
      %dma_start3A_110 = tpu.memref_slice %arg4[%add3A_107] : memref<320000xi32, #tpu.memory_space<hbm>> -> memref<128xi32, #tpu.memory_space<hbm>>
      %dma_start3A_111 = tpu.memref_slice %arg4[%add3A_107] : memref<320000xi32, #tpu.memory_space<hbm>> -> memref<128xi32, #tpu.memory_space<hbm>>
      tpu.enqueue_dma source(%dma_start3A_111 : memref<128xi32, #tpu.memory_space<hbm>>) target(%arg10 : memref<128xi32, #tpu.memory_space<vmem>>) target_semaphore(%arg22 : memref<!tpu.dma_semaphore, #tpu.memory_space<semaphore_mem>>)
      %dma_wait3A_112 = arith.constant 0 : i32
      %dma_wait3A_113 = arith.constant 0 : i32
      %dma_wait3A_114 = tpu.memref_slice %arg2[%dma_wait3A_112, %dma_wait3A_113] : memref<10000x144xf32, #tpu.memory_space<hbm>> -> memref<10000x144xf32, #tpu.memory_space<hbm>>
      tpu.wait_indirect_dma semaphore(%arg17 : memref<!tpu.dma_semaphore, #tpu.memory_space<semaphore_mem>>) src(%dma_wait3A_114 : memref<10000x144xf32, #tpu.memory_space<hbm>>) dst(%arg11 : memref<128x144xf32, #tpu.memory_space<vmem>>)
      %dma_wait3A_115 = tpu.memref_slice %arg3[%add3A_107] : memref<320000xi32, #tpu.memory_space<hbm>> -> memref<128xi32, #tpu.memory_space<hbm>>
      %dma_wait3A_116 = tpu.memref_slice %arg3[%add3A_107] : memref<320000xi32, #tpu.memory_space<hbm>> -> memref<128xi32, #tpu.memory_space<hbm>>
      tpu.wait_dma2 semaphore(%arg20 : memref<!tpu.dma_semaphore, #tpu.memory_space<semaphore_mem>>) src(%dma_wait3A_116 : memref<128xi32, #tpu.memory_space<hbm>>) dst(%arg9 : memref<128xi32, #tpu.memory_space<vmem>>)
      %dma_start3A_117 = arith.constant 0 : i32
      %dma_start3A_118 = arith.constant 0 : i32
      %dma_start3A_119 = tpu.memref_slice %arg2[%dma_start3A_117, %dma_start3A_118] : memref<10000x144xf32, #tpu.memory_space<hbm>> -> memref<10000x144xf32, #tpu.memory_space<hbm>>
      tpu.enqueue_indirect_dma source(%dma_start3A_119 : memref<10000x144xf32, #tpu.memory_space<hbm>>) target(%arg12 : memref<128x144xf32, #tpu.memory_space<vmem>>) offsets(%arg9 : memref<128xi32, #tpu.memory_space<vmem>>) semaphore(%arg18 : memref<!tpu.dma_semaphore, #tpu.memory_space<semaphore_mem>>)
      %dma_wait3A_120 = tpu.memref_slice %arg4[%add3A_96] : memref<320000xi32, #tpu.memory_space<hbm>> -> memref<128xi32, #tpu.memory_space<hbm>>
      %dma_wait3A_121 = tpu.memref_slice %arg4[%add3A_96] : memref<320000xi32, #tpu.memory_space<hbm>> -> memref<128xi32, #tpu.memory_space<hbm>>
      tpu.wait_dma2 semaphore(%arg21 : memref<!tpu.dma_semaphore, #tpu.memory_space<semaphore_mem>>) src(%dma_wait3A_121 : memref<128xi32, #tpu.memory_space<hbm>>) dst(%arg8 : memref<128xi32, #tpu.memory_space<vmem>>)
      %dma_start3A_122 = arith.constant 0 : i32
      %dma_start3A_123 = arith.constant 0 : i32
      %dma_start3A_124 = tpu.memref_slice %arg16[%dma_start3A_122, %dma_start3A_123] : memref<10000x144xf32, #tpu.memory_space<vmem_shared>> -> memref<10000x144xf32, #tpu.memory_space<vmem_shared>>
      tpu.enqueue_indirect_dma source(%arg11 : memref<128x144xf32, #tpu.memory_space<vmem>>) target(%dma_start3A_124 : memref<10000x144xf32, #tpu.memory_space<vmem_shared>>) offsets(%arg8 : memref<128xi32, #tpu.memory_space<vmem>>) semaphore(%arg23 : memref<!tpu.dma_semaphore, #tpu.memory_space<semaphore_mem>>) {add = true}
      %add3A_125 = arith.constant 256 : i32
      %add3A_126 = arith.addi %add3A_96, %add3A_125 : i32
      %dma_start3A_127 = tpu.memref_slice %arg3[%add3A_126] : memref<320000xi32, #tpu.memory_space<hbm>> -> memref<128xi32, #tpu.memory_space<hbm>>
      %dma_start3A_128 = tpu.memref_slice %arg3[%add3A_126] : memref<320000xi32, #tpu.memory_space<hbm>> -> memref<128xi32, #tpu.memory_space<hbm>>
      tpu.enqueue_dma source(%dma_start3A_128 : memref<128xi32, #tpu.memory_space<hbm>>) target(%arg7 : memref<128xi32, #tpu.memory_space<vmem>>) target_semaphore(%arg19 : memref<!tpu.dma_semaphore, #tpu.memory_space<semaphore_mem>>)
      %dma_start3A_129 = tpu.memref_slice %arg4[%add3A_126] : memref<320000xi32, #tpu.memory_space<hbm>> -> memref<128xi32, #tpu.memory_space<hbm>>
      %dma_start3A_130 = tpu.memref_slice %arg4[%add3A_126] : memref<320000xi32, #tpu.memory_space<hbm>> -> memref<128xi32, #tpu.memory_space<hbm>>
      tpu.enqueue_dma source(%dma_start3A_130 : memref<128xi32, #tpu.memory_space<hbm>>) target(%arg8 : memref<128xi32, #tpu.memory_space<vmem>>) target_semaphore(%arg21 : memref<!tpu.dma_semaphore, #tpu.memory_space<semaphore_mem>>)
      %dma_wait3A_131 = arith.constant 0 : i32
      %dma_wait3A_132 = arith.constant 0 : i32
      %dma_wait3A_133 = tpu.memref_slice %arg2[%dma_wait3A_131, %dma_wait3A_132] : memref<10000x144xf32, #tpu.memory_space<hbm>> -> memref<10000x144xf32, #tpu.memory_space<hbm>>
      tpu.wait_indirect_dma semaphore(%arg18 : memref<!tpu.dma_semaphore, #tpu.memory_space<semaphore_mem>>) src(%dma_wait3A_133 : memref<10000x144xf32, #tpu.memory_space<hbm>>) dst(%arg12 : memref<128x144xf32, #tpu.memory_space<vmem>>)
      %dma_wait3A_134 = tpu.memref_slice %arg3[%add3A_126] : memref<320000xi32, #tpu.memory_space<hbm>> -> memref<128xi32, #tpu.memory_space<hbm>>
      %dma_wait3A_135 = tpu.memref_slice %arg3[%add3A_126] : memref<320000xi32, #tpu.memory_space<hbm>> -> memref<128xi32, #tpu.memory_space<hbm>>
      tpu.wait_dma2 semaphore(%arg19 : memref<!tpu.dma_semaphore, #tpu.memory_space<semaphore_mem>>) src(%dma_wait3A_135 : memref<128xi32, #tpu.memory_space<hbm>>) dst(%arg7 : memref<128xi32, #tpu.memory_space<vmem>>)
      %dma_wait3A_136 = arith.constant 0 : i32
      %dma_wait3A_137 = arith.constant 0 : i32
      %dma_wait3A_138 = tpu.memref_slice %arg16[%dma_wait3A_136, %dma_wait3A_137] : memref<10000x144xf32, #tpu.memory_space<vmem_shared>> -> memref<10000x144xf32, #tpu.memory_space<vmem_shared>>
      tpu.wait_indirect_dma semaphore(%arg23 : memref<!tpu.dma_semaphore, #tpu.memory_space<semaphore_mem>>) src(%arg11 : memref<128x144xf32, #tpu.memory_space<vmem>>) dst(%dma_wait3A_138 : memref<10000x144xf32, #tpu.memory_space<vmem_shared>>)
      %dma_start3A_139 = arith.constant 0 : i32
      %dma_start3A_140 = arith.constant 0 : i32
      %dma_start3A_141 = tpu.memref_slice %arg2[%dma_start3A_139, %dma_start3A_140] : memref<10000x144xf32, #tpu.memory_space<hbm>> -> memref<10000x144xf32, #tpu.memory_space<hbm>>
      tpu.enqueue_indirect_dma source(%dma_start3A_141 : memref<10000x144xf32, #tpu.memory_space<hbm>>) target(%arg11 : memref<128x144xf32, #tpu.memory_space<vmem>>) offsets(%arg7 : memref<128xi32, #tpu.memory_space<vmem>>) semaphore(%arg17 : memref<!tpu.dma_semaphore, #tpu.memory_space<semaphore_mem>>)
      %dma_wait3A_142 = tpu.memref_slice %arg4[%add3A_107] : memref<320000xi32, #tpu.memory_space<hbm>> -> memref<128xi32, #tpu.memory_space<hbm>>
      %dma_wait3A_143 = tpu.memref_slice %arg4[%add3A_107] : memref<320000xi32, #tpu.memory_space<hbm>> -> memref<128xi32, #tpu.memory_space<hbm>>
      tpu.wait_dma2 semaphore(%arg22 : memref<!tpu.dma_semaphore, #tpu.memory_space<semaphore_mem>>) src(%dma_wait3A_143 : memref<128xi32, #tpu.memory_space<hbm>>) dst(%arg10 : memref<128xi32, #tpu.memory_space<vmem>>)
      %dma_start3A_144 = arith.constant 0 : i32
      %dma_start3A_145 = arith.constant 0 : i32
      %dma_start3A_146 = tpu.memref_slice %arg16[%dma_start3A_144, %dma_start3A_145] : memref<10000x144xf32, #tpu.memory_space<vmem_shared>> -> memref<10000x144xf32, #tpu.memory_space<vmem_shared>>
      tpu.enqueue_indirect_dma source(%arg12 : memref<128x144xf32, #tpu.memory_space<vmem>>) target(%dma_start3A_146 : memref<10000x144xf32, #tpu.memory_space<vmem_shared>>) offsets(%arg10 : memref<128xi32, #tpu.memory_space<vmem>>) semaphore(%arg24 : memref<!tpu.dma_semaphore, #tpu.memory_space<semaphore_mem>>) {add = true}
      %add3A_147 = arith.constant 384 : i32
      %add3A_148 = arith.addi %add3A_96, %add3A_147 : i32
      %dma_start3A_149 = tpu.memref_slice %arg3[%add3A_148] : memref<320000xi32, #tpu.memory_space<hbm>> -> memref<128xi32, #tpu.memory_space<hbm>>
      %dma_start3A_150 = tpu.memref_slice %arg3[%add3A_148] : memref<320000xi32, #tpu.memory_space<hbm>> -> memref<128xi32, #tpu.memory_space<hbm>>
      tpu.enqueue_dma source(%dma_start3A_150 : memref<128xi32, #tpu.memory_space<hbm>>) target(%arg9 : memref<128xi32, #tpu.memory_space<vmem>>) target_semaphore(%arg20 : memref<!tpu.dma_semaphore, #tpu.memory_space<semaphore_mem>>)
      %dma_start3A_151 = tpu.memref_slice %arg4[%add3A_148] : memref<320000xi32, #tpu.memory_space<hbm>> -> memref<128xi32, #tpu.memory_space<hbm>>
      %dma_start3A_152 = tpu.memref_slice %arg4[%add3A_148] : memref<320000xi32, #tpu.memory_space<hbm>> -> memref<128xi32, #tpu.memory_space<hbm>>
      tpu.enqueue_dma source(%dma_start3A_152 : memref<128xi32, #tpu.memory_space<hbm>>) target(%arg10 : memref<128xi32, #tpu.memory_space<vmem>>) target_semaphore(%arg22 : memref<!tpu.dma_semaphore, #tpu.memory_space<semaphore_mem>>)
      %dma_wait3A_153 = arith.constant 0 : i32
      %dma_wait3A_154 = arith.constant 0 : i32
      %dma_wait3A_155 = tpu.memref_slice %arg2[%dma_wait3A_153, %dma_wait3A_154] : memref<10000x144xf32, #tpu.memory_space<hbm>> -> memref<10000x144xf32, #tpu.memory_space<hbm>>
      tpu.wait_indirect_dma semaphore(%arg17 : memref<!tpu.dma_semaphore, #tpu.memory_space<semaphore_mem>>) src(%dma_wait3A_155 : memref<10000x144xf32, #tpu.memory_space<hbm>>) dst(%arg11 : memref<128x144xf32, #tpu.memory_space<vmem>>)
      %dma_wait3A_156 = tpu.memref_slice %arg3[%add3A_148] : memref<320000xi32, #tpu.memory_space<hbm>> -> memref<128xi32, #tpu.memory_space<hbm>>
      %dma_wait3A_157 = tpu.memref_slice %arg3[%add3A_148] : memref<320000xi32, #tpu.memory_space<hbm>> -> memref<128xi32, #tpu.memory_space<hbm>>
      tpu.wait_dma2 semaphore(%arg20 : memref<!tpu.dma_semaphore, #tpu.memory_space<semaphore_mem>>) src(%dma_wait3A_157 : memref<128xi32, #tpu.memory_space<hbm>>) dst(%arg9 : memref<128xi32, #tpu.memory_space<vmem>>)
      %dma_wait3A_158 = arith.constant 0 : i32
      %dma_wait3A_159 = arith.constant 0 : i32
      %dma_wait3A_160 = tpu.memref_slice %arg16[%dma_wait3A_158, %dma_wait3A_159] : memref<10000x144xf32, #tpu.memory_space<vmem_shared>> -> memref<10000x144xf32, #tpu.memory_space<vmem_shared>>
      tpu.wait_indirect_dma semaphore(%arg24 : memref<!tpu.dma_semaphore, #tpu.memory_space<semaphore_mem>>) src(%arg12 : memref<128x144xf32, #tpu.memory_space<vmem>>) dst(%dma_wait3A_160 : memref<10000x144xf32, #tpu.memory_space<vmem_shared>>)
      %dma_start3A_161 = arith.constant 0 : i32
      %dma_start3A_162 = arith.constant 0 : i32
      %dma_start3A_163 = tpu.memref_slice %arg2[%dma_start3A_161, %dma_start3A_162] : memref<10000x144xf32, #tpu.memory_space<hbm>> -> memref<10000x144xf32, #tpu.memory_space<hbm>>
      tpu.enqueue_indirect_dma source(%dma_start3A_163 : memref<10000x144xf32, #tpu.memory_space<hbm>>) target(%arg12 : memref<128x144xf32, #tpu.memory_space<vmem>>) offsets(%arg9 : memref<128xi32, #tpu.memory_space<vmem>>) semaphore(%arg18 : memref<!tpu.dma_semaphore, #tpu.memory_space<semaphore_mem>>)
      %dma_wait3A_164 = tpu.memref_slice %arg4[%add3A_126] : memref<320000xi32, #tpu.memory_space<hbm>> -> memref<128xi32, #tpu.memory_space<hbm>>
      %dma_wait3A_165 = tpu.memref_slice %arg4[%add3A_126] : memref<320000xi32, #tpu.memory_space<hbm>> -> memref<128xi32, #tpu.memory_space<hbm>>
      tpu.wait_dma2 semaphore(%arg21 : memref<!tpu.dma_semaphore, #tpu.memory_space<semaphore_mem>>) src(%dma_wait3A_165 : memref<128xi32, #tpu.memory_space<hbm>>) dst(%arg8 : memref<128xi32, #tpu.memory_space<vmem>>)
      %dma_start3A_166 = arith.constant 0 : i32
      %dma_start3A_167 = arith.constant 0 : i32
      %dma_start3A_168 = tpu.memref_slice %arg16[%dma_start3A_166, %dma_start3A_167] : memref<10000x144xf32, #tpu.memory_space<vmem_shared>> -> memref<10000x144xf32, #tpu.memory_space<vmem_shared>>
      tpu.enqueue_indirect_dma source(%arg11 : memref<128x144xf32, #tpu.memory_space<vmem>>) target(%dma_start3A_168 : memref<10000x144xf32, #tpu.memory_space<vmem_shared>>) offsets(%arg8 : memref<128xi32, #tpu.memory_space<vmem>>) semaphore(%arg23 : memref<!tpu.dma_semaphore, #tpu.memory_space<semaphore_mem>>) {add = true}
      %add3A_169 = arith.constant 512 : i32
      %add3A_170 = arith.addi %add3A_96, %add3A_169 : i32
      %dma_start3A_171 = tpu.memref_slice %arg3[%add3A_170] : memref<320000xi32, #tpu.memory_space<hbm>> -> memref<128xi32, #tpu.memory_space<hbm>>
      %dma_start3A_172 = tpu.memref_slice %arg3[%add3A_170] : memref<320000xi32, #tpu.memory_space<hbm>> -> memref<128xi32, #tpu.memory_space<hbm>>
      tpu.enqueue_dma source(%dma_start3A_172 : memref<128xi32, #tpu.memory_space<hbm>>) target(%arg7 : memref<128xi32, #tpu.memory_space<vmem>>) target_semaphore(%arg19 : memref<!tpu.dma_semaphore, #tpu.memory_space<semaphore_mem>>)
      %dma_start3A_173 = tpu.memref_slice %arg4[%add3A_170] : memref<320000xi32, #tpu.memory_space<hbm>> -> memref<128xi32, #tpu.memory_space<hbm>>
      %dma_start3A_174 = tpu.memref_slice %arg4[%add3A_170] : memref<320000xi32, #tpu.memory_space<hbm>> -> memref<128xi32, #tpu.memory_space<hbm>>
      tpu.enqueue_dma source(%dma_start3A_174 : memref<128xi32, #tpu.memory_space<hbm>>) target(%arg8 : memref<128xi32, #tpu.memory_space<vmem>>) target_semaphore(%arg21 : memref<!tpu.dma_semaphore, #tpu.memory_space<semaphore_mem>>)
      %dma_wait3A_175 = arith.constant 0 : i32
      %dma_wait3A_176 = arith.constant 0 : i32
      %dma_wait3A_177 = tpu.memref_slice %arg2[%dma_wait3A_175, %dma_wait3A_176] : memref<10000x144xf32, #tpu.memory_space<hbm>> -> memref<10000x144xf32, #tpu.memory_space<hbm>>
      tpu.wait_indirect_dma semaphore(%arg18 : memref<!tpu.dma_semaphore, #tpu.memory_space<semaphore_mem>>) src(%dma_wait3A_177 : memref<10000x144xf32, #tpu.memory_space<hbm>>) dst(%arg12 : memref<128x144xf32, #tpu.memory_space<vmem>>)
      %dma_wait3A_178 = tpu.memref_slice %arg3[%add3A_170] : memref<320000xi32, #tpu.memory_space<hbm>> -> memref<128xi32, #tpu.memory_space<hbm>>
      %dma_wait3A_179 = tpu.memref_slice %arg3[%add3A_170] : memref<320000xi32, #tpu.memory_space<hbm>> -> memref<128xi32, #tpu.memory_space<hbm>>
      tpu.wait_dma2 semaphore(%arg19 : memref<!tpu.dma_semaphore, #tpu.memory_space<semaphore_mem>>) src(%dma_wait3A_179 : memref<128xi32, #tpu.memory_space<hbm>>) dst(%arg7 : memref<128xi32, #tpu.memory_space<vmem>>)
      %dma_wait3A_180 = arith.constant 0 : i32
      %dma_wait3A_181 = arith.constant 0 : i32
      %dma_wait3A_182 = tpu.memref_slice %arg16[%dma_wait3A_180, %dma_wait3A_181] : memref<10000x144xf32, #tpu.memory_space<vmem_shared>> -> memref<10000x144xf32, #tpu.memory_space<vmem_shared>>
      tpu.wait_indirect_dma semaphore(%arg23 : memref<!tpu.dma_semaphore, #tpu.memory_space<semaphore_mem>>) src(%arg11 : memref<128x144xf32, #tpu.memory_space<vmem>>) dst(%dma_wait3A_182 : memref<10000x144xf32, #tpu.memory_space<vmem_shared>>)
      %dma_start3A_183 = arith.constant 0 : i32
      %dma_start3A_184 = arith.constant 0 : i32
      %dma_start3A_185 = tpu.memref_slice %arg2[%dma_start3A_183, %dma_start3A_184] : memref<10000x144xf32, #tpu.memory_space<hbm>> -> memref<10000x144xf32, #tpu.memory_space<hbm>>
      tpu.enqueue_indirect_dma source(%dma_start3A_185 : memref<10000x144xf32, #tpu.memory_space<hbm>>) target(%arg11 : memref<128x144xf32, #tpu.memory_space<vmem>>) offsets(%arg7 : memref<128xi32, #tpu.memory_space<vmem>>) semaphore(%arg17 : memref<!tpu.dma_semaphore, #tpu.memory_space<semaphore_mem>>)
      %dma_wait3A_186 = tpu.memref_slice %arg4[%add3A_148] : memref<320000xi32, #tpu.memory_space<hbm>> -> memref<128xi32, #tpu.memory_space<hbm>>
      %dma_wait3A_187 = tpu.memref_slice %arg4[%add3A_148] : memref<320000xi32, #tpu.memory_space<hbm>> -> memref<128xi32, #tpu.memory_space<hbm>>
      tpu.wait_dma2 semaphore(%arg22 : memref<!tpu.dma_semaphore, #tpu.memory_space<semaphore_mem>>) src(%dma_wait3A_187 : memref<128xi32, #tpu.memory_space<hbm>>) dst(%arg10 : memref<128xi32, #tpu.memory_space<vmem>>)
      %dma_start3A_188 = arith.constant 0 : i32
      %dma_start3A_189 = arith.constant 0 : i32
      %dma_start3A_190 = tpu.memref_slice %arg16[%dma_start3A_188, %dma_start3A_189] : memref<10000x144xf32, #tpu.memory_space<vmem_shared>> -> memref<10000x144xf32, #tpu.memory_space<vmem_shared>>
      tpu.enqueue_indirect_dma source(%arg12 : memref<128x144xf32, #tpu.memory_space<vmem>>) target(%dma_start3A_190 : memref<10000x144xf32, #tpu.memory_space<vmem_shared>>) offsets(%arg10 : memref<128xi32, #tpu.memory_space<vmem>>) semaphore(%arg24 : memref<!tpu.dma_semaphore, #tpu.memory_space<semaphore_mem>>) {add = true}
      %add3A_191 = arith.constant 640 : i32
      %add3A_192 = arith.addi %add3A_96, %add3A_191 : i32
      %dma_start3A_193 = tpu.memref_slice %arg3[%add3A_192] : memref<320000xi32, #tpu.memory_space<hbm>> -> memref<128xi32, #tpu.memory_space<hbm>>
      %dma_start3A_194 = tpu.memref_slice %arg3[%add3A_192] : memref<320000xi32, #tpu.memory_space<hbm>> -> memref<128xi32, #tpu.memory_space<hbm>>
      tpu.enqueue_dma source(%dma_start3A_194 : memref<128xi32, #tpu.memory_space<hbm>>) target(%arg9 : memref<128xi32, #tpu.memory_space<vmem>>) target_semaphore(%arg20 : memref<!tpu.dma_semaphore, #tpu.memory_space<semaphore_mem>>)
      %dma_start3A_195 = tpu.memref_slice %arg4[%add3A_192] : memref<320000xi32, #tpu.memory_space<hbm>> -> memref<128xi32, #tpu.memory_space<hbm>>
      %dma_start3A_196 = tpu.memref_slice %arg4[%add3A_192] : memref<320000xi32, #tpu.memory_space<hbm>> -> memref<128xi32, #tpu.memory_space<hbm>>
      tpu.enqueue_dma source(%dma_start3A_196 : memref<128xi32, #tpu.memory_space<hbm>>) target(%arg10 : memref<128xi32, #tpu.memory_space<vmem>>) target_semaphore(%arg22 : memref<!tpu.dma_semaphore, #tpu.memory_space<semaphore_mem>>)
      %dma_wait3A_197 = arith.constant 0 : i32
      %dma_wait3A_198 = arith.constant 0 : i32
      %dma_wait3A_199 = tpu.memref_slice %arg2[%dma_wait3A_197, %dma_wait3A_198] : memref<10000x144xf32, #tpu.memory_space<hbm>> -> memref<10000x144xf32, #tpu.memory_space<hbm>>
      tpu.wait_indirect_dma semaphore(%arg17 : memref<!tpu.dma_semaphore, #tpu.memory_space<semaphore_mem>>) src(%dma_wait3A_199 : memref<10000x144xf32, #tpu.memory_space<hbm>>) dst(%arg11 : memref<128x144xf32, #tpu.memory_space<vmem>>)
      %dma_wait3A_200 = tpu.memref_slice %arg3[%add3A_192] : memref<320000xi32, #tpu.memory_space<hbm>> -> memref<128xi32, #tpu.memory_space<hbm>>
      %dma_wait3A_201 = tpu.memref_slice %arg3[%add3A_192] : memref<320000xi32, #tpu.memory_space<hbm>> -> memref<128xi32, #tpu.memory_space<hbm>>
      tpu.wait_dma2 semaphore(%arg20 : memref<!tpu.dma_semaphore, #tpu.memory_space<semaphore_mem>>) src(%dma_wait3A_201 : memref<128xi32, #tpu.memory_space<hbm>>) dst(%arg9 : memref<128xi32, #tpu.memory_space<vmem>>)
      %dma_wait3A_202 = arith.constant 0 : i32
      %dma_wait3A_203 = arith.constant 0 : i32
      %dma_wait3A_204 = tpu.memref_slice %arg16[%dma_wait3A_202, %dma_wait3A_203] : memref<10000x144xf32, #tpu.memory_space<vmem_shared>> -> memref<10000x144xf32, #tpu.memory_space<vmem_shared>>
      tpu.wait_indirect_dma semaphore(%arg24 : memref<!tpu.dma_semaphore, #tpu.memory_space<semaphore_mem>>) src(%arg12 : memref<128x144xf32, #tpu.memory_space<vmem>>) dst(%dma_wait3A_204 : memref<10000x144xf32, #tpu.memory_space<vmem_shared>>)
      %dma_start3A_205 = arith.constant 0 : i32
      %dma_start3A_206 = arith.constant 0 : i32
      %dma_start3A_207 = tpu.memref_slice %arg2[%dma_start3A_205, %dma_start3A_206] : memref<10000x144xf32, #tpu.memory_space<hbm>> -> memref<10000x144xf32, #tpu.memory_space<hbm>>
      tpu.enqueue_indirect_dma source(%dma_start3A_207 : memref<10000x144xf32, #tpu.memory_space<hbm>>) target(%arg12 : memref<128x144xf32, #tpu.memory_space<vmem>>) offsets(%arg9 : memref<128xi32, #tpu.memory_space<vmem>>) semaphore(%arg18 : memref<!tpu.dma_semaphore, #tpu.memory_space<semaphore_mem>>)
      %dma_wait3A_208 = tpu.memref_slice %arg4[%add3A_170] : memref<320000xi32, #tpu.memory_space<hbm>> -> memref<128xi32, #tpu.memory_space<hbm>>
      %dma_wait3A_209 = tpu.memref_slice %arg4[%add3A_170] : memref<320000xi32, #tpu.memory_space<hbm>> -> memref<128xi32, #tpu.memory_space<hbm>>
      tpu.wait_dma2 semaphore(%arg21 : memref<!tpu.dma_semaphore, #tpu.memory_space<semaphore_mem>>) src(%dma_wait3A_209 : memref<128xi32, #tpu.memory_space<hbm>>) dst(%arg8 : memref<128xi32, #tpu.memory_space<vmem>>)
      %dma_start3A_210 = arith.constant 0 : i32
      %dma_start3A_211 = arith.constant 0 : i32
      %dma_start3A_212 = tpu.memref_slice %arg16[%dma_start3A_210, %dma_start3A_211] : memref<10000x144xf32, #tpu.memory_space<vmem_shared>> -> memref<10000x144xf32, #tpu.memory_space<vmem_shared>>
      tpu.enqueue_indirect_dma source(%arg11 : memref<128x144xf32, #tpu.memory_space<vmem>>) target(%dma_start3A_212 : memref<10000x144xf32, #tpu.memory_space<vmem_shared>>) offsets(%arg8 : memref<128xi32, #tpu.memory_space<vmem>>) semaphore(%arg23 : memref<!tpu.dma_semaphore, #tpu.memory_space<semaphore_mem>>) {add = true}
      %add3A_213 = arith.constant 768 : i32
      %add3A_214 = arith.addi %add3A_96, %add3A_213 : i32
      %dma_start3A_215 = tpu.memref_slice %arg3[%add3A_214] : memref<320000xi32, #tpu.memory_space<hbm>> -> memref<128xi32, #tpu.memory_space<hbm>>
      %dma_start3A_216 = tpu.memref_slice %arg3[%add3A_214] : memref<320000xi32, #tpu.memory_space<hbm>> -> memref<128xi32, #tpu.memory_space<hbm>>
      tpu.enqueue_dma source(%dma_start3A_216 : memref<128xi32, #tpu.memory_space<hbm>>) target(%arg7 : memref<128xi32, #tpu.memory_space<vmem>>) target_semaphore(%arg19 : memref<!tpu.dma_semaphore, #tpu.memory_space<semaphore_mem>>)
      %dma_start3A_217 = tpu.memref_slice %arg4[%add3A_214] : memref<320000xi32, #tpu.memory_space<hbm>> -> memref<128xi32, #tpu.memory_space<hbm>>
      %dma_start3A_218 = tpu.memref_slice %arg4[%add3A_214] : memref<320000xi32, #tpu.memory_space<hbm>> -> memref<128xi32, #tpu.memory_space<hbm>>
      tpu.enqueue_dma source(%dma_start3A_218 : memref<128xi32, #tpu.memory_space<hbm>>) target(%arg8 : memref<128xi32, #tpu.memory_space<vmem>>) target_semaphore(%arg21 : memref<!tpu.dma_semaphore, #tpu.memory_space<semaphore_mem>>)
      %dma_wait3A_219 = arith.constant 0 : i32
      %dma_wait3A_220 = arith.constant 0 : i32
      %dma_wait3A_221 = tpu.memref_slice %arg2[%dma_wait3A_219, %dma_wait3A_220] : memref<10000x144xf32, #tpu.memory_space<hbm>> -> memref<10000x144xf32, #tpu.memory_space<hbm>>
      tpu.wait_indirect_dma semaphore(%arg18 : memref<!tpu.dma_semaphore, #tpu.memory_space<semaphore_mem>>) src(%dma_wait3A_221 : memref<10000x144xf32, #tpu.memory_space<hbm>>) dst(%arg12 : memref<128x144xf32, #tpu.memory_space<vmem>>)
      %dma_wait3A_222 = tpu.memref_slice %arg3[%add3A_214] : memref<320000xi32, #tpu.memory_space<hbm>> -> memref<128xi32, #tpu.memory_space<hbm>>
      %dma_wait3A_223 = tpu.memref_slice %arg3[%add3A_214] : memref<320000xi32, #tpu.memory_space<hbm>> -> memref<128xi32, #tpu.memory_space<hbm>>
      tpu.wait_dma2 semaphore(%arg19 : memref<!tpu.dma_semaphore, #tpu.memory_space<semaphore_mem>>) src(%dma_wait3A_223 : memref<128xi32, #tpu.memory_space<hbm>>) dst(%arg7 : memref<128xi32, #tpu.memory_space<vmem>>)
      %dma_wait3A_224 = arith.constant 0 : i32
      %dma_wait3A_225 = arith.constant 0 : i32
      %dma_wait3A_226 = tpu.memref_slice %arg16[%dma_wait3A_224, %dma_wait3A_225] : memref<10000x144xf32, #tpu.memory_space<vmem_shared>> -> memref<10000x144xf32, #tpu.memory_space<vmem_shared>>
      tpu.wait_indirect_dma semaphore(%arg23 : memref<!tpu.dma_semaphore, #tpu.memory_space<semaphore_mem>>) src(%arg11 : memref<128x144xf32, #tpu.memory_space<vmem>>) dst(%dma_wait3A_226 : memref<10000x144xf32, #tpu.memory_space<vmem_shared>>)
      %dma_start3A_227 = arith.constant 0 : i32
      %dma_start3A_228 = arith.constant 0 : i32
      %dma_start3A_229 = tpu.memref_slice %arg2[%dma_start3A_227, %dma_start3A_228] : memref<10000x144xf32, #tpu.memory_space<hbm>> -> memref<10000x144xf32, #tpu.memory_space<hbm>>
      tpu.enqueue_indirect_dma source(%dma_start3A_229 : memref<10000x144xf32, #tpu.memory_space<hbm>>) target(%arg11 : memref<128x144xf32, #tpu.memory_space<vmem>>) offsets(%arg7 : memref<128xi32, #tpu.memory_space<vmem>>) semaphore(%arg17 : memref<!tpu.dma_semaphore, #tpu.memory_space<semaphore_mem>>)
      %dma_wait3A_230 = tpu.memref_slice %arg4[%add3A_192] : memref<320000xi32, #tpu.memory_space<hbm>> -> memref<128xi32, #tpu.memory_space<hbm>>
      %dma_wait3A_231 = tpu.memref_slice %arg4[%add3A_192] : memref<320000xi32, #tpu.memory_space<hbm>> -> memref<128xi32, #tpu.memory_space<hbm>>
      tpu.wait_dma2 semaphore(%arg22 : memref<!tpu.dma_semaphore, #tpu.memory_space<semaphore_mem>>) src(%dma_wait3A_231 : memref<128xi32, #tpu.memory_space<hbm>>) dst(%arg10 : memref<128xi32, #tpu.memory_space<vmem>>)
      %dma_start3A_232 = arith.constant 0 : i32
      %dma_start3A_233 = arith.constant 0 : i32
      %dma_start3A_234 = tpu.memref_slice %arg16[%dma_start3A_232, %dma_start3A_233] : memref<10000x144xf32, #tpu.memory_space<vmem_shared>> -> memref<10000x144xf32, #tpu.memory_space<vmem_shared>>
      tpu.enqueue_indirect_dma source(%arg12 : memref<128x144xf32, #tpu.memory_space<vmem>>) target(%dma_start3A_234 : memref<10000x144xf32, #tpu.memory_space<vmem_shared>>) offsets(%arg10 : memref<128xi32, #tpu.memory_space<vmem>>) semaphore(%arg24 : memref<!tpu.dma_semaphore, #tpu.memory_space<semaphore_mem>>) {add = true}
      %add3A_235 = arith.constant 896 : i32
      %add3A_236 = arith.addi %add3A_96, %add3A_235 : i32
      %dma_start3A_237 = tpu.memref_slice %arg3[%add3A_236] : memref<320000xi32, #tpu.memory_space<hbm>> -> memref<128xi32, #tpu.memory_space<hbm>>
      %dma_start3A_238 = tpu.memref_slice %arg3[%add3A_236] : memref<320000xi32, #tpu.memory_space<hbm>> -> memref<128xi32, #tpu.memory_space<hbm>>
      tpu.enqueue_dma source(%dma_start3A_238 : memref<128xi32, #tpu.memory_space<hbm>>) target(%arg9 : memref<128xi32, #tpu.memory_space<vmem>>) target_semaphore(%arg20 : memref<!tpu.dma_semaphore, #tpu.memory_space<semaphore_mem>>)
      %dma_start3A_239 = tpu.memref_slice %arg4[%add3A_236] : memref<320000xi32, #tpu.memory_space<hbm>> -> memref<128xi32, #tpu.memory_space<hbm>>
      %dma_start3A_240 = tpu.memref_slice %arg4[%add3A_236] : memref<320000xi32, #tpu.memory_space<hbm>> -> memref<128xi32, #tpu.memory_space<hbm>>
      tpu.enqueue_dma source(%dma_start3A_240 : memref<128xi32, #tpu.memory_space<hbm>>) target(%arg10 : memref<128xi32, #tpu.memory_space<vmem>>) target_semaphore(%arg22 : memref<!tpu.dma_semaphore, #tpu.memory_space<semaphore_mem>>)
      %dma_wait3A_241 = arith.constant 0 : i32
      %dma_wait3A_242 = arith.constant 0 : i32
      %dma_wait3A_243 = tpu.memref_slice %arg2[%dma_wait3A_241, %dma_wait3A_242] : memref<10000x144xf32, #tpu.memory_space<hbm>> -> memref<10000x144xf32, #tpu.memory_space<hbm>>
      tpu.wait_indirect_dma semaphore(%arg17 : memref<!tpu.dma_semaphore, #tpu.memory_space<semaphore_mem>>) src(%dma_wait3A_243 : memref<10000x144xf32, #tpu.memory_space<hbm>>) dst(%arg11 : memref<128x144xf32, #tpu.memory_space<vmem>>)
      %dma_wait3A_244 = tpu.memref_slice %arg3[%add3A_236] : memref<320000xi32, #tpu.memory_space<hbm>> -> memref<128xi32, #tpu.memory_space<hbm>>
      %dma_wait3A_245 = tpu.memref_slice %arg3[%add3A_236] : memref<320000xi32, #tpu.memory_space<hbm>> -> memref<128xi32, #tpu.memory_space<hbm>>
      tpu.wait_dma2 semaphore(%arg20 : memref<!tpu.dma_semaphore, #tpu.memory_space<semaphore_mem>>) src(%dma_wait3A_245 : memref<128xi32, #tpu.memory_space<hbm>>) dst(%arg9 : memref<128xi32, #tpu.memory_space<vmem>>)
      %dma_wait3A_246 = arith.constant 0 : i32
      %dma_wait3A_247 = arith.constant 0 : i32
      %dma_wait3A_248 = tpu.memref_slice %arg16[%dma_wait3A_246, %dma_wait3A_247] : memref<10000x144xf32, #tpu.memory_space<vmem_shared>> -> memref<10000x144xf32, #tpu.memory_space<vmem_shared>>
      tpu.wait_indirect_dma semaphore(%arg24 : memref<!tpu.dma_semaphore, #tpu.memory_space<semaphore_mem>>) src(%arg12 : memref<128x144xf32, #tpu.memory_space<vmem>>) dst(%dma_wait3A_248 : memref<10000x144xf32, #tpu.memory_space<vmem_shared>>)
      %dma_start3A_249 = arith.constant 0 : i32
      %dma_start3A_250 = arith.constant 0 : i32
      %dma_start3A_251 = tpu.memref_slice %arg2[%dma_start3A_249, %dma_start3A_250] : memref<10000x144xf32, #tpu.memory_space<hbm>> -> memref<10000x144xf32, #tpu.memory_space<hbm>>
      tpu.enqueue_indirect_dma source(%dma_start3A_251 : memref<10000x144xf32, #tpu.memory_space<hbm>>) target(%arg12 : memref<128x144xf32, #tpu.memory_space<vmem>>) offsets(%arg9 : memref<128xi32, #tpu.memory_space<vmem>>) semaphore(%arg18 : memref<!tpu.dma_semaphore, #tpu.memory_space<semaphore_mem>>)
      %dma_wait3A_252 = tpu.memref_slice %arg4[%add3A_214] : memref<320000xi32, #tpu.memory_space<hbm>> -> memref<128xi32, #tpu.memory_space<hbm>>
      %dma_wait3A_253 = tpu.memref_slice %arg4[%add3A_214] : memref<320000xi32, #tpu.memory_space<hbm>> -> memref<128xi32, #tpu.memory_space<hbm>>
      tpu.wait_dma2 semaphore(%arg21 : memref<!tpu.dma_semaphore, #tpu.memory_space<semaphore_mem>>) src(%dma_wait3A_253 : memref<128xi32, #tpu.memory_space<hbm>>) dst(%arg8 : memref<128xi32, #tpu.memory_space<vmem>>)
      %dma_start3A_254 = arith.constant 0 : i32
      %dma_start3A_255 = arith.constant 0 : i32
      %dma_start3A_256 = tpu.memref_slice %arg16[%dma_start3A_254, %dma_start3A_255] : memref<10000x144xf32, #tpu.memory_space<vmem_shared>> -> memref<10000x144xf32, #tpu.memory_space<vmem_shared>>
      tpu.enqueue_indirect_dma source(%arg11 : memref<128x144xf32, #tpu.memory_space<vmem>>) target(%dma_start3A_256 : memref<10000x144xf32, #tpu.memory_space<vmem_shared>>) offsets(%arg8 : memref<128xi32, #tpu.memory_space<vmem>>) semaphore(%arg23 : memref<!tpu.dma_semaphore, #tpu.memory_space<semaphore_mem>>) {add = true}
      %add3A_257 = arith.constant 1024 : i32
      %add3A_258 = arith.addi %add3A_96, %add3A_257 : i32
      %dma_start3A_259 = tpu.memref_slice %arg3[%add3A_258] : memref<320000xi32, #tpu.memory_space<hbm>> -> memref<128xi32, #tpu.memory_space<hbm>>
      %dma_start3A_260 = tpu.memref_slice %arg3[%add3A_258] : memref<320000xi32, #tpu.memory_space<hbm>> -> memref<128xi32, #tpu.memory_space<hbm>>
      tpu.enqueue_dma source(%dma_start3A_260 : memref<128xi32, #tpu.memory_space<hbm>>) target(%arg7 : memref<128xi32, #tpu.memory_space<vmem>>) target_semaphore(%arg19 : memref<!tpu.dma_semaphore, #tpu.memory_space<semaphore_mem>>)
      %dma_start3A_261 = tpu.memref_slice %arg4[%add3A_258] : memref<320000xi32, #tpu.memory_space<hbm>> -> memref<128xi32, #tpu.memory_space<hbm>>
      %dma_start3A_262 = tpu.memref_slice %arg4[%add3A_258] : memref<320000xi32, #tpu.memory_space<hbm>> -> memref<128xi32, #tpu.memory_space<hbm>>
      tpu.enqueue_dma source(%dma_start3A_262 : memref<128xi32, #tpu.memory_space<hbm>>) target(%arg8 : memref<128xi32, #tpu.memory_space<vmem>>) target_semaphore(%arg21 : memref<!tpu.dma_semaphore, #tpu.memory_space<semaphore_mem>>)
      %dma_wait3A_263 = arith.constant 0 : i32
      %dma_wait3A_264 = arith.constant 0 : i32
      %dma_wait3A_265 = tpu.memref_slice %arg2[%dma_wait3A_263, %dma_wait3A_264] : memref<10000x144xf32, #tpu.memory_space<hbm>> -> memref<10000x144xf32, #tpu.memory_space<hbm>>
      tpu.wait_indirect_dma semaphore(%arg18 : memref<!tpu.dma_semaphore, #tpu.memory_space<semaphore_mem>>) src(%dma_wait3A_265 : memref<10000x144xf32, #tpu.memory_space<hbm>>) dst(%arg12 : memref<128x144xf32, #tpu.memory_space<vmem>>)
      %dma_wait3A_266 = tpu.memref_slice %arg3[%add3A_258] : memref<320000xi32, #tpu.memory_space<hbm>> -> memref<128xi32, #tpu.memory_space<hbm>>
      %dma_wait3A_267 = tpu.memref_slice %arg3[%add3A_258] : memref<320000xi32, #tpu.memory_space<hbm>> -> memref<128xi32, #tpu.memory_space<hbm>>
      tpu.wait_dma2 semaphore(%arg19 : memref<!tpu.dma_semaphore, #tpu.memory_space<semaphore_mem>>) src(%dma_wait3A_267 : memref<128xi32, #tpu.memory_space<hbm>>) dst(%arg7 : memref<128xi32, #tpu.memory_space<vmem>>)
      %dma_wait3A_268 = arith.constant 0 : i32
      %dma_wait3A_269 = arith.constant 0 : i32
      %dma_wait3A_270 = tpu.memref_slice %arg16[%dma_wait3A_268, %dma_wait3A_269] : memref<10000x144xf32, #tpu.memory_space<vmem_shared>> -> memref<10000x144xf32, #tpu.memory_space<vmem_shared>>
      tpu.wait_indirect_dma semaphore(%arg23 : memref<!tpu.dma_semaphore, #tpu.memory_space<semaphore_mem>>) src(%arg11 : memref<128x144xf32, #tpu.memory_space<vmem>>) dst(%dma_wait3A_270 : memref<10000x144xf32, #tpu.memory_space<vmem_shared>>)
      %dma_start3A_271 = arith.constant 0 : i32
      %dma_start3A_272 = arith.constant 0 : i32
      %dma_start3A_273 = tpu.memref_slice %arg2[%dma_start3A_271, %dma_start3A_272] : memref<10000x144xf32, #tpu.memory_space<hbm>> -> memref<10000x144xf32, #tpu.memory_space<hbm>>
      tpu.enqueue_indirect_dma source(%dma_start3A_273 : memref<10000x144xf32, #tpu.memory_space<hbm>>) target(%arg11 : memref<128x144xf32, #tpu.memory_space<vmem>>) offsets(%arg7 : memref<128xi32, #tpu.memory_space<vmem>>) semaphore(%arg17 : memref<!tpu.dma_semaphore, #tpu.memory_space<semaphore_mem>>)
      %dma_wait3A_274 = tpu.memref_slice %arg4[%add3A_236] : memref<320000xi32, #tpu.memory_space<hbm>> -> memref<128xi32, #tpu.memory_space<hbm>>
      %dma_wait3A_275 = tpu.memref_slice %arg4[%add3A_236] : memref<320000xi32, #tpu.memory_space<hbm>> -> memref<128xi32, #tpu.memory_space<hbm>>
      tpu.wait_dma2 semaphore(%arg22 : memref<!tpu.dma_semaphore, #tpu.memory_space<semaphore_mem>>) src(%dma_wait3A_275 : memref<128xi32, #tpu.memory_space<hbm>>) dst(%arg10 : memref<128xi32, #tpu.memory_space<vmem>>)
      %dma_start3A_276 = arith.constant 0 : i32
      %dma_start3A_277 = arith.constant 0 : i32
      %dma_start3A_278 = tpu.memref_slice %arg16[%dma_start3A_276, %dma_start3A_277] : memref<10000x144xf32, #tpu.memory_space<vmem_shared>> -> memref<10000x144xf32, #tpu.memory_space<vmem_shared>>
      tpu.enqueue_indirect_dma source(%arg12 : memref<128x144xf32, #tpu.memory_space<vmem>>) target(%dma_start3A_278 : memref<10000x144xf32, #tpu.memory_space<vmem_shared>>) offsets(%arg10 : memref<128xi32, #tpu.memory_space<vmem>>) semaphore(%arg24 : memref<!tpu.dma_semaphore, #tpu.memory_space<semaphore_mem>>) {add = true}
      %add3A_279 = arith.constant 1152 : i32
      %add3A_280 = arith.addi %add3A_96, %add3A_279 : i32
      %dma_start3A_281 = tpu.memref_slice %arg3[%add3A_280] : memref<320000xi32, #tpu.memory_space<hbm>> -> memref<128xi32, #tpu.memory_space<hbm>>
      %dma_start3A_282 = tpu.memref_slice %arg3[%add3A_280] : memref<320000xi32, #tpu.memory_space<hbm>> -> memref<128xi32, #tpu.memory_space<hbm>>
      tpu.enqueue_dma source(%dma_start3A_282 : memref<128xi32, #tpu.memory_space<hbm>>) target(%arg9 : memref<128xi32, #tpu.memory_space<vmem>>) target_semaphore(%arg20 : memref<!tpu.dma_semaphore, #tpu.memory_space<semaphore_mem>>)
      %dma_start3A_283 = tpu.memref_slice %arg4[%add3A_280] : memref<320000xi32, #tpu.memory_space<hbm>> -> memref<128xi32, #tpu.memory_space<hbm>>
      %dma_start3A_284 = tpu.memref_slice %arg4[%add3A_280] : memref<320000xi32, #tpu.memory_space<hbm>> -> memref<128xi32, #tpu.memory_space<hbm>>
      tpu.enqueue_dma source(%dma_start3A_284 : memref<128xi32, #tpu.memory_space<hbm>>) target(%arg10 : memref<128xi32, #tpu.memory_space<vmem>>) target_semaphore(%arg22 : memref<!tpu.dma_semaphore, #tpu.memory_space<semaphore_mem>>)
      %dma_wait3A_285 = arith.constant 0 : i32
      %dma_wait3A_286 = arith.constant 0 : i32
      %dma_wait3A_287 = tpu.memref_slice %arg2[%dma_wait3A_285, %dma_wait3A_286] : memref<10000x144xf32, #tpu.memory_space<hbm>> -> memref<10000x144xf32, #tpu.memory_space<hbm>>
      tpu.wait_indirect_dma semaphore(%arg17 : memref<!tpu.dma_semaphore, #tpu.memory_space<semaphore_mem>>) src(%dma_wait3A_287 : memref<10000x144xf32, #tpu.memory_space<hbm>>) dst(%arg11 : memref<128x144xf32, #tpu.memory_space<vmem>>)
      %dma_wait3A_288 = tpu.memref_slice %arg3[%add3A_280] : memref<320000xi32, #tpu.memory_space<hbm>> -> memref<128xi32, #tpu.memory_space<hbm>>
      %dma_wait3A_289 = tpu.memref_slice %arg3[%add3A_280] : memref<320000xi32, #tpu.memory_space<hbm>> -> memref<128xi32, #tpu.memory_space<hbm>>
      tpu.wait_dma2 semaphore(%arg20 : memref<!tpu.dma_semaphore, #tpu.memory_space<semaphore_mem>>) src(%dma_wait3A_289 : memref<128xi32, #tpu.memory_space<hbm>>) dst(%arg9 : memref<128xi32, #tpu.memory_space<vmem>>)
      %dma_wait3A_290 = arith.constant 0 : i32
      %dma_wait3A_291 = arith.constant 0 : i32
      %dma_wait3A_292 = tpu.memref_slice %arg16[%dma_wait3A_290, %dma_wait3A_291] : memref<10000x144xf32, #tpu.memory_space<vmem_shared>> -> memref<10000x144xf32, #tpu.memory_space<vmem_shared>>
      tpu.wait_indirect_dma semaphore(%arg24 : memref<!tpu.dma_semaphore, #tpu.memory_space<semaphore_mem>>) src(%arg12 : memref<128x144xf32, #tpu.memory_space<vmem>>) dst(%dma_wait3A_292 : memref<10000x144xf32, #tpu.memory_space<vmem_shared>>)
      %dma_start3A_293 = arith.constant 0 : i32
      %dma_start3A_294 = arith.constant 0 : i32
      %dma_start3A_295 = tpu.memref_slice %arg2[%dma_start3A_293, %dma_start3A_294] : memref<10000x144xf32, #tpu.memory_space<hbm>> -> memref<10000x144xf32, #tpu.memory_space<hbm>>
      tpu.enqueue_indirect_dma source(%dma_start3A_295 : memref<10000x144xf32, #tpu.memory_space<hbm>>) target(%arg12 : memref<128x144xf32, #tpu.memory_space<vmem>>) offsets(%arg9 : memref<128xi32, #tpu.memory_space<vmem>>) semaphore(%arg18 : memref<!tpu.dma_semaphore, #tpu.memory_space<semaphore_mem>>)
      %dma_wait3A_296 = tpu.memref_slice %arg4[%add3A_258] : memref<320000xi32, #tpu.memory_space<hbm>> -> memref<128xi32, #tpu.memory_space<hbm>>
      %dma_wait3A_297 = tpu.memref_slice %arg4[%add3A_258] : memref<320000xi32, #tpu.memory_space<hbm>> -> memref<128xi32, #tpu.memory_space<hbm>>
      tpu.wait_dma2 semaphore(%arg21 : memref<!tpu.dma_semaphore, #tpu.memory_space<semaphore_mem>>) src(%dma_wait3A_297 : memref<128xi32, #tpu.memory_space<hbm>>) dst(%arg8 : memref<128xi32, #tpu.memory_space<vmem>>)
      %dma_start3A_298 = arith.constant 0 : i32
      %dma_start3A_299 = arith.constant 0 : i32
      %dma_start3A_300 = tpu.memref_slice %arg16[%dma_start3A_298, %dma_start3A_299] : memref<10000x144xf32, #tpu.memory_space<vmem_shared>> -> memref<10000x144xf32, #tpu.memory_space<vmem_shared>>
      tpu.enqueue_indirect_dma source(%arg11 : memref<128x144xf32, #tpu.memory_space<vmem>>) target(%dma_start3A_300 : memref<10000x144xf32, #tpu.memory_space<vmem_shared>>) offsets(%arg8 : memref<128xi32, #tpu.memory_space<vmem>>) semaphore(%arg23 : memref<!tpu.dma_semaphore, #tpu.memory_space<semaphore_mem>>) {add = true}
      %add3A_301 = arith.constant 1280 : i32
      %add3A_302 = arith.addi %add3A_96, %add3A_301 : i32
      %dma_start3A_303 = tpu.memref_slice %arg3[%add3A_302] : memref<320000xi32, #tpu.memory_space<hbm>> -> memref<128xi32, #tpu.memory_space<hbm>>
      %dma_start3A_304 = tpu.memref_slice %arg3[%add3A_302] : memref<320000xi32, #tpu.memory_space<hbm>> -> memref<128xi32, #tpu.memory_space<hbm>>
      tpu.enqueue_dma source(%dma_start3A_304 : memref<128xi32, #tpu.memory_space<hbm>>) target(%arg7 : memref<128xi32, #tpu.memory_space<vmem>>) target_semaphore(%arg19 : memref<!tpu.dma_semaphore, #tpu.memory_space<semaphore_mem>>)
      %dma_start3A_305 = tpu.memref_slice %arg4[%add3A_302] : memref<320000xi32, #tpu.memory_space<hbm>> -> memref<128xi32, #tpu.memory_space<hbm>>
      %dma_start3A_306 = tpu.memref_slice %arg4[%add3A_302] : memref<320000xi32, #tpu.memory_space<hbm>> -> memref<128xi32, #tpu.memory_space<hbm>>
      tpu.enqueue_dma source(%dma_start3A_306 : memref<128xi32, #tpu.memory_space<hbm>>) target(%arg8 : memref<128xi32, #tpu.memory_space<vmem>>) target_semaphore(%arg21 : memref<!tpu.dma_semaphore, #tpu.memory_space<semaphore_mem>>)
      %dma_wait3A_307 = arith.constant 0 : i32
      %dma_wait3A_308 = arith.constant 0 : i32
      %dma_wait3A_309 = tpu.memref_slice %arg2[%dma_wait3A_307, %dma_wait3A_308] : memref<10000x144xf32, #tpu.memory_space<hbm>> -> memref<10000x144xf32, #tpu.memory_space<hbm>>
      tpu.wait_indirect_dma semaphore(%arg18 : memref<!tpu.dma_semaphore, #tpu.memory_space<semaphore_mem>>) src(%dma_wait3A_309 : memref<10000x144xf32, #tpu.memory_space<hbm>>) dst(%arg12 : memref<128x144xf32, #tpu.memory_space<vmem>>)
      %dma_wait3A_310 = tpu.memref_slice %arg3[%add3A_302] : memref<320000xi32, #tpu.memory_space<hbm>> -> memref<128xi32, #tpu.memory_space<hbm>>
      %dma_wait3A_311 = tpu.memref_slice %arg3[%add3A_302] : memref<320000xi32, #tpu.memory_space<hbm>> -> memref<128xi32, #tpu.memory_space<hbm>>
      tpu.wait_dma2 semaphore(%arg19 : memref<!tpu.dma_semaphore, #tpu.memory_space<semaphore_mem>>) src(%dma_wait3A_311 : memref<128xi32, #tpu.memory_space<hbm>>) dst(%arg7 : memref<128xi32, #tpu.memory_space<vmem>>)
      %dma_wait3A_312 = arith.constant 0 : i32
      %dma_wait3A_313 = arith.constant 0 : i32
      %dma_wait3A_314 = tpu.memref_slice %arg16[%dma_wait3A_312, %dma_wait3A_313] : memref<10000x144xf32, #tpu.memory_space<vmem_shared>> -> memref<10000x144xf32, #tpu.memory_space<vmem_shared>>
      tpu.wait_indirect_dma semaphore(%arg23 : memref<!tpu.dma_semaphore, #tpu.memory_space<semaphore_mem>>) src(%arg11 : memref<128x144xf32, #tpu.memory_space<vmem>>) dst(%dma_wait3A_314 : memref<10000x144xf32, #tpu.memory_space<vmem_shared>>)
      %dma_start3A_315 = arith.constant 0 : i32
      %dma_start3A_316 = arith.constant 0 : i32
      %dma_start3A_317 = tpu.memref_slice %arg2[%dma_start3A_315, %dma_start3A_316] : memref<10000x144xf32, #tpu.memory_space<hbm>> -> memref<10000x144xf32, #tpu.memory_space<hbm>>
      tpu.enqueue_indirect_dma source(%dma_start3A_317 : memref<10000x144xf32, #tpu.memory_space<hbm>>) target(%arg11 : memref<128x144xf32, #tpu.memory_space<vmem>>) offsets(%arg7 : memref<128xi32, #tpu.memory_space<vmem>>) semaphore(%arg17 : memref<!tpu.dma_semaphore, #tpu.memory_space<semaphore_mem>>)
      %dma_wait3A_318 = tpu.memref_slice %arg4[%add3A_280] : memref<320000xi32, #tpu.memory_space<hbm>> -> memref<128xi32, #tpu.memory_space<hbm>>
      %dma_wait3A_319 = tpu.memref_slice %arg4[%add3A_280] : memref<320000xi32, #tpu.memory_space<hbm>> -> memref<128xi32, #tpu.memory_space<hbm>>
      tpu.wait_dma2 semaphore(%arg22 : memref<!tpu.dma_semaphore, #tpu.memory_space<semaphore_mem>>) src(%dma_wait3A_319 : memref<128xi32, #tpu.memory_space<hbm>>) dst(%arg10 : memref<128xi32, #tpu.memory_space<vmem>>)
      %dma_start3A_320 = arith.constant 0 : i32
      %dma_start3A_321 = arith.constant 0 : i32
      %dma_start3A_322 = tpu.memref_slice %arg16[%dma_start3A_320, %dma_start3A_321] : memref<10000x144xf32, #tpu.memory_space<vmem_shared>> -> memref<10000x144xf32, #tpu.memory_space<vmem_shared>>
      tpu.enqueue_indirect_dma source(%arg12 : memref<128x144xf32, #tpu.memory_space<vmem>>) target(%dma_start3A_322 : memref<10000x144xf32, #tpu.memory_space<vmem_shared>>) offsets(%arg10 : memref<128xi32, #tpu.memory_space<vmem>>) semaphore(%arg24 : memref<!tpu.dma_semaphore, #tpu.memory_space<semaphore_mem>>) {add = true}
      %add3A_323 = arith.constant 1408 : i32
      %add3A_324 = arith.addi %add3A_96, %add3A_323 : i32
      %dma_start3A_325 = tpu.memref_slice %arg3[%add3A_324] : memref<320000xi32, #tpu.memory_space<hbm>> -> memref<128xi32, #tpu.memory_space<hbm>>
      %dma_start3A_326 = tpu.memref_slice %arg3[%add3A_324] : memref<320000xi32, #tpu.memory_space<hbm>> -> memref<128xi32, #tpu.memory_space<hbm>>
      tpu.enqueue_dma source(%dma_start3A_326 : memref<128xi32, #tpu.memory_space<hbm>>) target(%arg9 : memref<128xi32, #tpu.memory_space<vmem>>) target_semaphore(%arg20 : memref<!tpu.dma_semaphore, #tpu.memory_space<semaphore_mem>>)
      %dma_start3A_327 = tpu.memref_slice %arg4[%add3A_324] : memref<320000xi32, #tpu.memory_space<hbm>> -> memref<128xi32, #tpu.memory_space<hbm>>
      %dma_start3A_328 = tpu.memref_slice %arg4[%add3A_324] : memref<320000xi32, #tpu.memory_space<hbm>> -> memref<128xi32, #tpu.memory_space<hbm>>
      tpu.enqueue_dma source(%dma_start3A_328 : memref<128xi32, #tpu.memory_space<hbm>>) target(%arg10 : memref<128xi32, #tpu.memory_space<vmem>>) target_semaphore(%arg22 : memref<!tpu.dma_semaphore, #tpu.memory_space<semaphore_mem>>)
      %dma_wait3A_329 = arith.constant 0 : i32
      %dma_wait3A_330 = arith.constant 0 : i32
      %dma_wait3A_331 = tpu.memref_slice %arg2[%dma_wait3A_329, %dma_wait3A_330] : memref<10000x144xf32, #tpu.memory_space<hbm>> -> memref<10000x144xf32, #tpu.memory_space<hbm>>
      tpu.wait_indirect_dma semaphore(%arg17 : memref<!tpu.dma_semaphore, #tpu.memory_space<semaphore_mem>>) src(%dma_wait3A_331 : memref<10000x144xf32, #tpu.memory_space<hbm>>) dst(%arg11 : memref<128x144xf32, #tpu.memory_space<vmem>>)
      %dma_wait3A_332 = tpu.memref_slice %arg3[%add3A_324] : memref<320000xi32, #tpu.memory_space<hbm>> -> memref<128xi32, #tpu.memory_space<hbm>>
      %dma_wait3A_333 = tpu.memref_slice %arg3[%add3A_324] : memref<320000xi32, #tpu.memory_space<hbm>> -> memref<128xi32, #tpu.memory_space<hbm>>
      tpu.wait_dma2 semaphore(%arg20 : memref<!tpu.dma_semaphore, #tpu.memory_space<semaphore_mem>>) src(%dma_wait3A_333 : memref<128xi32, #tpu.memory_space<hbm>>) dst(%arg9 : memref<128xi32, #tpu.memory_space<vmem>>)
      %dma_wait3A_334 = arith.constant 0 : i32
      %dma_wait3A_335 = arith.constant 0 : i32
      %dma_wait3A_336 = tpu.memref_slice %arg16[%dma_wait3A_334, %dma_wait3A_335] : memref<10000x144xf32, #tpu.memory_space<vmem_shared>> -> memref<10000x144xf32, #tpu.memory_space<vmem_shared>>
      tpu.wait_indirect_dma semaphore(%arg24 : memref<!tpu.dma_semaphore, #tpu.memory_space<semaphore_mem>>) src(%arg12 : memref<128x144xf32, #tpu.memory_space<vmem>>) dst(%dma_wait3A_336 : memref<10000x144xf32, #tpu.memory_space<vmem_shared>>)
      %dma_start3A_337 = arith.constant 0 : i32
      %dma_start3A_338 = arith.constant 0 : i32
      %dma_start3A_339 = tpu.memref_slice %arg2[%dma_start3A_337, %dma_start3A_338] : memref<10000x144xf32, #tpu.memory_space<hbm>> -> memref<10000x144xf32, #tpu.memory_space<hbm>>
      tpu.enqueue_indirect_dma source(%dma_start3A_339 : memref<10000x144xf32, #tpu.memory_space<hbm>>) target(%arg12 : memref<128x144xf32, #tpu.memory_space<vmem>>) offsets(%arg9 : memref<128xi32, #tpu.memory_space<vmem>>) semaphore(%arg18 : memref<!tpu.dma_semaphore, #tpu.memory_space<semaphore_mem>>)
      %dma_wait3A_340 = tpu.memref_slice %arg4[%add3A_302] : memref<320000xi32, #tpu.memory_space<hbm>> -> memref<128xi32, #tpu.memory_space<hbm>>
      %dma_wait3A_341 = tpu.memref_slice %arg4[%add3A_302] : memref<320000xi32, #tpu.memory_space<hbm>> -> memref<128xi32, #tpu.memory_space<hbm>>
      tpu.wait_dma2 semaphore(%arg21 : memref<!tpu.dma_semaphore, #tpu.memory_space<semaphore_mem>>) src(%dma_wait3A_341 : memref<128xi32, #tpu.memory_space<hbm>>) dst(%arg8 : memref<128xi32, #tpu.memory_space<vmem>>)
      %dma_start3A_342 = arith.constant 0 : i32
      %dma_start3A_343 = arith.constant 0 : i32
      %dma_start3A_344 = tpu.memref_slice %arg16[%dma_start3A_342, %dma_start3A_343] : memref<10000x144xf32, #tpu.memory_space<vmem_shared>> -> memref<10000x144xf32, #tpu.memory_space<vmem_shared>>
      tpu.enqueue_indirect_dma source(%arg11 : memref<128x144xf32, #tpu.memory_space<vmem>>) target(%dma_start3A_344 : memref<10000x144xf32, #tpu.memory_space<vmem_shared>>) offsets(%arg8 : memref<128xi32, #tpu.memory_space<vmem>>) semaphore(%arg23 : memref<!tpu.dma_semaphore, #tpu.memory_space<semaphore_mem>>) {add = true}
      %add3A_345 = arith.constant 1536 : i32
      %add3A_346 = arith.addi %add3A_96, %add3A_345 : i32
      %dma_start3A_347 = tpu.memref_slice %arg3[%add3A_346] : memref<320000xi32, #tpu.memory_space<hbm>> -> memref<128xi32, #tpu.memory_space<hbm>>
      %dma_start3A_348 = tpu.memref_slice %arg3[%add3A_346] : memref<320000xi32, #tpu.memory_space<hbm>> -> memref<128xi32, #tpu.memory_space<hbm>>
      tpu.enqueue_dma source(%dma_start3A_348 : memref<128xi32, #tpu.memory_space<hbm>>) target(%arg7 : memref<128xi32, #tpu.memory_space<vmem>>) target_semaphore(%arg19 : memref<!tpu.dma_semaphore, #tpu.memory_space<semaphore_mem>>)
      %dma_start3A_349 = tpu.memref_slice %arg4[%add3A_346] : memref<320000xi32, #tpu.memory_space<hbm>> -> memref<128xi32, #tpu.memory_space<hbm>>
      %dma_start3A_350 = tpu.memref_slice %arg4[%add3A_346] : memref<320000xi32, #tpu.memory_space<hbm>> -> memref<128xi32, #tpu.memory_space<hbm>>
      tpu.enqueue_dma source(%dma_start3A_350 : memref<128xi32, #tpu.memory_space<hbm>>) target(%arg8 : memref<128xi32, #tpu.memory_space<vmem>>) target_semaphore(%arg21 : memref<!tpu.dma_semaphore, #tpu.memory_space<semaphore_mem>>)
      %dma_wait3A_351 = arith.constant 0 : i32
      %dma_wait3A_352 = arith.constant 0 : i32
      %dma_wait3A_353 = tpu.memref_slice %arg2[%dma_wait3A_351, %dma_wait3A_352] : memref<10000x144xf32, #tpu.memory_space<hbm>> -> memref<10000x144xf32, #tpu.memory_space<hbm>>
      tpu.wait_indirect_dma semaphore(%arg18 : memref<!tpu.dma_semaphore, #tpu.memory_space<semaphore_mem>>) src(%dma_wait3A_353 : memref<10000x144xf32, #tpu.memory_space<hbm>>) dst(%arg12 : memref<128x144xf32, #tpu.memory_space<vmem>>)
      %dma_wait3A_354 = tpu.memref_slice %arg3[%add3A_346] : memref<320000xi32, #tpu.memory_space<hbm>> -> memref<128xi32, #tpu.memory_space<hbm>>
      %dma_wait3A_355 = tpu.memref_slice %arg3[%add3A_346] : memref<320000xi32, #tpu.memory_space<hbm>> -> memref<128xi32, #tpu.memory_space<hbm>>
      tpu.wait_dma2 semaphore(%arg19 : memref<!tpu.dma_semaphore, #tpu.memory_space<semaphore_mem>>) src(%dma_wait3A_355 : memref<128xi32, #tpu.memory_space<hbm>>) dst(%arg7 : memref<128xi32, #tpu.memory_space<vmem>>)
      %dma_wait3A_356 = arith.constant 0 : i32
      %dma_wait3A_357 = arith.constant 0 : i32
      %dma_wait3A_358 = tpu.memref_slice %arg16[%dma_wait3A_356, %dma_wait3A_357] : memref<10000x144xf32, #tpu.memory_space<vmem_shared>> -> memref<10000x144xf32, #tpu.memory_space<vmem_shared>>
      tpu.wait_indirect_dma semaphore(%arg23 : memref<!tpu.dma_semaphore, #tpu.memory_space<semaphore_mem>>) src(%arg11 : memref<128x144xf32, #tpu.memory_space<vmem>>) dst(%dma_wait3A_358 : memref<10000x144xf32, #tpu.memory_space<vmem_shared>>)
      %dma_start3A_359 = arith.constant 0 : i32
      %dma_start3A_360 = arith.constant 0 : i32
      %dma_start3A_361 = tpu.memref_slice %arg2[%dma_start3A_359, %dma_start3A_360] : memref<10000x144xf32, #tpu.memory_space<hbm>> -> memref<10000x144xf32, #tpu.memory_space<hbm>>
      tpu.enqueue_indirect_dma source(%dma_start3A_361 : memref<10000x144xf32, #tpu.memory_space<hbm>>) target(%arg11 : memref<128x144xf32, #tpu.memory_space<vmem>>) offsets(%arg7 : memref<128xi32, #tpu.memory_space<vmem>>) semaphore(%arg17 : memref<!tpu.dma_semaphore, #tpu.memory_space<semaphore_mem>>)
      %dma_wait3A_362 = tpu.memref_slice %arg4[%add3A_324] : memref<320000xi32, #tpu.memory_space<hbm>> -> memref<128xi32, #tpu.memory_space<hbm>>
      %dma_wait3A_363 = tpu.memref_slice %arg4[%add3A_324] : memref<320000xi32, #tpu.memory_space<hbm>> -> memref<128xi32, #tpu.memory_space<hbm>>
      tpu.wait_dma2 semaphore(%arg22 : memref<!tpu.dma_semaphore, #tpu.memory_space<semaphore_mem>>) src(%dma_wait3A_363 : memref<128xi32, #tpu.memory_space<hbm>>) dst(%arg10 : memref<128xi32, #tpu.memory_space<vmem>>)
      %dma_start3A_364 = arith.constant 0 : i32
      %dma_start3A_365 = arith.constant 0 : i32
      %dma_start3A_366 = tpu.memref_slice %arg16[%dma_start3A_364, %dma_start3A_365] : memref<10000x144xf32, #tpu.memory_space<vmem_shared>> -> memref<10000x144xf32, #tpu.memory_space<vmem_shared>>
      tpu.enqueue_indirect_dma source(%arg12 : memref<128x144xf32, #tpu.memory_space<vmem>>) target(%dma_start3A_366 : memref<10000x144xf32, #tpu.memory_space<vmem_shared>>) offsets(%arg10 : memref<128xi32, #tpu.memory_space<vmem>>) semaphore(%arg24 : memref<!tpu.dma_semaphore, #tpu.memory_space<semaphore_mem>>) {add = true}
      %dma_wait3A_367 = arith.constant 0 : i32
      %dma_wait3A_368 = arith.constant 0 : i32
      %dma_wait3A_369 = tpu.memref_slice %arg2[%dma_wait3A_367, %dma_wait3A_368] : memref<10000x144xf32, #tpu.memory_space<hbm>> -> memref<10000x144xf32, #tpu.memory_space<hbm>>
      tpu.wait_indirect_dma semaphore(%arg17 : memref<!tpu.dma_semaphore, #tpu.memory_space<semaphore_mem>>) src(%dma_wait3A_369 : memref<10000x144xf32, #tpu.memory_space<hbm>>) dst(%arg11 : memref<128x144xf32, #tpu.memory_space<vmem>>)
      %dma_wait3A_370 = tpu.memref_slice %arg4[%add3A_346] : memref<320000xi32, #tpu.memory_space<hbm>> -> memref<128xi32, #tpu.memory_space<hbm>>
      %dma_wait3A_371 = tpu.memref_slice %arg4[%add3A_346] : memref<320000xi32, #tpu.memory_space<hbm>> -> memref<128xi32, #tpu.memory_space<hbm>>
      tpu.wait_dma2 semaphore(%arg21 : memref<!tpu.dma_semaphore, #tpu.memory_space<semaphore_mem>>) src(%dma_wait3A_371 : memref<128xi32, #tpu.memory_space<hbm>>) dst(%arg8 : memref<128xi32, #tpu.memory_space<vmem>>)
      %dma_start3A_372 = arith.constant 0 : i32
      %dma_start3A_373 = arith.constant 0 : i32
      %dma_start3A_374 = tpu.memref_slice %arg16[%dma_start3A_372, %dma_start3A_373] : memref<10000x144xf32, #tpu.memory_space<vmem_shared>> -> memref<10000x144xf32, #tpu.memory_space<vmem_shared>>
      tpu.enqueue_indirect_dma source(%arg11 : memref<128x144xf32, #tpu.memory_space<vmem>>) target(%dma_start3A_374 : memref<10000x144xf32, #tpu.memory_space<vmem_shared>>) offsets(%arg8 : memref<128xi32, #tpu.memory_space<vmem>>) semaphore(%arg23 : memref<!tpu.dma_semaphore, #tpu.memory_space<semaphore_mem>>) {add = true}
      %dma_wait3A_375 = arith.constant 0 : i32
      %dma_wait3A_376 = arith.constant 0 : i32
      %dma_wait3A_377 = tpu.memref_slice %arg16[%dma_wait3A_375, %dma_wait3A_376] : memref<10000x144xf32, #tpu.memory_space<vmem_shared>> -> memref<10000x144xf32, #tpu.memory_space<vmem_shared>>
      tpu.wait_indirect_dma semaphore(%arg23 : memref<!tpu.dma_semaphore, #tpu.memory_space<semaphore_mem>>) src(%arg11 : memref<128x144xf32, #tpu.memory_space<vmem>>) dst(%dma_wait3A_377 : memref<10000x144xf32, #tpu.memory_space<vmem_shared>>)
      %dma_wait3A_378 = arith.constant 0 : i32
      %dma_wait3A_379 = arith.constant 0 : i32
      %dma_wait3A_380 = tpu.memref_slice %arg16[%dma_wait3A_378, %dma_wait3A_379] : memref<10000x144xf32, #tpu.memory_space<vmem_shared>> -> memref<10000x144xf32, #tpu.memory_space<vmem_shared>>
      tpu.wait_indirect_dma semaphore(%arg24 : memref<!tpu.dma_semaphore, #tpu.memory_space<semaphore_mem>>) src(%arg12 : memref<128x144xf32, #tpu.memory_space<vmem>>) dst(%dma_wait3A_380 : memref<10000x144xf32, #tpu.memory_space<vmem_shared>>)
    }
    %scan3A_43 = arith.constant 6 : i32
    %add3A_44 = arith.constant 9984 : i32
    %add3A_45 = arith.addi %mul3A_38, %add3A_44 : i32
    "tpu.region"() ({
      %run_scoped3A = tpu.sem_alloc : memref<!tpu.dma_semaphore, #tpu.memory_space<semaphore_mem>>
      %dma_start3A_91 = tpu.memref_slice %arg3[%add3A_45] : memref<320000xi32, #tpu.memory_space<hbm>> -> memref<16xi32, #tpu.memory_space<hbm>>
      %dma_start3A_92 = tpu.memref_slice %arg3[%add3A_45] : memref<320000xi32, #tpu.memory_space<hbm>> -> memref<16xi32, #tpu.memory_space<hbm>>
      tpu.enqueue_dma source(%dma_start3A_92 : memref<16xi32, #tpu.memory_space<hbm>>) target(%arg13 : memref<16xi32, #tpu.memory_space<vmem>>) target_semaphore(%run_scoped3A : memref<!tpu.dma_semaphore, #tpu.memory_space<semaphore_mem>>)
      %dma_wait3A_93 = tpu.memref_slice %arg3[%add3A_45] : memref<320000xi32, #tpu.memory_space<hbm>> -> memref<16xi32, #tpu.memory_space<hbm>>
      %dma_wait3A_94 = tpu.memref_slice %arg3[%add3A_45] : memref<320000xi32, #tpu.memory_space<hbm>> -> memref<16xi32, #tpu.memory_space<hbm>>
      tpu.wait_dma2 semaphore(%run_scoped3A : memref<!tpu.dma_semaphore, #tpu.memory_space<semaphore_mem>>) src(%dma_wait3A_94 : memref<16xi32, #tpu.memory_space<hbm>>) dst(%arg13 : memref<16xi32, #tpu.memory_space<vmem>>)
      tpu.yield
    }) : () -> ()
    "tpu.region"() ({
      %run_scoped3A = tpu.sem_alloc : memref<!tpu.dma_semaphore, #tpu.memory_space<semaphore_mem>>
      %dma_start3A_91 = tpu.memref_slice %arg4[%add3A_45] : memref<320000xi32, #tpu.memory_space<hbm>> -> memref<16xi32, #tpu.memory_space<hbm>>
      %dma_start3A_92 = tpu.memref_slice %arg4[%add3A_45] : memref<320000xi32, #tpu.memory_space<hbm>> -> memref<16xi32, #tpu.memory_space<hbm>>
      tpu.enqueue_dma source(%dma_start3A_92 : memref<16xi32, #tpu.memory_space<hbm>>) target(%arg14 : memref<16xi32, #tpu.memory_space<vmem>>) target_semaphore(%run_scoped3A : memref<!tpu.dma_semaphore, #tpu.memory_space<semaphore_mem>>)
      %dma_wait3A_93 = tpu.memref_slice %arg4[%add3A_45] : memref<320000xi32, #tpu.memory_space<hbm>> -> memref<16xi32, #tpu.memory_space<hbm>>
      %dma_wait3A_94 = tpu.memref_slice %arg4[%add3A_45] : memref<320000xi32, #tpu.memory_space<hbm>> -> memref<16xi32, #tpu.memory_space<hbm>>
      tpu.wait_dma2 semaphore(%run_scoped3A : memref<!tpu.dma_semaphore, #tpu.memory_space<semaphore_mem>>) src(%dma_wait3A_94 : memref<16xi32, #tpu.memory_space<hbm>>) dst(%arg14 : memref<16xi32, #tpu.memory_space<vmem>>)
      tpu.yield
    }) : () -> ()
    %dma_start3A = arith.constant 0 : i32
    %dma_start3A_46 = arith.constant 0 : i32
    %dma_start3A_47 = tpu.memref_slice %arg2[%dma_start3A, %dma_start3A_46] : memref<10000x144xf32, #tpu.memory_space<hbm>> -> memref<10000x144xf32, #tpu.memory_space<hbm>>
    tpu.enqueue_indirect_dma source(%dma_start3A_47 : memref<10000x144xf32, #tpu.memory_space<hbm>>) target(%arg15 : memref<16x144xf32, #tpu.memory_space<vmem>>) offsets(%arg13 : memref<16xi32, #tpu.memory_space<vmem>>) semaphore(%arg17 : memref<!tpu.dma_semaphore, #tpu.memory_space<semaphore_mem>>)
    %dma_wait3A = arith.constant 0 : i32
    %dma_wait3A_48 = arith.constant 0 : i32
    %dma_wait3A_49 = tpu.memref_slice %arg2[%dma_wait3A, %dma_wait3A_48] : memref<10000x144xf32, #tpu.memory_space<hbm>> -> memref<10000x144xf32, #tpu.memory_space<hbm>>
    tpu.wait_indirect_dma semaphore(%arg17 : memref<!tpu.dma_semaphore, #tpu.memory_space<semaphore_mem>>) src(%dma_wait3A_49 : memref<10000x144xf32, #tpu.memory_space<hbm>>) dst(%arg15 : memref<16x144xf32, #tpu.memory_space<vmem>>)
    "tpu.region"() ({
      %run_scoped3A = tpu.sem_alloc : memref<!tpu.dma_semaphore, #tpu.memory_space<semaphore_mem>>
      %dma_start3A_91 = arith.constant 0 : i32
      %dma_start3A_92 = arith.constant 0 : i32
      %dma_start3A_93 = tpu.memref_slice %arg16[%dma_start3A_91, %dma_start3A_92] : memref<10000x144xf32, #tpu.memory_space<vmem_shared>> -> memref<10000x144xf32, #tpu.memory_space<vmem_shared>>
      tpu.enqueue_indirect_dma source(%arg15 : memref<16x144xf32, #tpu.memory_space<vmem>>) target(%dma_start3A_93 : memref<10000x144xf32, #tpu.memory_space<vmem_shared>>) offsets(%arg14 : memref<16xi32, #tpu.memory_space<vmem>>) semaphore(%run_scoped3A : memref<!tpu.dma_semaphore, #tpu.memory_space<semaphore_mem>>) {add = true}
      %dma_wait3A_94 = arith.constant 0 : i32
      %dma_wait3A_95 = arith.constant 0 : i32
      %dma_wait3A_96 = tpu.memref_slice %arg16[%dma_wait3A_94, %dma_wait3A_95] : memref<10000x144xf32, #tpu.memory_space<vmem_shared>> -> memref<10000x144xf32, #tpu.memory_space<vmem_shared>>
      tpu.wait_indirect_dma semaphore(%run_scoped3A : memref<!tpu.dma_semaphore, #tpu.memory_space<semaphore_mem>>) src(%arg15 : memref<16x144xf32, #tpu.memory_space<vmem>>) dst(%dma_wait3A_96 : memref<10000x144xf32, #tpu.memory_space<vmem_shared>>)
      tpu.yield
    }) : () -> ()
    %barrier3A_50 = arith.constant 0 : index
    tpu.barrier barrier_id(%barrier3A_50)
    %add3A_51 = arith.constant 0 : i32
    %add3A_52 = arith.addi %add3A_51, %arg1 : i32
    %lt3A_53 = arith.constant 78 : i32
    %lt3A_54 = arith.cmpi slt, %add3A_52, %lt3A_53 : i32
    %convert_element_type3A_55 = arith.extui %lt3A_54 : i1 to i32
    %cond3A_56 = arith.constant 0 : i32
    %cond3A_57 = arith.cmpi ne, %convert_element_type3A_55, %cond3A_56 : i32
    scf.if %cond3A_57 {
      %mul3A_91 = arith.constant 128 : i32
      %mul3A_92 = arith.muli %add3A_52, %mul3A_91 : i32
      %mul3A_93 = arith.constant 128 : i32
      %mul3A_94 = arith.muli %add3A_52, %mul3A_93 : i32
      "tpu.region"() ({
        %run_scoped3A = tpu.sem_alloc : memref<!tpu.dma_semaphore, #tpu.memory_space<semaphore_mem>>
        %dma_start3A_95 = arith.constant 0 : i32
        %dma_start3A_96 = tpu.memref_slice %arg6[%arg0, %mul3A_94, %dma_start3A_95] : memref<2x10000x144xf32, #tpu.memory_space<hbm>> -> memref<1x128x144xf32, #tpu.memory_space<hbm>>
        %dma_start3A_97 = tpu.memref_squeeze %dma_start3A_96 : memref<1x128x144xf32, #tpu.memory_space<hbm>> -> memref<128x144xf32, #tpu.memory_space<hbm>>
        %dma_start3A_98 = arith.constant 0 : i32
        %dma_start3A_99 = tpu.memref_slice %arg16[%mul3A_92, %dma_start3A_98] : memref<10000x144xf32, #tpu.memory_space<vmem_shared>> -> memref<128x144xf32, #tpu.memory_space<vmem_shared>>
        tpu.enqueue_dma source(%dma_start3A_99 : memref<128x144xf32, #tpu.memory_space<vmem_shared>>) target(%dma_start3A_97 : memref<128x144xf32, #tpu.memory_space<hbm>>) target_semaphore(%run_scoped3A : memref<!tpu.dma_semaphore, #tpu.memory_space<semaphore_mem>>)
        %dma_wait3A_100 = arith.constant 0 : i32
        %dma_wait3A_101 = tpu.memref_slice %arg6[%arg0, %mul3A_94, %dma_wait3A_100] : memref<2x10000x144xf32, #tpu.memory_space<hbm>> -> memref<1x128x144xf32, #tpu.memory_space<hbm>>
        %dma_wait3A_102 = tpu.memref_squeeze %dma_wait3A_101 : memref<1x128x144xf32, #tpu.memory_space<hbm>> -> memref<128x144xf32, #tpu.memory_space<hbm>>
        %dma_wait3A_103 = arith.constant 0 : i32
        %dma_wait3A_104 = tpu.memref_slice %arg16[%mul3A_92, %dma_wait3A_103] : memref<10000x144xf32, #tpu.memory_space<vmem_shared>> -> memref<128x144xf32, #tpu.memory_space<vmem_shared>>
        tpu.wait_dma2 semaphore(%run_scoped3A : memref<!tpu.dma_semaphore, #tpu.memory_space<semaphore_mem>>) src(%dma_wait3A_104 : memref<128x144xf32, #tpu.memory_space<vmem_shared>>) dst(%dma_wait3A_102 : memref<128x144xf32, #tpu.memory_space<hbm>>)
        tpu.yield
      }) : () -> ()
    } else {
    }
    %add3A_58 = arith.constant 16 : i32
    %add3A_59 = arith.addi %add3A_58, %arg1 : i32
    %lt3A_60 = arith.constant 78 : i32
    %lt3A_61 = arith.cmpi slt, %add3A_59, %lt3A_60 : i32
    %convert_element_type3A_62 = arith.extui %lt3A_61 : i1 to i32
    %cond3A_63 = arith.constant 0 : i32
    %cond3A_64 = arith.cmpi ne, %convert_element_type3A_62, %cond3A_63 : i32
    scf.if %cond3A_64 {
      %mul3A_91 = arith.constant 128 : i32
      %mul3A_92 = arith.muli %add3A_59, %mul3A_91 : i32
      %mul3A_93 = arith.constant 128 : i32
      %mul3A_94 = arith.muli %add3A_59, %mul3A_93 : i32
      "tpu.region"() ({
        %run_scoped3A = tpu.sem_alloc : memref<!tpu.dma_semaphore, #tpu.memory_space<semaphore_mem>>
        %dma_start3A_95 = arith.constant 0 : i32
        %dma_start3A_96 = tpu.memref_slice %arg6[%arg0, %mul3A_94, %dma_start3A_95] : memref<2x10000x144xf32, #tpu.memory_space<hbm>> -> memref<1x128x144xf32, #tpu.memory_space<hbm>>
        %dma_start3A_97 = tpu.memref_squeeze %dma_start3A_96 : memref<1x128x144xf32, #tpu.memory_space<hbm>> -> memref<128x144xf32, #tpu.memory_space<hbm>>
        %dma_start3A_98 = arith.constant 0 : i32
        %dma_start3A_99 = tpu.memref_slice %arg16[%mul3A_92, %dma_start3A_98] : memref<10000x144xf32, #tpu.memory_space<vmem_shared>> -> memref<128x144xf32, #tpu.memory_space<vmem_shared>>
        tpu.enqueue_dma source(%dma_start3A_99 : memref<128x144xf32, #tpu.memory_space<vmem_shared>>) target(%dma_start3A_97 : memref<128x144xf32, #tpu.memory_space<hbm>>) target_semaphore(%run_scoped3A : memref<!tpu.dma_semaphore, #tpu.memory_space<semaphore_mem>>)
        %dma_wait3A_100 = arith.constant 0 : i32
        %dma_wait3A_101 = tpu.memref_slice %arg6[%arg0, %mul3A_94, %dma_wait3A_100] : memref<2x10000x144xf32, #tpu.memory_space<hbm>> -> memref<1x128x144xf32, #tpu.memory_space<hbm>>
        %dma_wait3A_102 = tpu.memref_squeeze %dma_wait3A_101 : memref<1x128x144xf32, #tpu.memory_space<hbm>> -> memref<128x144xf32, #tpu.memory_space<hbm>>
        %dma_wait3A_103 = arith.constant 0 : i32
        %dma_wait3A_104 = tpu.memref_slice %arg16[%mul3A_92, %dma_wait3A_103] : memref<10000x144xf32, #tpu.memory_space<vmem_shared>> -> memref<128x144xf32, #tpu.memory_space<vmem_shared>>
        tpu.wait_dma2 semaphore(%run_scoped3A : memref<!tpu.dma_semaphore, #tpu.memory_space<semaphore_mem>>) src(%dma_wait3A_104 : memref<128x144xf32, #tpu.memory_space<vmem_shared>>) dst(%dma_wait3A_102 : memref<128x144xf32, #tpu.memory_space<hbm>>)
        tpu.yield
      }) : () -> ()
    } else {
    }
    %add3A_65 = arith.constant 32 : i32
    %add3A_66 = arith.addi %add3A_65, %arg1 : i32
    %lt3A_67 = arith.constant 78 : i32
    %lt3A_68 = arith.cmpi slt, %add3A_66, %lt3A_67 : i32
    %convert_element_type3A_69 = arith.extui %lt3A_68 : i1 to i32
    %cond3A_70 = arith.constant 0 : i32
    %cond3A_71 = arith.cmpi ne, %convert_element_type3A_69, %cond3A_70 : i32
    scf.if %cond3A_71 {
      %mul3A_91 = arith.constant 128 : i32
      %mul3A_92 = arith.muli %add3A_66, %mul3A_91 : i32
      %mul3A_93 = arith.constant 128 : i32
      %mul3A_94 = arith.muli %add3A_66, %mul3A_93 : i32
      "tpu.region"() ({
        %run_scoped3A = tpu.sem_alloc : memref<!tpu.dma_semaphore, #tpu.memory_space<semaphore_mem>>
        %dma_start3A_95 = arith.constant 0 : i32
        %dma_start3A_96 = tpu.memref_slice %arg6[%arg0, %mul3A_94, %dma_start3A_95] : memref<2x10000x144xf32, #tpu.memory_space<hbm>> -> memref<1x128x144xf32, #tpu.memory_space<hbm>>
        %dma_start3A_97 = tpu.memref_squeeze %dma_start3A_96 : memref<1x128x144xf32, #tpu.memory_space<hbm>> -> memref<128x144xf32, #tpu.memory_space<hbm>>
        %dma_start3A_98 = arith.constant 0 : i32
        %dma_start3A_99 = tpu.memref_slice %arg16[%mul3A_92, %dma_start3A_98] : memref<10000x144xf32, #tpu.memory_space<vmem_shared>> -> memref<128x144xf32, #tpu.memory_space<vmem_shared>>
        tpu.enqueue_dma source(%dma_start3A_99 : memref<128x144xf32, #tpu.memory_space<vmem_shared>>) target(%dma_start3A_97 : memref<128x144xf32, #tpu.memory_space<hbm>>) target_semaphore(%run_scoped3A : memref<!tpu.dma_semaphore, #tpu.memory_space<semaphore_mem>>)
        %dma_wait3A_100 = arith.constant 0 : i32
        %dma_wait3A_101 = tpu.memref_slice %arg6[%arg0, %mul3A_94, %dma_wait3A_100] : memref<2x10000x144xf32, #tpu.memory_space<hbm>> -> memref<1x128x144xf32, #tpu.memory_space<hbm>>
        %dma_wait3A_102 = tpu.memref_squeeze %dma_wait3A_101 : memref<1x128x144xf32, #tpu.memory_space<hbm>> -> memref<128x144xf32, #tpu.memory_space<hbm>>
        %dma_wait3A_103 = arith.constant 0 : i32
        %dma_wait3A_104 = tpu.memref_slice %arg16[%mul3A_92, %dma_wait3A_103] : memref<10000x144xf32, #tpu.memory_space<vmem_shared>> -> memref<128x144xf32, #tpu.memory_space<vmem_shared>>
        tpu.wait_dma2 semaphore(%run_scoped3A : memref<!tpu.dma_semaphore, #tpu.memory_space<semaphore_mem>>) src(%dma_wait3A_104 : memref<128x144xf32, #tpu.memory_space<vmem_shared>>) dst(%dma_wait3A_102 : memref<128x144xf32, #tpu.memory_space<hbm>>)
        tpu.yield
      }) : () -> ()
    } else {
    }
    %add3A_72 = arith.constant 48 : i32
    %add3A_73 = arith.addi %add3A_72, %arg1 : i32
    %lt3A_74 = arith.constant 78 : i32
    %lt3A_75 = arith.cmpi slt, %add3A_73, %lt3A_74 : i32
    %convert_element_type3A_76 = arith.extui %lt3A_75 : i1 to i32
    %cond3A_77 = arith.constant 0 : i32
    %cond3A_78 = arith.cmpi ne, %convert_element_type3A_76, %cond3A_77 : i32
    scf.if %cond3A_78 {
      %mul3A_91 = arith.constant 128 : i32
      %mul3A_92 = arith.muli %add3A_73, %mul3A_91 : i32
      %mul3A_93 = arith.constant 128 : i32
      %mul3A_94 = arith.muli %add3A_73, %mul3A_93 : i32
      "tpu.region"() ({
        %run_scoped3A = tpu.sem_alloc : memref<!tpu.dma_semaphore, #tpu.memory_space<semaphore_mem>>
        %dma_start3A_95 = arith.constant 0 : i32
        %dma_start3A_96 = tpu.memref_slice %arg6[%arg0, %mul3A_94, %dma_start3A_95] : memref<2x10000x144xf32, #tpu.memory_space<hbm>> -> memref<1x128x144xf32, #tpu.memory_space<hbm>>
        %dma_start3A_97 = tpu.memref_squeeze %dma_start3A_96 : memref<1x128x144xf32, #tpu.memory_space<hbm>> -> memref<128x144xf32, #tpu.memory_space<hbm>>
        %dma_start3A_98 = arith.constant 0 : i32
        %dma_start3A_99 = tpu.memref_slice %arg16[%mul3A_92, %dma_start3A_98] : memref<10000x144xf32, #tpu.memory_space<vmem_shared>> -> memref<128x144xf32, #tpu.memory_space<vmem_shared>>
        tpu.enqueue_dma source(%dma_start3A_99 : memref<128x144xf32, #tpu.memory_space<vmem_shared>>) target(%dma_start3A_97 : memref<128x144xf32, #tpu.memory_space<hbm>>) target_semaphore(%run_scoped3A : memref<!tpu.dma_semaphore, #tpu.memory_space<semaphore_mem>>)
        %dma_wait3A_100 = arith.constant 0 : i32
        %dma_wait3A_101 = tpu.memref_slice %arg6[%arg0, %mul3A_94, %dma_wait3A_100] : memref<2x10000x144xf32, #tpu.memory_space<hbm>> -> memref<1x128x144xf32, #tpu.memory_space<hbm>>
        %dma_wait3A_102 = tpu.memref_squeeze %dma_wait3A_101 : memref<1x128x144xf32, #tpu.memory_space<hbm>> -> memref<128x144xf32, #tpu.memory_space<hbm>>
        %dma_wait3A_103 = arith.constant 0 : i32
        %dma_wait3A_104 = tpu.memref_slice %arg16[%mul3A_92, %dma_wait3A_103] : memref<10000x144xf32, #tpu.memory_space<vmem_shared>> -> memref<128x144xf32, #tpu.memory_space<vmem_shared>>
        tpu.wait_dma2 semaphore(%run_scoped3A : memref<!tpu.dma_semaphore, #tpu.memory_space<semaphore_mem>>) src(%dma_wait3A_104 : memref<128x144xf32, #tpu.memory_space<vmem_shared>>) dst(%dma_wait3A_102 : memref<128x144xf32, #tpu.memory_space<hbm>>)
        tpu.yield
      }) : () -> ()
    } else {
    }
    %add3A_79 = arith.constant 64 : i32
    %add3A_80 = arith.addi %add3A_79, %arg1 : i32
    %lt3A_81 = arith.constant 78 : i32
    %lt3A_82 = arith.cmpi slt, %add3A_80, %lt3A_81 : i32
    %convert_element_type3A_83 = arith.extui %lt3A_82 : i1 to i32
    %cond3A_84 = arith.constant 0 : i32
    %cond3A_85 = arith.cmpi ne, %convert_element_type3A_83, %cond3A_84 : i32
    scf.if %cond3A_85 {
      %mul3A_91 = arith.constant 128 : i32
      %mul3A_92 = arith.muli %add3A_80, %mul3A_91 : i32
      %mul3A_93 = arith.constant 128 : i32
      %mul3A_94 = arith.muli %add3A_80, %mul3A_93 : i32
      "tpu.region"() ({
        %run_scoped3A = tpu.sem_alloc : memref<!tpu.dma_semaphore, #tpu.memory_space<semaphore_mem>>
        %dma_start3A_95 = arith.constant 0 : i32
        %dma_start3A_96 = tpu.memref_slice %arg6[%arg0, %mul3A_94, %dma_start3A_95] : memref<2x10000x144xf32, #tpu.memory_space<hbm>> -> memref<1x128x144xf32, #tpu.memory_space<hbm>>
        %dma_start3A_97 = tpu.memref_squeeze %dma_start3A_96 : memref<1x128x144xf32, #tpu.memory_space<hbm>> -> memref<128x144xf32, #tpu.memory_space<hbm>>
        %dma_start3A_98 = arith.constant 0 : i32
        %dma_start3A_99 = tpu.memref_slice %arg16[%mul3A_92, %dma_start3A_98] : memref<10000x144xf32, #tpu.memory_space<vmem_shared>> -> memref<128x144xf32, #tpu.memory_space<vmem_shared>>
        tpu.enqueue_dma source(%dma_start3A_99 : memref<128x144xf32, #tpu.memory_space<vmem_shared>>) target(%dma_start3A_97 : memref<128x144xf32, #tpu.memory_space<hbm>>) target_semaphore(%run_scoped3A : memref<!tpu.dma_semaphore, #tpu.memory_space<semaphore_mem>>)
        %dma_wait3A_100 = arith.constant 0 : i32
        %dma_wait3A_101 = tpu.memref_slice %arg6[%arg0, %mul3A_94, %dma_wait3A_100] : memref<2x10000x144xf32, #tpu.memory_space<hbm>> -> memref<1x128x144xf32, #tpu.memory_space<hbm>>
        %dma_wait3A_102 = tpu.memref_squeeze %dma_wait3A_101 : memref<1x128x144xf32, #tpu.memory_space<hbm>> -> memref<128x144xf32, #tpu.memory_space<hbm>>
        %dma_wait3A_103 = arith.constant 0 : i32
        %dma_wait3A_104 = tpu.memref_slice %arg16[%mul3A_92, %dma_wait3A_103] : memref<10000x144xf32, #tpu.memory_space<vmem_shared>> -> memref<128x144xf32, #tpu.memory_space<vmem_shared>>
        tpu.wait_dma2 semaphore(%run_scoped3A : memref<!tpu.dma_semaphore, #tpu.memory_space<semaphore_mem>>) src(%dma_wait3A_104 : memref<128x144xf32, #tpu.memory_space<vmem_shared>>) dst(%dma_wait3A_102 : memref<128x144xf32, #tpu.memory_space<hbm>>)
        tpu.yield
      }) : () -> ()
    } else {
    }
    %eq3A_86 = arith.constant 0 : i32
    %eq3A_87 = arith.cmpi eq, %arg1, %eq3A_86 : i32
    %convert_element_type3A_88 = arith.extui %eq3A_87 : i1 to i32
    %cond3A_89 = arith.constant 0 : i32
    %cond3A_90 = arith.cmpi ne, %convert_element_type3A_88, %cond3A_89 : i32
    scf.if %cond3A_90 {
      "tpu.region"() ({
        %run_scoped3A = tpu.sem_alloc : memref<!tpu.dma_semaphore, #tpu.memory_space<semaphore_mem>>
        %dma_start3A_91 = arith.constant 9984 : i32
        %dma_start3A_92 = arith.constant 0 : i32
        %dma_start3A_93 = tpu.memref_slice %arg6[%arg0, %dma_start3A_91, %dma_start3A_92] : memref<2x10000x144xf32, #tpu.memory_space<hbm>> -> memref<1x16x144xf32, #tpu.memory_space<hbm>>
        %dma_start3A_94 = tpu.memref_squeeze %dma_start3A_93 : memref<1x16x144xf32, #tpu.memory_space<hbm>> -> memref<16x144xf32, #tpu.memory_space<hbm>>
        %dma_start3A_95 = arith.constant 9984 : i32
        %dma_start3A_96 = arith.constant 0 : i32
        %dma_start3A_97 = tpu.memref_slice %arg16[%dma_start3A_95, %dma_start3A_96] : memref<10000x144xf32, #tpu.memory_space<vmem_shared>> -> memref<16x144xf32, #tpu.memory_space<vmem_shared>>
        tpu.enqueue_dma source(%dma_start3A_97 : memref<16x144xf32, #tpu.memory_space<vmem_shared>>) target(%dma_start3A_94 : memref<16x144xf32, #tpu.memory_space<hbm>>) target_semaphore(%run_scoped3A : memref<!tpu.dma_semaphore, #tpu.memory_space<semaphore_mem>>)
        %dma_wait3A_98 = arith.constant 9984 : i32
        %dma_wait3A_99 = arith.constant 0 : i32
        %dma_wait3A_100 = tpu.memref_slice %arg6[%arg0, %dma_wait3A_98, %dma_wait3A_99] : memref<2x10000x144xf32, #tpu.memory_space<hbm>> -> memref<1x16x144xf32, #tpu.memory_space<hbm>>
        %dma_wait3A_101 = tpu.memref_squeeze %dma_wait3A_100 : memref<1x16x144xf32, #tpu.memory_space<hbm>> -> memref<16x144xf32, #tpu.memory_space<hbm>>
        %dma_wait3A_102 = arith.constant 9984 : i32
        %dma_wait3A_103 = arith.constant 0 : i32
        %dma_wait3A_104 = tpu.memref_slice %arg16[%dma_wait3A_102, %dma_wait3A_103] : memref<10000x144xf32, #tpu.memory_space<vmem_shared>> -> memref<16x144xf32, #tpu.memory_space<vmem_shared>>
        tpu.wait_dma2 semaphore(%run_scoped3A : memref<!tpu.dma_semaphore, #tpu.memory_space<semaphore_mem>>) src(%dma_wait3A_104 : memref<16x144xf32, #tpu.memory_space<vmem_shared>>) dst(%dma_wait3A_101 : memref<16x144xf32, #tpu.memory_space<hbm>>)
        tpu.yield
      }) : () -> ()
    } else {
    }
    return
  }
}

#map = affine_map<(d0, d1) -> (0, 0)>
#map1 = affine_map<(d0, d1) -> (0)>
module attributes {stable_mosaic.version = 14 : i64} {
  func.func @_edge_body(%arg0: i32, %arg1: i32, %arg2: memref<10000x2xf32, #tpu.memory_space<hbm>>, %arg3: memref<320000xi32, #tpu.memory_space<hbm>>, %arg4: memref<320000xi32, #tpu.memory_space<hbm>>, %arg5: memref<16xf32, #tpu.memory_space<hbm>>, %arg6: memref<320000xf32, #tpu.memory_space<hbm>>, %arg7: memref<10000x2xf32, #tpu.memory_space<vmem>>, %arg8: memref<10000xi32, #tpu.memory_space<vmem>>, %arg9: memref<10000xi32, #tpu.memory_space<vmem>>, %arg10: memref<10000xf32, #tpu.memory_space<vmem>>, %arg11: memref<16xf32, #tpu.memory_space<vmem>>) attributes {dimension_semantics = [#tpu.dimension_semantics<core_parallel>, #tpu.dimension_semantics<subcore_parallel>], iteration_bounds = array<i64: 2, 16>, scalar_prefetch = 0 : i64, scratch_operands = 5 : i64, tpu.core_type = #tpu.core_type<sc_vector_subcore>, window_params = [{transform_indices = #map}, {transform_indices = #map1}, {transform_indices = #map1}, {transform_indices = #map1}, {transform_indices = #map1}]} {
    %mul3A = arith.constant 16 : i32
    %mul3A_0 = arith.muli %arg0, %mul3A : i32
    %add3A = arith.addi %mul3A_0, %arg1 : i32
    %mul3A_1 = arith.constant 10000 : i32
    %mul3A_2 = arith.muli %add3A, %mul3A_1 : i32
    "tpu.region"() ({
      %run_scoped3A = tpu.sem_alloc : memref<!tpu.dma_semaphore, #tpu.memory_space<semaphore_mem>>
      tpu.enqueue_dma source(%arg2 : memref<10000x2xf32, #tpu.memory_space<hbm>>) target(%arg7 : memref<10000x2xf32, #tpu.memory_space<vmem>>) target_semaphore(%run_scoped3A : memref<!tpu.dma_semaphore, #tpu.memory_space<semaphore_mem>>)
      tpu.wait_dma2 semaphore(%run_scoped3A : memref<!tpu.dma_semaphore, #tpu.memory_space<semaphore_mem>>) src(%arg2 : memref<10000x2xf32, #tpu.memory_space<hbm>>) dst(%arg7 : memref<10000x2xf32, #tpu.memory_space<vmem>>)
      tpu.yield
    }) : () -> ()
    "tpu.region"() ({
      %run_scoped3A = tpu.sem_alloc : memref<!tpu.dma_semaphore, #tpu.memory_space<semaphore_mem>>
      %dma_start3A = tpu.memref_slice %arg3[%mul3A_2] : memref<320000xi32, #tpu.memory_space<hbm>> -> memref<10000xi32, #tpu.memory_space<hbm>>
      %dma_start3A_13 = tpu.memref_slice %arg3[%mul3A_2] : memref<320000xi32, #tpu.memory_space<hbm>> -> memref<10000xi32, #tpu.memory_space<hbm>>
      tpu.enqueue_dma source(%dma_start3A_13 : memref<10000xi32, #tpu.memory_space<hbm>>) target(%arg8 : memref<10000xi32, #tpu.memory_space<vmem>>) target_semaphore(%run_scoped3A : memref<!tpu.dma_semaphore, #tpu.memory_space<semaphore_mem>>)
      %dma_wait3A = tpu.memref_slice %arg3[%mul3A_2] : memref<320000xi32, #tpu.memory_space<hbm>> -> memref<10000xi32, #tpu.memory_space<hbm>>
      %dma_wait3A_14 = tpu.memref_slice %arg3[%mul3A_2] : memref<320000xi32, #tpu.memory_space<hbm>> -> memref<10000xi32, #tpu.memory_space<hbm>>
      tpu.wait_dma2 semaphore(%run_scoped3A : memref<!tpu.dma_semaphore, #tpu.memory_space<semaphore_mem>>) src(%dma_wait3A_14 : memref<10000xi32, #tpu.memory_space<hbm>>) dst(%arg8 : memref<10000xi32, #tpu.memory_space<vmem>>)
      tpu.yield
    }) : () -> ()
    "tpu.region"() ({
      %run_scoped3A = tpu.sem_alloc : memref<!tpu.dma_semaphore, #tpu.memory_space<semaphore_mem>>
      %dma_start3A = tpu.memref_slice %arg4[%mul3A_2] : memref<320000xi32, #tpu.memory_space<hbm>> -> memref<10000xi32, #tpu.memory_space<hbm>>
      %dma_start3A_13 = tpu.memref_slice %arg4[%mul3A_2] : memref<320000xi32, #tpu.memory_space<hbm>> -> memref<10000xi32, #tpu.memory_space<hbm>>
      tpu.enqueue_dma source(%dma_start3A_13 : memref<10000xi32, #tpu.memory_space<hbm>>) target(%arg9 : memref<10000xi32, #tpu.memory_space<vmem>>) target_semaphore(%run_scoped3A : memref<!tpu.dma_semaphore, #tpu.memory_space<semaphore_mem>>)
      %dma_wait3A = tpu.memref_slice %arg4[%mul3A_2] : memref<320000xi32, #tpu.memory_space<hbm>> -> memref<10000xi32, #tpu.memory_space<hbm>>
      %dma_wait3A_14 = tpu.memref_slice %arg4[%mul3A_2] : memref<320000xi32, #tpu.memory_space<hbm>> -> memref<10000xi32, #tpu.memory_space<hbm>>
      tpu.wait_dma2 semaphore(%run_scoped3A : memref<!tpu.dma_semaphore, #tpu.memory_space<semaphore_mem>>) src(%dma_wait3A_14 : memref<10000xi32, #tpu.memory_space<hbm>>) dst(%arg9 : memref<10000xi32, #tpu.memory_space<vmem>>)
      tpu.yield
    }) : () -> ()
    "tpu.region"() ({
      %run_scoped3A = tpu.sem_alloc : memref<!tpu.dma_semaphore, #tpu.memory_space<semaphore_mem>>
      tpu.enqueue_dma source(%arg5 : memref<16xf32, #tpu.memory_space<hbm>>) target(%arg11 : memref<16xf32, #tpu.memory_space<vmem>>) target_semaphore(%run_scoped3A : memref<!tpu.dma_semaphore, #tpu.memory_space<semaphore_mem>>)
      tpu.wait_dma2 semaphore(%run_scoped3A : memref<!tpu.dma_semaphore, #tpu.memory_space<semaphore_mem>>) src(%arg5 : memref<16xf32, #tpu.memory_space<hbm>>) dst(%arg11 : memref<16xf32, #tpu.memory_space<vmem>>)
      tpu.yield
    }) : () -> ()
    %get3A = arith.constant 0 : index
    %get3A_3 = tpu.vector_load %arg11[%get3A] {strides = array<i32>} : memref<16xf32, #tpu.memory_space<vmem>>, vector<16xf32>,
    %broadcast_in_dim3A = arith.constant 0 : i32
    %broadcast_in_dim3A_4 = vector.broadcast %broadcast_in_dim3A : i32 to vector<16xi32>
    %add3A_5 = arith.constant 1 : i32
    %add3A_6 = vector.broadcast %add3A_5 : i32 to vector<16xi32>
    %add3A_7 = arith.addi %broadcast_in_dim3A_4, %add3A_6 : vector<16xi32>
    %scan3A = arith.constant 0 : i32
    %scan3A_8 = arith.constant 0 : i32
    %scan3A_9 = arith.constant 625 : i32
    %scan3A_10 = arith.addi %scan3A_8, %scan3A_9 : i32
    %scan3A_11 = arith.constant 1 : i32
    scf.for %scan3A_13 = %scan3A_8 to %scan3A_10 step %scan3A_11  : i32 {
      %mul3A_14 = arith.constant 16 : i32
      %mul3A_15 = arith.muli %scan3A_13, %mul3A_14 : i32
      %get3A_16 = arith.index_cast %mul3A_15 : i32 to index
      %get3A_17 = tpu.vector_load %arg8[%get3A_16] {strides = array<i32>} : memref<10000xi32, #tpu.memory_space<vmem>>, vector<16xi32>,
      %mul3A_18 = arith.constant 16 : i32
      %mul3A_19 = arith.muli %scan3A_13, %mul3A_18 : i32
      %get3A_20 = arith.index_cast %mul3A_19 : i32 to index
      %get3A_21 = tpu.vector_load %arg9[%get3A_20] {strides = array<i32>} : memref<10000xi32, #tpu.memory_space<vmem>>, vector<16xi32>,
      %gather3A = tpu.vector_load_idx %arg7[%get3A_17, %broadcast_in_dim3A_4] : memref<10000x2xf32, #tpu.memory_space<vmem>>[vector<16xi32>, vector<16xi32>], vector<16xf32>,
      %gather3A_22 = tpu.vector_load_idx %arg7[%get3A_21, %add3A_7] : memref<10000x2xf32, #tpu.memory_space<vmem>>[vector<16xi32>, vector<16xi32>], vector<16xf32>,
      %add3A_23 = arith.addf %gather3A, %gather3A_22 : vector<16xf32>
      %add3A_24 = arith.addf %add3A_23, %get3A_3 : vector<16xf32>
      %mul3A_25 = arith.constant 16 : i32
      %mul3A_26 = arith.muli %scan3A_13, %mul3A_25 : i32
      %swap3A = arith.index_cast %mul3A_26 : i32 to index
      %swap3A_27 = tpu.vector_load %arg10[%swap3A] {strides = array<i32>} : memref<10000xf32, #tpu.memory_space<vmem>>, vector<16xf32>,
      tpu.vector_store %arg10[%swap3A], %add3A_24 {strides = array<i32>} : memref<10000xf32, #tpu.memory_space<vmem>>, vector<16xf32>,
    }
    %scan3A_12 = arith.constant 625 : i32
    "tpu.region"() ({
      %run_scoped3A = tpu.sem_alloc : memref<!tpu.dma_semaphore, #tpu.memory_space<semaphore_mem>>
      %dma_start3A = tpu.memref_slice %arg6[%mul3A_2] : memref<320000xf32, #tpu.memory_space<hbm>> -> memref<10000xf32, #tpu.memory_space<hbm>>
      %dma_start3A_13 = tpu.memref_slice %arg6[%mul3A_2] : memref<320000xf32, #tpu.memory_space<hbm>> -> memref<10000xf32, #tpu.memory_space<hbm>>
      tpu.enqueue_dma source(%arg10 : memref<10000xf32, #tpu.memory_space<vmem>>) target(%dma_start3A_13 : memref<10000xf32, #tpu.memory_space<hbm>>) target_semaphore(%run_scoped3A : memref<!tpu.dma_semaphore, #tpu.memory_space<semaphore_mem>>)
      %dma_wait3A = tpu.memref_slice %arg6[%mul3A_2] : memref<320000xf32, #tpu.memory_space<hbm>> -> memref<10000xf32, #tpu.memory_space<hbm>>
      %dma_wait3A_14 = tpu.memref_slice %arg6[%mul3A_2] : memref<320000xf32, #tpu.memory_space<hbm>> -> memref<10000xf32, #tpu.memory_space<hbm>>
      tpu.wait_dma2 semaphore(%run_scoped3A : memref<!tpu.dma_semaphore, #tpu.memory_space<semaphore_mem>>) src(%arg10 : memref<10000xf32, #tpu.memory_space<vmem>>) dst(%dma_wait3A_14 : memref<10000xf32, #tpu.memory_space<hbm>>)
      tpu.yield
    }) : () -> ()
    return
  }
}

module attributes {stable_mosaic.version = 14 : i64} {
  func.func @_haug_body(%arg0: i32, %arg1: memref<1000x128xf32, #tpu.memory_space<vmem>>, %arg2: memref<128x128xf32, #tpu.memory_space<vmem>>, %arg3: memref<128xf32, #tpu.memory_space<vmem>>, %arg4: memref<1000x144xf32, #tpu.memory_space<vmem>>) attributes {dimension_semantics = [#tpu.dimension_semantics<arbitrary>], iteration_bounds = array<i64: 10>, scalar_prefetch = 0 : i64, scratch_operands = 0 : i64, tpu.core_type = #tpu.core_type<tc>, window_params = [{transform_indices = @transform_0, window_bounds = array<i64: 1000, 128>}, {pipeline_mode = #tpu.pipeline_mode<synchronous>, transform_indices = @transform_1, window_bounds = array<i64: 128, 128>}, {pipeline_mode = #tpu.pipeline_mode<synchronous>, transform_indices = @transform_2, window_bounds = array<i64: 128>}, {transform_indices = @transform_3, window_bounds = array<i64: 1000, 144>}]} {
    %get3A = arith.constant 0 : index
    %get3A_0 = arith.constant 0 : index
    %get3A_1 = vector.load %arg1[%get3A, %get3A_0] : memref<1000x128xf32, #tpu.memory_space<vmem>>, vector<1000x128xf32>
    %get3A_2 = arith.constant 0 : index
    %get3A_3 = arith.constant 0 : index
    %get3A_4 = vector.load %arg2[%get3A_2, %get3A_3] : memref<128x128xf32, #tpu.memory_space<vmem>>, vector<128x128xf32>
    %dot_general3A = arith.constant dense<0.000000e+00> : vector<1000x128xf32>
    %dot_general3A_5 = tpu.matmul %get3A_1, %get3A_4, %dot_general3A {dimension_numbers = #tpu.dot_dimension_numbers<[1], [0], [0], [1], [0, 0, 1, 1], [], []>, transpose_lhs_hint = false} : vector<1000x128xf32>, vector<128x128xf32>, vector<1000x128xf32> -> vector<1000x128xf32>
    %get3A_6 = arith.constant 0 : index
    %get3A_7 = vector.load %arg3[%get3A_6] : memref<128xf32, #tpu.memory_space<vmem>>, vector<128xf32>
    %broadcast_in_dim3A = vector.shape_cast %get3A_7 : vector<128xf32> to vector<1x128xf32>
    %add3A = vector.broadcast %broadcast_in_dim3A : vector<1x128xf32> to vector<1000x128xf32>
    %add3A_8 = arith.addf %dot_general3A_5, %add3A : vector<1000x128xf32>
    %max3A = arith.constant 0.000000e+00 : f32
    %max3A_9 = vector.broadcast %max3A : f32 to vector<1000x128xf32>
    %max3A_10 = arith.maximumf %add3A_8, %max3A_9 : vector<1000x128xf32>
    %iota3A = tpu.iota {dimensions = array<i32: 1>} : vector<1000x16xi32>
    %eq3A = arith.constant 0 : i32
    %eq3A_11 = vector.broadcast %eq3A : i32 to vector<1000x16xi32>
    %eq3A_12 = arith.cmpi eq, %iota3A, %eq3A_11 : vector<1000x16xi32>
    %convert_element_type3A = arith.extui %eq3A_12 : vector<1000x16xi1> to vector<1000x16xi32>
    %convert_element_type3A_13 = arith.sitofp %convert_element_type3A : vector<1000x16xi32> to vector<1000x16xf32>
    %concatenate3A = tpu.concatenate %max3A_10, %convert_element_type3A_13 in 1 : vector<1000x128xf32>, vector<1000x16xf32> -> vector<1000x144xf32>
    %swap3A = arith.constant 0 : index
    %swap3A_14 = arith.constant 0 : index
    %swap3A_15 = vector.load %arg4[%swap3A, %swap3A_14] : memref<1000x144xf32, #tpu.memory_space<vmem>>, vector<1000x144xf32>
    tpu.vector_store %arg4[%swap3A, %swap3A_14], %concatenate3A {strides = array<i32>} : memref<1000x144xf32, #tpu.memory_space<vmem>>, vector<1000x144xf32>,
    return
  }
  func.func @transform_0(%arg0: i32) -> (i32, i32) {
    %c0_i32 = arith.constant 0 : i32
    %c0_i32_0 = arith.constant 0 : i32
    return %arg0, %c0_i32 : i32, i32
  }
  func.func @transform_1(%arg0: i32) -> (i32, i32) {
    %c0_i32 = arith.constant 0 : i32
    %c0_i32_0 = arith.constant 0 : i32
    %c0_i32_1 = arith.constant 0 : i32
    return %c0_i32, %c0_i32_0 : i32, i32
  }
  func.func @transform_2(%arg0: i32) -> i32 {
    %c0_i32 = arith.constant 0 : i32
    %c0_i32_0 = arith.constant 0 : i32
    return %c0_i32 : i32
  }
  func.func @transform_3(%arg0: i32) -> (i32, i32) {
    %c0_i32 = arith.constant 0 : i32
    %c0_i32_0 = arith.constant 0 : i32
    return %arg0, %c0_i32 : i32, i32
  }
}

module attributes {stable_mosaic.version = 14 : i64} {
  func.func @_post_body(%arg0: i32, %arg1: memref<2x1000x144xf32, #tpu.memory_space<vmem>>, %arg2: memref<2x128xf32, #tpu.memory_space<vmem>>, %arg3: memref<128x10xf32, #tpu.memory_space<vmem>>, %arg4: memref<1x10xf32, #tpu.memory_space<vmem>>, %arg5: memref<1000x2xf32, #tpu.memory_space<vmem>>, %arg6: memref<1x10xf32, #tpu.memory_space<vmem>>, %arg7: memref<1x128xf32, #tpu.memory_space<vmem>>) attributes {dimension_semantics = [#tpu.dimension_semantics<arbitrary>], iteration_bounds = array<i64: 10>, scalar_prefetch = 0 : i64, scratch_operands = 1 : i64, tpu.core_type = #tpu.core_type<tc>, window_params = [{transform_indices = @transform_0, window_bounds = array<i64: 2, 1000, 144>}, {pipeline_mode = #tpu.pipeline_mode<synchronous>, transform_indices = @transform_1, window_bounds = array<i64: 2, 128>}, {pipeline_mode = #tpu.pipeline_mode<synchronous>, transform_indices = @transform_2, window_bounds = array<i64: 128, 10>}, {pipeline_mode = #tpu.pipeline_mode<synchronous>, transform_indices = @transform_3, window_bounds = array<i64: 1, 10>}, {transform_indices = @transform_4, window_bounds = array<i64: 1000, 2>}, {pipeline_mode = #tpu.pipeline_mode<synchronous>, transform_indices = @transform_5, window_bounds = array<i64: 1, 10>}]} {
    %get3A = arith.constant 0 : index
    %get3A_0 = arith.constant 0 : index
    %get3A_1 = arith.constant 0 : index
    %get3A_2 = vector.load %arg1[%get3A, %get3A_0, %get3A_1] : memref<2x1000x144xf32, #tpu.memory_space<vmem>>, vector<1x1000x144xf32>
    %get3A_3 = vector.shape_cast %get3A_2 : vector<1x1000x144xf32> to vector<1000x144xf32>
    %get3A_4 = arith.constant 1 : index
    %get3A_5 = arith.constant 0 : index
    %get3A_6 = arith.constant 0 : index
    %get3A_7 = vector.load %arg1[%get3A_4, %get3A_5, %get3A_6] : memref<2x1000x144xf32, #tpu.memory_space<vmem>>, vector<1x1000x144xf32>
    %get3A_8 = vector.shape_cast %get3A_7 : vector<1x1000x144xf32> to vector<1000x144xf32>
    %add3A = arith.addf %get3A_3, %get3A_8 : vector<1000x144xf32>
    %slice3A = vector.extract_strided_slice %add3A {offsets = [0, 128], sizes = [1000, 1], strides = [1, 1]} : vector<1000x144xf32> to vector<1000x1xf32>
    %max3A = arith.constant 1.000000e+00 : f32
    %max3A_9 = vector.broadcast %max3A : f32 to vector<1000x1xf32>
    %max3A_10 = arith.maximumf %slice3A, %max3A_9 : vector<1000x1xf32>
    %slice3A_11 = vector.extract_strided_slice %add3A {offsets = [0, 0], sizes = [1000, 128], strides = [1, 1]} : vector<1000x144xf32> to vector<1000x128xf32>
    %div3A = vector.broadcast %max3A_10 : vector<1000x1xf32> to vector<1000x128xf32>
    %div3A_12 = arith.divf %slice3A_11, %div3A : vector<1000x128xf32>
    %get3A_13 = arith.constant 0 : index
    %get3A_14 = arith.constant 0 : index
    %get3A_15 = vector.load %arg2[%get3A_13, %get3A_14] : memref<2x128xf32, #tpu.memory_space<vmem>>, vector<1x128xf32>
    %mul3A = vector.broadcast %get3A_15 : vector<1x128xf32> to vector<1000x128xf32>
    %mul3A_16 = arith.mulf %div3A_12, %mul3A : vector<1000x128xf32>
    %reduce_sum3A = arith.constant dense<0.000000e+00> : vector<1000xf32>
    %reduce_sum3A_17 = vector.multi_reduction <add>, %mul3A_16, %reduce_sum3A [1] : vector<1000x128xf32> to vector<1000xf32>
    %broadcast_in_dim3A = vector.shape_cast %reduce_sum3A_17 : vector<1000xf32> to vector<1000x1xf32>
    %get3A_18 = arith.constant 1 : index
    %get3A_19 = arith.constant 0 : index
    %get3A_20 = vector.load %arg2[%get3A_18, %get3A_19] : memref<2x128xf32, #tpu.memory_space<vmem>>, vector<1x128xf32>
    %mul3A_21 = vector.broadcast %get3A_20 : vector<1x128xf32> to vector<1000x128xf32>
    %mul3A_22 = arith.mulf %div3A_12, %mul3A_21 : vector<1000x128xf32>
    %reduce_sum3A_23 = arith.constant dense<0.000000e+00> : vector<1000xf32>
    %reduce_sum3A_24 = vector.multi_reduction <add>, %mul3A_22, %reduce_sum3A_23 [1] : vector<1000x128xf32> to vector<1000xf32>
    %broadcast_in_dim3A_25 = vector.shape_cast %reduce_sum3A_24 : vector<1000xf32> to vector<1000x1xf32>
    %concatenate3A = tpu.concatenate %broadcast_in_dim3A, %broadcast_in_dim3A_25 in 1 : vector<1000x1xf32>, vector<1000x1xf32> -> vector<1000x2xf32>
    %swap3A = arith.constant 0 : index
    %swap3A_26 = arith.constant 0 : index
    %swap3A_27 = vector.load %arg5[%swap3A, %swap3A_26] : memref<1000x2xf32, #tpu.memory_space<vmem>>, vector<1000x2xf32>
    tpu.vector_store %arg5[%swap3A, %swap3A_26], %concatenate3A {strides = array<i32>} : memref<1000x2xf32, #tpu.memory_space<vmem>>, vector<1000x2xf32>,
    %eq3A = arith.constant 0 : i32
    %eq3A_28 = arith.cmpi eq, %arg0, %eq3A : i32
    %convert_element_type3A = arith.extui %eq3A_28 : i1 to i32
    %cond3A = arith.constant 0 : i32
    %cond3A_29 = arith.cmpi ne, %convert_element_type3A, %cond3A : i32
    scf.if %cond3A_29 {
      %broadcast_in_dim3A_45 = arith.constant 0.000000e+00 : f32
      %broadcast_in_dim3A_46 = vector.broadcast %broadcast_in_dim3A_45 : f32 to vector<1x128xf32>
      %swap3A_47 = arith.constant 0 : index
      %swap3A_48 = arith.constant 0 : index
      %swap3A_49 = vector.load %arg7[%swap3A_47, %swap3A_48] : memref<1x128xf32, #tpu.memory_space<vmem>>, vector<1x128xf32>
      tpu.vector_store %arg7[%swap3A_47, %swap3A_48], %broadcast_in_dim3A_46 {strides = array<i32>} : memref<1x128xf32, #tpu.memory_space<vmem>>, vector<1x128xf32>,
    } else {
    }
    %get3A_30 = arith.constant 0 : index
    %get3A_31 = arith.constant 0 : index
    %get3A_32 = vector.load %arg7[%get3A_30, %get3A_31] : memref<1x128xf32, #tpu.memory_space<vmem>>, vector<1x128xf32>
    %reduce_sum3A_33 = arith.constant dense<0.000000e+00> : vector<128xf32>
    %reduce_sum3A_34 = vector.multi_reduction <add>, %div3A_12, %reduce_sum3A_33 [0] : vector<1000x128xf32> to vector<128xf32>
    %broadcast_in_dim3A_35 = vector.shape_cast %reduce_sum3A_34 : vector<128xf32> to vector<1x128xf32>
    %add3A_36 = arith.addf %get3A_32, %broadcast_in_dim3A_35 : vector<1x128xf32>
    %swap3A_37 = arith.constant 0 : index
    %swap3A_38 = arith.constant 0 : index
    %swap3A_39 = vector.load %arg7[%swap3A_37, %swap3A_38] : memref<1x128xf32, #tpu.memory_space<vmem>>, vector<1x128xf32>
    tpu.vector_store %arg7[%swap3A_37, %swap3A_38], %add3A_36 {strides = array<i32>} : memref<1x128xf32, #tpu.memory_space<vmem>>, vector<1x128xf32>,
    %eq3A_40 = arith.constant 9 : i32
    %eq3A_41 = arith.cmpi eq, %arg0, %eq3A_40 : i32
    %convert_element_type3A_42 = arith.extui %eq3A_41 : i1 to i32
    %cond3A_43 = arith.constant 0 : i32
    %cond3A_44 = arith.cmpi ne, %convert_element_type3A_42, %cond3A_43 : i32
    scf.if %cond3A_44 {
      %get3A_45 = arith.constant 0 : index
      %get3A_46 = arith.constant 0 : index
      %get3A_47 = vector.load %arg7[%get3A_45, %get3A_46] : memref<1x128xf32, #tpu.memory_space<vmem>>, vector<1x128xf32>
      %div3A_48 = arith.constant 1.000000e+04 : f32
      %div3A_49 = vector.broadcast %div3A_48 : f32 to vector<1x128xf32>
      %div3A_50 = arith.divf %get3A_47, %div3A_49 : vector<1x128xf32>
      %get3A_51 = arith.constant 0 : index
      %get3A_52 = arith.constant 0 : index
      %get3A_53 = vector.load %arg3[%get3A_51, %get3A_52] : memref<128x10xf32, #tpu.memory_space<vmem>>, vector<128x10xf32>
      %dot_general3A = arith.constant dense<0.000000e+00> : vector<1x10xf32>
      %dot_general3A_54 = tpu.matmul %div3A_50, %get3A_53, %dot_general3A {dimension_numbers = #tpu.dot_dimension_numbers<[1], [0], [0], [1], [0, 0, 1, 1], [], []>, transpose_lhs_hint = false} : vector<1x128xf32>, vector<128x10xf32>, vector<1x10xf32> -> vector<1x10xf32>
      %get3A_55 = arith.constant 0 : index
      %get3A_56 = arith.constant 0 : index
      %get3A_57 = vector.load %arg4[%get3A_55, %get3A_56] : memref<1x10xf32, #tpu.memory_space<vmem>>, vector<1x10xf32>
      %add3A_58 = arith.addf %dot_general3A_54, %get3A_57 : vector<1x10xf32>
      %swap3A_59 = arith.constant 0 : index
      %swap3A_60 = arith.constant 0 : index
      %swap3A_61 = vector.load %arg6[%swap3A_59, %swap3A_60] : memref<1x10xf32, #tpu.memory_space<vmem>>, vector<1x10xf32>
      tpu.vector_store %arg6[%swap3A_59, %swap3A_60], %add3A_58 {strides = array<i32>} : memref<1x10xf32, #tpu.memory_space<vmem>>, vector<1x10xf32>,
    } else {
    }
    return
  }
  func.func @transform_0(%arg0: i32) -> (i32, i32, i32) {
    %c0_i32 = arith.constant 0 : i32
    %c0_i32_0 = arith.constant 0 : i32
    %c0_i32_1 = arith.constant 0 : i32
    return %c0_i32, %arg0, %c0_i32_0 : i32, i32, i32
  }
  func.func @transform_1(%arg0: i32) -> (i32, i32) {
    %c0_i32 = arith.constant 0 : i32
    %c0_i32_0 = arith.constant 0 : i32
    %c0_i32_1 = arith.constant 0 : i32
    return %c0_i32, %c0_i32_0 : i32, i32
  }
  func.func @transform_2(%arg0: i32) -> (i32, i32) {
    %c0_i32 = arith.constant 0 : i32
    %c0_i32_0 = arith.constant 0 : i32
    %c0_i32_1 = arith.constant 0 : i32
    return %c0_i32, %c0_i32_0 : i32, i32
  }
  func.func @transform_3(%arg0: i32) -> (i32, i32) {
    %c0_i32 = arith.constant 0 : i32
    %c0_i32_0 = arith.constant 0 : i32
    %c0_i32_1 = arith.constant 0 : i32
    return %c0_i32, %c0_i32_0 : i32, i32
  }
  func.func @transform_4(%arg0: i32) -> (i32, i32) {
    %c0_i32 = arith.constant 0 : i32
    %c0_i32_0 = arith.constant 0 : i32
    return %arg0, %c0_i32 : i32, i32
  }
  func.func @transform_5(%arg0: i32) -> (i32, i32) {
    %c0_i32 = arith.constant 0 : i32
    %c0_i32_0 = arith.constant 0 : i32
    %c0_i32_1 = arith.constant 0 : i32
    return %c0_i32, %c0_i32_0 : i32, i32
  }
}

</mosaic_0001>

<sc_bundles>
// kernel: kernel.6.cloned.1.call-start
scs
__scs_entry_jumppad:
0x0: {  	(pc) =	sbr.rel $0x88, $3  }
0x1: {  	(tag) =	ssettag $0x0;
	lr =	simm.s32 $0x1  }
0x2: {  	[smem:$0x3F99] =	sst lr;
	_ =	strace $0xD0000000  }
0x3: {  	_ = 	snop  }
0x4: {  	_ = 	snop  }
0x5: {  	_ = 	snop  }
0x6: {  	_ = 	snop  }
0x7: {  	_ = 	snop  }
__scs_overlays_trampoline_lowered:
0x8: {  	[smem:$0x3FA8] =	sst s0  }
0x9: {  	[smem:$0x3FA9] =	sst s1  }
0xa: {  	[smem:$0x3FAA] =	sst s2  }
0xb: {  	[smem:$0x3FAB] =	sst s3  }
0xc: {  	[smem:$0x3FAC] =	sst s4  }
0xd: {  	[smem:$0x3FAD] =	sst s5  }
0xe: {  	[smem:$0x3FAE] =	sst s6  }
0xf: {  	[smem:$0x3FAF] =	sst s7  }
0x10: {  	[smem:$0x3FB0] =	sst s8  }
0x11: {  	[smem:$0x3FB1] =	sst s9;
	s0 =	simm.s32 @!p0 $0x0  }
0x12: {  	s1 =	sld [smem:$0x3F97];
	s0 =	simm.s32 @p0 $0x1  }
0x13: {  	[smem:$0x3FB2] =	sst s0;
	s0 =	simm.s32 @!p1 $0x0  }
0x14: {  	s2 =	sld [smem:$0x3F96];
	s0 =	simm.s32 @p1 $0x1  }
0x15: {  	[smem:$0x3FB3] =	sst s0;
	s0 =	simm.s32 @!p2 $0x0  }
0x16: {  	s3 =	sld [smem:$0x3FDB];
	s0 =	simm.s32 @p2 $0x1  }
0x17: {  	s4 =	simm.s32 $0x1BF5;
	[smem:$0x3FB5] =	sst s0  }
0x18: {  	s0 =	sld [smem:$0x3F98];
	_ =	swait.ge [sflag:s4], $0x0  }
0x19: {  	s7 =	sld [smem:$0x3F99]  }
0x1a: {  	s8 =	sadd.s32 $0xFFFFE003, lr  }
0x1b: {  	s9 =	sadd.s32 $0xFFFFFEF7, lr;
	s5 =	simm.s32 $0xFFFFFFFF;
	p2 =	slt.u32 s8, $0xFFFFF086  }
0x1c: {  	p1 =	slt.u32 s9, $0xF7A;
	s5 =	simm.s32 @!p2 $0x0  }
0x1d: {  	s5 =	simm.s32 @p1 $0x1;
	p0 =	seq.s32 s7, s2  }
0x1e: {  	s7 =	smul.u32 @!p0 $0xF7A, s2;
	p2 =	seq.s32 @!p0 s5, $0x0  }
0x1f: {  	s9 =	smul.u32 $0xF7A, s1;
	s8 =	simm.s32 @!p0 $0x1BF5;
	p2 =	por !p2, p0  }
0x20: {  	[sflag:s8] =	ssyncset.s32 @!p0 $0xFFFFF086;
	s6 =	sadd.s32 @!p0 s3, s7;
	s7 =	simm.s32 @!p0 $0x108  }
0x21: {  	s3 =	sadd.s32 s3, s9;
	s6 =	sadd.s32 @!p0 $0x88, s6;
	s7 =	simm.s32 @p2 $0x1082  }
0x22: {  	[simem:s7], [sflag:s8] =	dma.local @!p0 [hbm:s6], $0xF7A  }
0x23: {  	s9 =	sor.u32 $0xD0000000, s2;
	s6 =	simm.s32 $0x108;
	_ =	swait.ge @!p0 [sflag:s8], $0x0  }
0x24: {  	s3 =	sadd.s32 $0x88, s3;
	s6 =	simm.s32 @!p1 $0x1082;
	[sflag:s4] =	ssyncset.s32 $0xFFFFF086  }
0x25: {  	[simem:s6], [sflag:s4] =	dma.local [hbm:s3], $0xF7A  }
0x26: {  	[smem:$0x3F99] =	sst s1;
	(tag) =	ssettag s2;
	_ =	strace s9  }
0x27: {  	s1 =	sld [smem:$0x3FA9]  }
0x28: {  	s2 =	sld [smem:$0x3FAA]  }
0x29: {  	s4 =	sld [smem:$0x3FAC]  }
0x2a: {  	p0 =	seq.s32 s5, $0x0;
	s5 =	sld [smem:$0x3FAD]  }
0x2b: {  	s6 =	sld [smem:$0x3FAE]  }
0x2c: {  	s7 =	sld [smem:$0x3FAF]  }
0x2d: {  	s3 =	simm.s32 $0x108;
	s8 =	sld [smem:$0x3FB0]  }
0x2e: {  	s3 =	simm.s32 @!p0 $0x1082;
	s9 =	sld [smem:$0x3FB1]  }
0x2f: {  	lr =	sadd.s32 s0, s3;
	s0 =	sld [smem:$0x3FA8]  }
0x30: {  	s3 =	sld [smem:$0x3FAB]  }
0x31: {  	[smem:$0x3FB4] =	sst s10  }
0x32: {  	s10 =	sld [smem:$0x3FB2];
	_ =	sdelay $0x3  }
0x33: {  	p0 =	seq.s32 s10, $0x1;
	s10 =	sld [smem:$0x3FB4];
	_ =	sdelay $0x3  }
0x34: {  	[smem:$0x3FB4] =	sst s10  }
0x35: {  	s10 =	sld [smem:$0x3FB3];
	_ =	sdelay $0x3  }
0x36: {  	p1 =	seq.s32 s10, $0x1;
	s10 =	sld [smem:$0x3FB4];
	_ =	sdelay $0x3  }
0x37: {  	[smem:$0x3FB4] =	sst s10  }
0x38: {  	s10 =	sld [smem:$0x3FB5]  }
0x39: {  	_ = 	snop;
	(pc) =	sbr.ind lr, $3  }
0x3a: {  	_ = 	snop  }
0x3b: {  	_ = 	snop  }
0x3c: {  	p2 =	seq.s32 s10, $0x1;
	s10 =	sld [smem:$0x3FB4]  }
0x3d: {  	_ =	shalt  }
0x3e: {  	_ =	shalt  }
0x3f: {  	_ =	shalt  }
0x40: {  	_ =	shalt  }
0x41: {  	_ =	shalt  }
0x42: {  	_ =	shalt  }
0x43: {  	_ =	shalt  }
0x44: {  	_ =	shalt  }
0x45: {  	_ =	shalt  }
0x46: {  	_ =	shalt  }
0x47: {  	_ =	shalt  }
0x48: {  	_ =	shalt  }
0x49: {  	_ =	shalt  }
0x4a: {  	_ =	shalt  }
0x4b: {  	_ =	shalt  }
0x4c: {  	_ =	shalt  }
0x4d: {  	_ =	shalt  }
0x4e: {  	_ =	shalt  }
0x4f: {  	_ =	shalt  }
0x50: {  	_ =	shalt  }
0x51: {  	_ =	shalt  }
0x52: {  	_ =	shalt  }
0x53: {  	_ =	shalt  }
0x54: {  	_ =	shalt  }
0x55: {  	_ =	shalt  }
0x56: {  	_ =	shalt  }
0x57: {  	_ =	shalt  }
0x58: {  	_ =	shalt  }
0x59: {  	_ =	shalt  }
0x5a: {  	_ =	shalt  }
0x5b: {  	_ =	shalt  }
0x5c: {  	_ =	shalt  }
0x5d: {  	_ =	shalt  }
0x5e: {  	_ =	shalt  }
0x5f: {  	_ =	shalt  }
0x60: {  	_ =	shalt  }
0x61: {  	_ =	shalt  }
0x62: {  	_ =	shalt  }
0x63: {  	_ =	shalt  }
0x64: {  	_ =	shalt  }
0x65: {  	_ =	shalt  }
0x66: {  	_ =	shalt  }
0x67: {  	_ =	shalt  }
0x68: {  	_ =	shalt  }
0x69: {  	_ =	shalt  }
0x6a: {  	_ =	shalt  }
0x6b: {  	_ =	shalt  }
0x6c: {  	_ =	shalt  }
0x6d: {  	_ =	shalt  }
0x6e: {  	_ =	shalt  }
0x6f: {  	_ =	shalt  }
0x70: {  	_ =	shalt  }
0x71: {  	_ =	shalt  }
0x72: {  	_ =	shalt  }
0x73: {  	_ =	shalt  }
0x74: {  	_ =	shalt  }
0x75: {  	_ =	shalt  }
0x76: {  	_ =	shalt  }
0x77: {  	_ =	shalt  }
0x78: {  	_ =	shalt  }
0x79: {  	_ =	shalt  }
0x7a: {  	_ =	shalt  }
0x7b: {  	_ =	shalt  }
0x7c: {  	_ =	shalt  }
0x7d: {  	_ =	shalt  }
0x7e: {  	_ =	shalt  }
0x7f: {  	_ =	shalt  }
0x80: {  	_ =	shalt  }
0x81: {  	_ =	shalt  }
0x82: {  	_ =	shalt  }
0x83: {  	_ =	shalt  }
0x84: {  	_ =	shalt  }
0x85: {  	_ =	shalt  }
0x86: {  	_ =	shalt  }
0x87: {  	_ =	shalt  }
.Lfunc_end0:
.L_simem_size_0:
called_computation_lowered:
.L_overlay_start_0:
0x88: {  	s2 =	sld [smem:$0x3FD9]  }
0x89: {  	s3 =	sld [smem:$0x3FFE];
	_ =	sdelay $0x1  }
0x8a: {  	s1 =	srdreg.scid  }
0x8b: {  	s0 =	sand.u32 $0x1, s1  }
0x8c: {  	s14 =	sshll.u32 s0, $0xA;
	s2 =	sadd.s32 s3, s2  }
0x8d: {  	s2 =	sadd.s32 s2, s14  }
0x8e: {  	[smem:$0x3FC0] =	sst s2  }
0x8f: {  	_ = 	snop  }
0x90: {  	s2 =	sld [smem:$0x3FD0];
	_ =	sdelay $0x2  }
0x91: {  	s15 =	simm.s32 $0xA;
	s4 =	simm.s32 $0x10  }
0x92: {  	[smem:s4], [sflag:s15] =	dma.local [hbm:s2], $0x1  }
0x93: {  	_ =	swait.eq [sflag:s15], $0x1  }
0x94: {  	[sflag:s15] =	ssyncset.done $0x0  }
0x95: {  	[sflag:s15] =	ssyncadd.s32 $0xFFFFFFFF  }
0x96: {  	s16 =	sld [smem:$0x10];
	(tm) =	ssettm $0x1  }
0x97: {  	s17 =	sld [smem:$0x3FFB];
	_ =	sdelay $0x3  }
0x98: {  	_ =	strace s17  }
0x99: {  	s3 =	sld [smem:$0x3FFC];
	_ =	sdelay $0x3  }
0x9a: {  	_ =	strace s3  }
0x9b: {  	s3 =	sld [smem:$0x3FFD];
	_ =	sdelay $0x3  }
0x9c: {  	_ =	strace s3  }
0x9d: {  	_ =	strace $0x8FFFFFFF  }
0x9e: {  	s18 =	sld [smem:$0x3FDB];
	_ =	sdelay $0x1  }
0x9f: {  	s19 =	simm.s32 $_scs_section_size  }
0xa0: {  	s5 =	simm.s32 $_size__tile_overlayer_lowered;
	s6 =	simm.s32 $_tile_overlayer_lowered  }
0xa1: {  	s22 =	simm.s32 $0x1BFF;
	s21 =	sshll.u32 s6, $0x1;
	s3 =	sadd.s32 s19, s18  }
0xa2: {  	s7 =	simm.s32 $0x0;
	s20 =	sshll.u32 s5, $0x1;
	s5 =	sadd.s32 s21, s3  }
0xa3: {  	[timem:s7], [sflag:s22] =	dma.local [hbm:s5], s20  }
0xa4: {  	_ =	swait.ge [sflag:s22], s20  }
0xa5: {  	s4 =	ssub.s32 $0x0, s20;
	[sflag:s22] =	ssyncset.done $0x0  }
0xa6: {  	[sflag:s22] =	ssyncadd.s32 s4;
	_ =	sdelay $0x1  }
0xa7: {  	s23 =	simm.s32 $0x1B8B  }
0xa8: {  	_ =	swait.ge [sflag:s23], $0x1  }
0xa9: {  	[sflag:s23] =	ssyncset.done $0x0  }
0xaa: {  	s25 =	simm.s32 $0x1B8E;
	s24 =	sld [smem:$0x3FFE];
	[sflag:s23] =	ssyncadd.s32 $0xFFFFFFFF  }
0xab: {  	s26 =	simm.s32 $execute0_lowered;
	[smem:$0x3FD2] =	sst s25  }
0xac: {  	s5 =	sshll.u32 s26, $0x1;
	_ =	strace $0x80000046;
	[dreg:$0x1] =	wrdreg $0xFFFFFFFF  }
0xad: {  	s28 =	simm.s32 $_size_execute0_lowered;
	s3 =	sadd.s32 s3, s5;
	[dreg:$0x0] =	wrdreg $0x0  }
0xae: {  	s5 =	sshll.u32 s28, $0x1;
	[dreg:$0x2] =	wrdreg s3  }
0xaf: {  	[dreg:$0x3] =	wrdreg s5  }
0xb0: {  	[dreg:$0x4] =	wrdreg $0xC0  }
0xb1: {  	_ =	task [dreg:s7], $0x5FFFF  }
0xb2: {  	[dreg:$0x1] =	wrdreg $0xFFFFFFFF  }
0xb3: {  	[dreg:$0x0] =	wrdreg $0x60  }
0xb4: {  	[dreg:$0x2] =	wrdreg s24  }
0xb5: {  	[dreg:$0x3] =	wrdreg s16  }
0xb6: {  	[dreg:$0x4] =	wrdreg $0x9B200  }
0xb7: {  	[dreg:$0x5] =	wrdreg $0x9  }
0xb8: {  	_ =	task.clear_ibuf [dreg:s7], $0x6FFFF;
	_ =	strace $0x90000046  }
0xb9: {  	s29 =	simm.s32 $0x9;
	_ =	strace $0x80000048  }
0xba: {  	_ =	swait.ge [sflag:s29], $0x1  }
0xbb: {  	[sflag:s29] =	ssyncadd.s32 $0xFFFFFFFF  }
0xbc: {  	_ =	strace $0x90000048  }
0xbd: {  	_ =	sfence  }
0xbe: {  	s30 =	sld [smem:$0x0];
	_ =	sdelay $0x2  }
0xbf: {  	s31 =	sshll.u32 s1, $0xD;
	s1 =	sshrl.u32 s1, $0x2  }
0xc0: {  	s3 =	sand.u32 $0x4000, s31;
	s1 =	sadd.s32 s1, s30  }
0xc1: {  	s0 =	sor.u32 s3, s0;
	s1 =	sshll.u32 s1, $0x11  }
0xc2: {  	s0 =	sor.u32 s1, s0  }
0xc3: {  	s0 =	sadd.s32 $0x8F2B, s0  }
0xc4: {  	[sflag:s0] =	ssyncadd.remote.s32 $0x1  }
0xc5: {  	_ =	sfence.sel $0xFFFF  }
0xc6: {  	[dreg:$0x0] =	wrdreg $0xFFFFFFFF;
	(pc) =	sbr.abs _section_cstart, $3  }
0xc7: {  	[dreg:$0x1] =	wrdreg $0xFFFFFFFF  }
0xc8: {  	_ =	task.clear_ibuf [dreg:s7], $0x2FFFF;
	_ =	strace $0x9FFFFFFF  }
0xc9: {  	(tm) =	ssettm $0x7FFFFFFF  }
tec
execute0_lowered:
.L_overlay_start_1:
0x0: {  	(tag) =	ssettag $0x1  }
0x1: {  	s5 =	rddreg [dreg:$0x0]  }
0x2: {  	s1 =	rddreg [dreg:$0x1]  }
0x3: {  	s2 =	rddreg [dreg:$0x2]  }
0x4: {  	s3 =	simm.s32 $0x0;
	s0 =	srdreg.scid;
	s24 =	stileid.u32  }
0x5: {  	s28 =	simm.s32 $0x9;
	s29 =	simm.s32 $0x80;
	s30 =	simm.s32 $0x3  }
0x6: {  	s31 =	simm.s32 $0x200;
	[smem:$0x7FF] =	sst s3;
	s15 =	sand.u32 $0x1, s0  }
0x7: {  	s7 =	sadd.s32 $0xAC00, s5;
	s9 =	sor.u32 $0x10, s24;
	s4 =	smul.u32 $0x4800, s24  }
0x8: {  	s12 =	sadd.s32 $0xE00, s5;
	s18 =	sadd.s32 $0x40A00, s5;
	s17 =	smul.u32 $0x2710, s24  }
0x9: {  	s13 =	sor.u32 $0x20, s24;
	s14 =	sor.u32 $0x30, s24;
	s16 =	smul.u32 $0x15F900, s15  }
0xa: {  	s11 =	sor.u32 $0x40, s24;
	p0 =	sgt.u32 s24, $0xD;
	s6 =	smul.u32 $0x4800, s9  }
0xb: {  	_ =	strace $0x80000047;
	s0 =	ssub.s32 $0x2, s15;
	s21 =	smul.u32 $0x27100, s15  }
0xc: {  	s15 =	sshll.u32 s15, $0x4;
	s9 =	smul.u32 $0x12000, s9;
	p2 =	sne.s32 @!p0 s24, $0x0  }
0xd: {  	s8 =	sshrl.u32 s0, $0x1;
	s15 =	sor.u32 s24, s15;
	p1 =	por p2, p0  }
0xe: {  	p2 =	por !p2, p0;
	s0 =	ssub.s32 s0, s8;
	s10 =	sadd.s32 s4, s16  }
0xf: {  	s22 =	sadd.s32 s16, s6;
	s17 =	sadd.s32 s17, s21;
	s8 =	smul.u32 $0x4800, s13  }
0x10: {  	s15 =	smul.u32 $0x2710, s15;
	s9 =	sshrl.u32 s9, $0x2;
	s4 =	sadd.s32 s4, s2  }
0x11: {  	s6 =	sadd.s32 s6, s2;
	s10 =	sshrl.u32 s10, $0x3;
	s20 =	sshrl.u32 s22, $0x3  }
0x12: {  	s19 =	sshrl.u32 s17, $0x3;
	s22 =	sadd.s32 $0x600, s17;
	s0 =	smax.u32 s0, $0x1  }
0x13: {  	s26 =	sadd.s32 $0x580, s17;
	s10 =	sadd.s32 s18, s10;
	[smem:$0x7F5] =	sst s0  }
0x14: {  	s21 =	sadd.s32 s19, s12;
	s19 =	sadd.s32 s19, s7;
	[dreg:$0x1e] =	wrdreg s10  }
0x15: {  	s23 =	sshrl.u32 s22, $0x3;
	s20 =	sadd.s32 s18, s20;
	[dreg:$0x4] =	wrdreg s21  }
0x16: {  	s15 =	sshrl.u32 s15, $0x3;
	s10 =	smul.u32 $0x4800, s14;
	[dreg:$0x5] =	wrdreg s19  }
0x17: {  	s25 =	sadd.s32 s23, s12;
	s21 =	sadd.s32 s23, s7;
	s23 =	sshrl.u32 s26, $0x3  }
0x18: {  	s26 =	sadd.s32 $0x500, s17;
	s19 =	smul.u32 $0x4800, s11;
	[dreg:$0x1f] =	wrdreg s20  }
0x19: {  	s15 =	sadd.s32 $0x4E0, s15;
	s14 =	smul.u32 $0x12000, s14;
	[dreg:$0x6] =	wrdreg s25  }
0x1a: {  	[dreg:$0x7] =	wrdreg s21;
	s25 =	sadd.s32 s23, s12;
	s21 =	sadd.s32 s23, s7  }
0x1b: {  	s23 =	sshrl.u32 s26, $0x3;
	s26 =	sadd.s32 $0x480, s17;
	[dreg:$0x8] =	wrdreg s25  }
0x1c: {  	[dreg:$0x9] =	wrdreg s21;
	s25 =	sadd.s32 s23, s12;
	s21 =	sadd.s32 s23, s7  }
0x1d: {  	s23 =	sshrl.u32 s26, $0x3;
	s26 =	sadd.s32 $0x400, s17;
	[dreg:$0xa] =	wrdreg s25  }
0x1e: {  	s14 =	sshrl.u32 s14, $0x2;
	[dreg:$0xb] =	wrdreg s21;
	s25 =	sadd.s32 s23, s12  }
0x1f: {  	s21 =	sadd.s32 s23, s7;
	s23 =	sshrl.u32 s26, $0x3;
	[dreg:$0xc] =	wrdreg s25  }
0x20: {  	s26 =	sadd.s32 $0x380, s17;
	[dreg:$0xd] =	wrdreg s21;
	s25 =	sadd.s32 s23, s12  }
0x21: {  	s21 =	sadd.s32 s23, s7;
	s23 =	sshrl.u32 s26, $0x3;
	[dreg:$0xe] =	wrdreg s25  }
0x22: {  	s26 =	sadd.s32 $0x300, s17;
	[dreg:$0xf] =	wrdreg s21;
	s25 =	sadd.s32 s23, s12  }
0x23: {  	s21 =	sadd.s32 s23, s7;
	s23 =	sshrl.u32 s26, $0x3;
	[dreg:$0x10] =	wrdreg s25  }
0x24: {  	s14 =	sadd.s32 s14, s2;
	[dreg:$0x11] =	wrdreg s21;
	s25 =	sadd.s32 s23, s12  }
0x25: {  	s26 =	sadd.s32 $0x280, s17;
	s21 =	sadd.s32 s23, s7;
	[dreg:$0x12] =	wrdreg s25  }
0x26: {  	s23 =	sshrl.u32 s26, $0x3;
	s26 =	sadd.s32 $0x200, s17;
	[dreg:$0x13] =	wrdreg s21  }
0x27: {  	s25 =	sadd.s32 s23, s12;
	s21 =	sadd.s32 s23, s7;
	s22 =	sshrl.u32 s26, $0x3  }
0x28: {  	s26 =	sadd.s32 s16, s10;
	s10 =	sadd.s32 s10, s2;
	[dreg:$0x14] =	wrdreg s25  }
0x29: {  	[dreg:$0x15] =	wrdreg s21;
	s23 =	sadd.s32 s22, s12;
	s25 =	sadd.s32 s16, s8  }
0x2a: {  	[dreg:$0x16] =	wrdreg s23;
	s20 =	sshrl.u32 s25, $0x3;
	s23 =	sadd.s32 s16, s19  }
0x2b: {  	s25 =	sshrl.u32 s26, $0x3;
	s16 =	sshrl.u32 s16, $0x3;
	s20 =	sadd.s32 s18, s20  }
0x2c: {  	s26 =	sshrl.u32 s23, $0x3;
	[smem:$0x7EF] =	sst s20;
	s20 =	sadd.s32 s18, s25  }
0x2d: {  	s16 =	sadd.s32 s18, s16;
	s23 =	sadd.s32 s18, s26;
	[smem:$0x7F0] =	sst s20  }
0x2e: {  	s25 =	sadd.s32 $0x180, s17;
	s26 =	sadd.s32 s22, s7;
	[smem:$0x7F1] =	sst s23  }
0x2f: {  	s16 =	sadd.s32 $0x2BE00, s16;
	s20 =	sshrl.u32 s25, $0x3;
	[dreg:$0x17] =	wrdreg s26  }
0x30: {  	s22 =	sadd.s32 $0x100, s17;
	[smem:$0x7F4] =	sst s16;
	s21 =	sadd.s32 s20, s12  }
0x31: {  	s18 =	sshrl.u32 s22, $0x3;
	s20 =	sadd.s32 s20, s7;
	[dreg:$0x18] =	wrdreg s21  }
0x32: {  	s17 =	sadd.s32 $0x80, s17;
	s23 =	sadd.s32 s18, s12;
	[dreg:$0x19] =	wrdreg s20  }
0x33: {  	s17 =	sshrl.u32 s17, $0x3;
	s18 =	sadd.s32 s18, s7;
	[dreg:$0x1a] =	wrdreg s23  }
0x34: {  	s8 =	sadd.s32 s8, s2;
	s26 =	sadd.s32 s17, s12;
	[dreg:$0x1b] =	wrdreg s18  }
0x35: {  	s25 =	smul.u32 $0x12000, s24;
	s12 =	sadd.s32 s12, s15;
	[dreg:$0x1c] =	wrdreg s26  }
0x36: {  	s16 =	simm.s32 $0x9210;
	[smem:$0x7F2] =	sst s12;
	s21 =	sadd.s32 s7, s15  }
0x37: {  	s7 =	sadd.s32 s17, s7;
	s22 =	sshrl.u32 s25, $0x2;
	s25 =	smul.u32 $0x12000, s13  }
0x38: {  	s12 =	sadd.s32 $0x14A00, s5;
	s26 =	sshll.u32 s24, $0x6;
	s17 =	smul.u32 $0x12000, s11  }
0x39: {  	s15 =	sadd.s32 s19, s2;
	s24 =	sshrl.u32 s4, $0x3;
	s4 =	simm.s32 $0x180  }
0x3a: {  	s5 =	simm.s32 $0x1;
	s19 =	simm.s32 $0x0;
	[smem:$0x7F3] =	sst s21  }
0x3b: {  	s23 =	sadd.s32 s22, s2;
	[dreg:$0x1d] =	wrdreg s7;
	s13 =	sor.u32 $0x1C09, s26  }
0x3c: {  	s7 =	sadd.s32 s9, s2;
	[smem:$0x7FB] =	sst s24;
	s26 =	sshrl.u32 s8, $0x3  }
0x3d: {  	s24 =	sshrl.u32 s10, $0x3;
	s8 =	simm.s32 $0x5;
	s10 =	simm.s32 $0x7  }
0x3e: {  	s18 =	sshrl.u32 s25, $0x2;
	s9 =	sshrl.u32 s17, $0x2;
	s20 =	sshrl.u32 s23, $0x3  }
0x3f: {  	s21 =	sshrl.u32 s7, $0x3;
	s23 =	sshrl.u32 s14, $0x3;
	[smem:$0x7FD] =	sst s26  }
0x40: {  	s25 =	sshrl.u32 s6, $0x3;
	s26 =	sadd.s32 $0x15F000, s2;
	[smem:$0x7F6] =	sst s20  }
0x41: {  	s6 =	simm.s32 $0x4;
	s7 =	simm.s32 $0x4A00;
	[smem:$0x7F7] =	sst s21  }
0x42: {  	s14 =	simm.s32 $0x8;
	s17 =	simm.s32 $0x10;
	[smem:$0x7F9] =	sst s23  }
0x43: {  	s11 =	sadd.s32 s18, s2;
	s9 =	sadd.s32 s9, s2;
	[smem:$0x7FC] =	sst s25  }
0x44: {  	s25 =	sshrl.u32 @!p0 s15, $0x3;
	s18 =	simm.s32 $0x9220;
	s22 =	sshrl.u32 s11, $0x3  }
0x45: {  	s0 =	sshrl.u32 @!p0 s9, $0x3;
	s9 =	simm.s32 $0x2;
	[smem:$0x7F8] =	sst s22  }
0x46: {  	s11 =	simm.s32 $0x6;
	[smem:$0x7FA] =	sst s0;
	s0 =	simm.s32 $0x100  }
.LBB2_1:
0x47: {  	s15 =	sld [smem:$0x7F6];
	_ =	sdelay $0x2  }
0x48: {  	[spmem:s15], [sflag:s13] =	dma.local [hbm:s1], $0x900  }
0x49: {  	_ =	swait.ge [sflag:s28], $0x900  }
0x4a: {  	s21 =	sld [smem:$0x7F7]  }
0x4b: {  	[sflag:s28] =	ssyncset.done $0x0  }
0x4c: {  	[sflag:s28] =	ssyncadd.s32 $0xFFFFF700  }
0x4d: {  	[spmem:s21], [sflag:s13] =	dma.local [hbm:s1], $0x900  }
0x4e: {  	_ =	swait.ge [sflag:s28], $0x900  }
0x4f: {  	s22 =	sld [smem:$0x7F8]  }
0x50: {  	[sflag:s28] =	ssyncset.done $0x0  }
0x51: {  	[sflag:s28] =	ssyncadd.s32 $0xFFFFF700  }
0x52: {  	[spmem:s22], [sflag:s13] =	dma.local [hbm:s1], $0x900  }
0x53: {  	_ =	swait.ge [sflag:s28], $0x900  }
0x54: {  	s23 =	sld [smem:$0x7F9]  }
0x55: {  	[sflag:s28] =	ssyncset.done $0x0  }
0x56: {  	[sflag:s28] =	ssyncadd.s32 $0xFFFFF700  }
0x57: {  	[spmem:s23], [sflag:s13] =	dma.local [hbm:s1], $0x900  }
0x58: {  	_ =	swait.ge [sflag:s28], $0x900  }
0x59: {  	s15 =	sld [smem:$0x7FA]  }
0x5a: {  	[sflag:s28] =	ssyncset.done $0x0  }
0x5b: {  	s20 =	simm.s32 @!p0 $0x9;
	[sflag:s28] =	ssyncadd.s32 $0xFFFFF700  }
0x5c: {  	[spmem:s15], [sflag:s13] =	dma.local @!p0 [hbm:s1], $0x900  }
0x5d: {  	_ =	swait.ge @!p0 [sflag:s20], $0x900  }
0x5e: {  	[sflag:s20] =	ssyncset.done @!p0 $0x0  }
0x5f: {  	[sflag:s20] =	ssyncadd.s32 @!p0 $0xFFFFF700;
	s20 =	sshrl.u32 @!p1 s26, $0x3  }
0x60: {  	[spmem:s20], [sflag:s13] =	dma.local @!p1 [hbm:s1], $0x120  }
0x61: {  	s20 =	simm.s32 @!p1 $0x9  }
0x62: {  	_ =	swait.ge @!p1 [sflag:s20], $0x120  }
0x63: {  	[sflag:s20] =	ssyncset.done @!p1 $0x0  }
0x64: {  	[sflag:s20] =	ssyncadd.s32 @!p1 $0xFFFFFEE0  }
0x65: {  	[bflag:$0x0] =	sbarrier.arrive $0xFFFF  }
0x66: {  	s15 =	rddreg [dreg:$0x5]  }
0x67: {  	s21 =	rddreg [dreg:$0x4];
	s20 =	sadd.s32 $0x0, s15  }
0x68: {  	[tilespmem:s3], [sflag:$0x3] =	stream.linear.gather [hbm4b:s20+s3], $0x80, $0x38;
	[tilespmem:$0x1FAB0] =	vst v63  }
0x69: {  	s22 =	sadd.s32 $0x0, s21  }
0x6a: {  	[tilespmem:s29], [sflag:$0x5] =	stream.linear.gather [hbm4b:s22+s3], $0x80, $0x38;
	[tilespmem:$0x1FAB0] =	vst v63  }
0x6b: {  	_ =	swait.ge [sflag:s30], $0x80  }
0x6c: {  	[sflag:s30] =	ssyncset.done $0x0  }
0x6d: {  	s23 =	rddreg [dreg:$0x1d];
	[sflag:s30] =	ssyncadd.s32 $0xFFFFFF80  }
0x6e: {  	[tilespmem:s31], [sflag:$0x1] =	stream.indirect.gather [hbm4b:s12+s29], $0x90, s3, s29, $0xb8;
	[tilespmem:$0x1FAB0] =	vst v63  }
0x6f: {  	s15 =	rddreg [dreg:$0x1c];
	s20 =	sadd.s32 $0x0, s23  }
0x70: {  	[tilespmem:s0], [sflag:$0x4] =	stream.linear.gather [hbm4b:s20+s3], $0x80, $0x38;
	[tilespmem:$0x1FAB0] =	vst v63  }
0x71: {  	s22 =	sadd.s32 $0x0, s15  }
0x72: {  	[tilespmem:s4], [sflag:$0x6] =	stream.linear.gather [hbm4b:s22+s3], $0x80, $0x38;
	[tilespmem:$0x1FAB0] =	vst v63  }
0x73: {  	_ =	swait.ge [sflag:s5], $0x4800  }
0x74: {  	[sflag:s5] =	ssyncset.done $0x0  }
0x75: {  	[sflag:s5] =	ssyncadd.s32 $0xFFFFB800  }
0x76: {  	_ =	swait.ge [sflag:s6], $0x80  }
0x77: {  	[sflag:s6] =	ssyncset.done $0x0  }
0x78: {  	[sflag:s6] =	ssyncadd.s32 $0xFFFFFF80  }
0x79: {  	[tilespmem:s7], [sflag:$0x2] =	stream.indirect.gather [hbm4b:s12+s29], $0x90, s0, s29, $0xb8;
	[tilespmem:$0x1FAB0] =	vst v63  }
0x7a: {  	_ =	swait.ge [sflag:s8], $0x80  }
0x7b: {  	[sflag:s8] =	ssyncset.done $0x0  }
0x7c: {  	s23 =	rddreg [dreg:$0x1b];
	[sflag:s8] =	ssyncadd.s32 $0xFFFFFF80  }
0x7d: {  	[spmem:s2] =	stream.indirect.scatter.add.f32 [tilespmem:s31], [sflag:$0x7], $0x90, s29, s29, $0xb8;
	[tilespmem:$0x1FAB0] =	vst v63  }
0x7e: {  	s15 =	rddreg [dreg:$0x1a];
	s20 =	sadd.s32 $0x0, s23  }
0x7f: {  	[tilespmem:s3], [sflag:$0x3] =	stream.linear.gather [hbm4b:s20+s3], $0x80, $0x38;
	[tilespmem:$0x1FAB0] =	vst v63  }
0x80: {  	s22 =	sadd.s32 $0x0, s15  }
0x81: {  	[tilespmem:s29], [sflag:$0x5] =	stream.linear.gather [hbm4b:s22+s3], $0x80, $0x38;
	[tilespmem:$0x1FAB0] =	vst v63  }
0x82: {  	_ =	swait.ge [sflag:s9], $0x4800  }
0x83: {  	[sflag:s9] =	ssyncset.done $0x0  }
0x84: {  	[sflag:s9] =	ssyncadd.s32 $0xFFFFB800  }
0x85: {  	_ =	swait.ge [sflag:s30], $0x80  }
0x86: {  	[sflag:s30] =	ssyncset.done $0x0  }
0x87: {  	[sflag:s30] =	ssyncadd.s32 $0xFFFFFF80  }
0x88: {  	_ =	swait.ge [sflag:s10], $0x4800  }
0x89: {  	[sflag:s10] =	ssyncset.done $0x0  }
0x8a: {  	[sflag:s10] =	ssyncadd.s32 $0xFFFFB800  }
0x8b: {  	[tilespmem:s31], [sflag:$0x1] =	stream.indirect.gather [hbm4b:s12+s29], $0x90, s3, s29, $0xb8;
	[tilespmem:$0x1FAB0] =	vst v63  }
0x8c: {  	_ =	swait.ge [sflag:s11], $0x80  }
0x8d: {  	[sflag:s11] =	ssyncset.done $0x0  }
0x8e: {  	s23 =	rddreg [dreg:$0x19];
	[sflag:s11] =	ssyncadd.s32 $0xFFFFFF80  }
0x8f: {  	[spmem:s2] =	stream.indirect.scatter.add.f32 [tilespmem:s7], [sflag:$0x8], $0x90, s4, s29, $0xb8;
	[tilespmem:$0x1FAB0] =	vst v63  }
0x90: {  	s15 =	rddreg [dreg:$0x18];
	s20 =	sadd.s32 $0x0, s23  }
0x91: {  	[tilespmem:s0], [sflag:$0x4] =	stream.linear.gather [hbm4b:s20+s3], $0x80, $0x38;
	[tilespmem:$0x1FAB0] =	vst v63  }
0x92: {  	s22 =	sadd.s32 $0x0, s15  }
0x93: {  	[tilespmem:s4], [sflag:$0x6] =	stream.linear.gather [hbm4b:s22+s3], $0x80, $0x38;
	[tilespmem:$0x1FAB0] =	vst v63  }
0x94: {  	_ =	swait.ge [sflag:s5], $0x4800  }
0x95: {  	[sflag:s5] =	ssyncset.done $0x0  }
0x96: {  	[sflag:s5] =	ssyncadd.s32 $0xFFFFB800  }
0x97: {  	_ =	swait.ge [sflag:s6], $0x80  }
0x98: {  	[sflag:s6] =	ssyncset.done $0x0  }
0x99: {  	[sflag:s6] =	ssyncadd.s32 $0xFFFFFF80  }
0x9a: {  	_ =	swait.ge [sflag:s14], $0x4800  }
0x9b: {  	[sflag:s14] =	ssyncset.done $0x0  }
0x9c: {  	[sflag:s14] =	ssyncadd.s32 $0xFFFFB800  }
0x9d: {  	[tilespmem:s7], [sflag:$0x2] =	stream.indirect.gather [hbm4b:s12+s29], $0x90, s0, s29, $0xb8;
	[tilespmem:$0x1FAB0] =	vst v63  }
0x9e: {  	_ =	swait.ge [sflag:s8], $0x80  }
0x9f: {  	[sflag:s8] =	ssyncset.done $0x0  }
0xa0: {  	s23 =	rddreg [dreg:$0x17];
	[sflag:s8] =	ssyncadd.s32 $0xFFFFFF80  }
0xa1: {  	[spmem:s2] =	stream.indirect.scatter.add.f32 [tilespmem:s31], [sflag:$0x7], $0x90, s29, s29, $0xb8;
	[tilespmem:$0x1FAB0] =	vst v63  }
0xa2: {  	s15 =	rddreg [dreg:$0x16];
	s20 =	sadd.s32 $0x0, s23  }
0xa3: {  	[tilespmem:s3], [sflag:$0x3] =	stream.linear.gather [hbm4b:s20+s3], $0x80, $0x38;
	[tilespmem:$0x1FAB0] =	vst v63  }
0xa4: {  	s22 =	sadd.s32 $0x0, s15  }
0xa5: {  	[tilespmem:s29], [sflag:$0x5] =	stream.linear.gather [hbm4b:s22+s3], $0x80, $0x38;
	[tilespmem:$0x1FAB0] =	vst v63  }
0xa6: {  	_ =	swait.ge [sflag:s9], $0x4800  }
0xa7: {  	[sflag:s9] =	ssyncset.done $0x0  }
0xa8: {  	[sflag:s9] =	ssyncadd.s32 $0xFFFFB800  }
0xa9: {  	_ =	swait.ge [sflag:s30], $0x80  }
0xaa: {  	[sflag:s30] =	ssyncset.done $0x0  }
0xab: {  	[sflag:s30] =	ssyncadd.s32 $0xFFFFFF80  }
0xac: {  	_ =	swait.ge [sflag:s10], $0x4800  }
0xad: {  	[sflag:s10] =	ssyncset.done $0x0  }
0xae: {  	[sflag:s10] =	ssyncadd.s32 $0xFFFFB800  }
0xaf: {  	[tilespmem:s31], [sflag:$0x1] =	stream.indirect.gather [hbm4b:s12+s29], $0x90, s3, s29, $0xb8;
	[tilespmem:$0x1FAB0] =	vst v63  }
0xb0: {  	_ =	swait.ge [sflag:s11], $0x80  }
0xb1: {  	[sflag:s11] =	ssyncset.done $0x0  }
0xb2: {  	s23 =	rddreg [dreg:$0x15];
	[sflag:s11] =	ssyncadd.s32 $0xFFFFFF80  }
0xb3: {  	[spmem:s2] =	stream.indirect.scatter.add.f32 [tilespmem:s7], [sflag:$0x8], $0x90, s4, s29, $0xb8;
	[tilespmem:$0x1FAB0] =	vst v63  }
0xb4: {  	s15 =	rddreg [dreg:$0x14];
	s20 =	sadd.s32 $0x0, s23  }
0xb5: {  	[tilespmem:s0], [sflag:$0x4] =	stream.linear.gather [hbm4b:s20+s3], $0x80, $0x38;
	[tilespmem:$0x1FAB0] =	vst v63  }
0xb6: {  	s22 =	sadd.s32 $0x0, s15  }
0xb7: {  	[tilespmem:s4], [sflag:$0x6] =	stream.linear.gather [hbm4b:s22+s3], $0x80, $0x38;
	[tilespmem:$0x1FAB0] =	vst v63  }
0xb8: {  	_ =	swait.ge [sflag:s5], $0x4800  }
0xb9: {  	[sflag:s5] =	ssyncset.done $0x0  }
0xba: {  	[sflag:s5] =	ssyncadd.s32 $0xFFFFB800  }
0xbb: {  	_ =	swait.ge [sflag:s6], $0x80  }
0xbc: {  	[sflag:s6] =	ssyncset.done $0x0  }
0xbd: {  	[sflag:s6] =	ssyncadd.s32 $0xFFFFFF80  }
0xbe: {  	_ =	swait.ge [sflag:s14], $0x4800  }
0xbf: {  	[sflag:s14] =	ssyncset.done $0x0  }
0xc0: {  	[sflag:s14] =	ssyncadd.s32 $0xFFFFB800  }
0xc1: {  	[tilespmem:s7], [sflag:$0x2] =	stream.indirect.gather [hbm4b:s12+s29], $0x90, s0, s29, $0xb8;
	[tilespmem:$0x1FAB0] =	vst v63  }
0xc2: {  	_ =	swait.ge [sflag:s8], $0x80  }
0xc3: {  	[sflag:s8] =	ssyncset.done $0x0  }
0xc4: {  	s23 =	rddreg [dreg:$0x13];
	[sflag:s8] =	ssyncadd.s32 $0xFFFFFF80  }
0xc5: {  	[spmem:s2] =	stream.indirect.scatter.add.f32 [tilespmem:s31], [sflag:$0x7], $0x90, s29, s29, $0xb8;
	[tilespmem:$0x1FAB0] =	vst v63  }
0xc6: {  	s15 =	rddreg [dreg:$0x12];
	s20 =	sadd.s32 $0x0, s23  }
0xc7: {  	[tilespmem:s3], [sflag:$0x3] =	stream.linear.gather [hbm4b:s20+s3], $0x80, $0x38;
	[tilespmem:$0x1FAB0] =	vst v63  }
0xc8: {  	s22 =	sadd.s32 $0x0, s15  }
0xc9: {  	[tilespmem:s29], [sflag:$0x5] =	stream.linear.gather [hbm4b:s22+s3], $0x80, $0x38;
	[tilespmem:$0x1FAB0] =	vst v63  }
0xca: {  	_ =	swait.ge [sflag:s9], $0x4800  }
0xcb: {  	[sflag:s9] =	ssyncset.done $0x0  }
0xcc: {  	[sflag:s9] =	ssyncadd.s32 $0xFFFFB800  }
0xcd: {  	_ =	swait.ge [sflag:s30], $0x80  }
0xce: {  	[sflag:s30] =	ssyncset.done $0x0  }
0xcf: {  	[sflag:s30] =	ssyncadd.s32 $0xFFFFFF80  }
0xd0: {  	_ =	swait.ge [sflag:s10], $0x4800  }
0xd1: {  	[sflag:s10] =	ssyncset.done $0x0  }
0xd2: {  	[sflag:s10] =	ssyncadd.s32 $0xFFFFB800  }
0xd3: {  	[tilespmem:s31], [sflag:$0x1] =	stream.indirect.gather [hbm4b:s12+s29], $0x90, s3, s29, $0xb8;
	[tilespmem:$0x1FAB0] =	vst v63  }
0xd4: {  	_ =	swait.ge [sflag:s11], $0x80  }
0xd5: {  	[sflag:s11] =	ssyncset.done $0x0  }
0xd6: {  	s23 =	rddreg [dreg:$0x11];
	[sflag:s11] =	ssyncadd.s32 $0xFFFFFF80  }
0xd7: {  	[spmem:s2] =	stream.indirect.scatter.add.f32 [tilespmem:s7], [sflag:$0x8], $0x90, s4, s29, $0xb8;
	[tilespmem:$0x1FAB0] =	vst v63  }
0xd8: {  	s15 =	rddreg [dreg:$0x10];
	s20 =	sadd.s32 $0x0, s23  }
0xd9: {  	[tilespmem:s0], [sflag:$0x4] =	stream.linear.gather [hbm4b:s20+s3], $0x80, $0x38;
	[tilespmem:$0x1FAB0] =	vst v63  }
0xda: {  	s22 =	sadd.s32 $0x0, s15  }
0xdb: {  	[tilespmem:s4], [sflag:$0x6] =	stream.linear.gather [hbm4b:s22+s3], $0x80, $0x38;
	[tilespmem:$0x1FAB0] =	vst v63  }
0xdc: {  	_ =	swait.ge [sflag:s5], $0x4800  }
0xdd: {  	[sflag:s5] =	ssyncset.done $0x0  }
0xde: {  	[sflag:s5] =	ssyncadd.s32 $0xFFFFB800  }
0xdf: {  	_ =	swait.ge [sflag:s6], $0x80  }
0xe0: {  	[sflag:s6] =	ssyncset.done $0x0  }
0xe1: {  	[sflag:s6] =	ssyncadd.s32 $0xFFFFFF80  }
0xe2: {  	_ =	swait.ge [sflag:s14], $0x4800  }
0xe3: {  	[sflag:s14] =	ssyncset.done $0x0  }
0xe4: {  	[sflag:s14] =	ssyncadd.s32 $0xFFFFB800  }
0xe5: {  	[tilespmem:s7], [sflag:$0x2] =	stream.indirect.gather [hbm4b:s12+s29], $0x90, s0, s29, $0xb8;
	[tilespmem:$0x1FAB0] =	vst v63  }
0xe6: {  	_ =	swait.ge [sflag:s8], $0x80  }
0xe7: {  	[sflag:s8] =	ssyncset.done $0x0  }
0xe8: {  	s23 =	rddreg [dreg:$0xf];
	[sflag:s8] =	ssyncadd.s32 $0xFFFFFF80  }
0xe9: {  	[spmem:s2] =	stream.indirect.scatter.add.f32 [tilespmem:s31], [sflag:$0x7], $0x90, s29, s29, $0xb8;
	[tilespmem:$0x1FAB0] =	vst v63  }
0xea: {  	s15 =	rddreg [dreg:$0xe];
	s20 =	sadd.s32 $0x0, s23  }
0xeb: {  	[tilespmem:s3], [sflag:$0x3] =	stream.linear.gather [hbm4b:s20+s3], $0x80, $0x38;
	[tilespmem:$0x1FAB0] =	vst v63  }
0xec: {  	s22 =	sadd.s32 $0x0, s15  }
0xed: {  	[tilespmem:s29], [sflag:$0x5] =	stream.linear.gather [hbm4b:s22+s3], $0x80, $0x38;
	[tilespmem:$0x1FAB0] =	vst v63  }
0xee: {  	_ =	swait.ge [sflag:s9], $0x4800  }
0xef: {  	[sflag:s9] =	ssyncset.done $0x0  }
0xf0: {  	[sflag:s9] =	ssyncadd.s32 $0xFFFFB800  }
0xf1: {  	_ =	swait.ge [sflag:s30], $0x80  }
0xf2: {  	[sflag:s30] =	ssyncset.done $0x0  }
0xf3: {  	[sflag:s30] =	ssyncadd.s32 $0xFFFFFF80  }
0xf4: {  	_ =	swait.ge [sflag:s10], $0x4800  }
0xf5: {  	[sflag:s10] =	ssyncset.done $0x0  }
0xf6: {  	[sflag:s10] =	ssyncadd.s32 $0xFFFFB800  }
0xf7: {  	[tilespmem:s31], [sflag:$0x1] =	stream.indirect.gather [hbm4b:s12+s29], $0x90, s3, s29, $0xb8;
	[tilespmem:$0x1FAB0] =	vst v63  }
0xf8: {  	_ =	swait.ge [sflag:s11], $0x80  }
0xf9: {  	[sflag:s11] =	ssyncset.done $0x0  }
0xfa: {  	s23 =	rddreg [dreg:$0xd];
	[sflag:s11] =	ssyncadd.s32 $0xFFFFFF80  }
0xfb: {  	[spmem:s2] =	stream.indirect.scatter.add.f32 [tilespmem:s7], [sflag:$0x8], $0x90, s4, s29, $0xb8;
	[tilespmem:$0x1FAB0] =	vst v63  }
0xfc: {  	s15 =	rddreg [dreg:$0xc];
	s20 =	sadd.s32 $0x0, s23  }
0xfd: {  	[tilespmem:s0], [sflag:$0x4] =	stream.linear.gather [hbm4b:s20+s3], $0x80, $0x38;
	[tilespmem:$0x1FAB0] =	vst v63  }
0xfe: {  	s22 =	sadd.s32 $0x0, s15  }
0xff: {  	[tilespmem:s4], [sflag:$0x6] =	stream.linear.gather [hbm4b:s22+s3], $0x80, $0x38;
	[tilespmem:$0x1FAB0] =	vst v63  }
0x100: {  	_ =	swait.ge [sflag:s5], $0x4800  }
0x101: {  	[sflag:s5] =	ssyncset.done $0x0  }
0x102: {  	[sflag:s5] =	ssyncadd.s32 $0xFFFFB800  }
0x103: {  	_ =	swait.ge [sflag:s6], $0x80  }
0x104: {  	[sflag:s6] =	ssyncset.done $0x0  }
0x105: {  	[sflag:s6] =	ssyncadd.s32 $0xFFFFFF80  }
0x106: {  	_ =	swait.ge [sflag:s14], $0x4800  }
0x107: {  	[sflag:s14] =	ssyncset.done $0x0  }
0x108: {  	[sflag:s14] =	ssyncadd.s32 $0xFFFFB800  }
0x109: {  	[tilespmem:s7], [sflag:$0x2] =	stream.indirect.gather [hbm4b:s12+s29], $0x90, s0, s29, $0xb8;
	[tilespmem:$0x1FAB0] =	vst v63  }
0x10a: {  	_ =	swait.ge [sflag:s8], $0x80  }
0x10b: {  	[sflag:s8] =	ssyncset.done $0x0  }
0x10c: {  	s23 =	rddreg [dreg:$0xb];
	[sflag:s8] =	ssyncadd.s32 $0xFFFFFF80  }
0x10d: {  	[spmem:s2] =	stream.indirect.scatter.add.f32 [tilespmem:s31], [sflag:$0x7], $0x90, s29, s29, $0xb8;
	[tilespmem:$0x1FAB0] =	vst v63  }
0x10e: {  	s15 =	rddreg [dreg:$0xa];
	s20 =	sadd.s32 $0x0, s23  }
0x10f: {  	[tilespmem:s3], [sflag:$0x3] =	stream.linear.gather [hbm4b:s20+s3], $0x80, $0x38;
	[tilespmem:$0x1FAB0] =	vst v63  }
0x110: {  	s21 =	sadd.s32 $0x0, s15  }
0x111: {  	[tilespmem:s29], [sflag:$0x5] =	stream.linear.gather [hbm4b:s21+s3], $0x80, $0x38;
	[tilespmem:$0x1FAB0] =	vst v63  }
0x112: {  	_ =	swait.ge [sflag:s9], $0x4800  }
0x113: {  	[sflag:s9] =	ssyncset.done $0x0  }
0x114: {  	[sflag:s9] =	ssyncadd.s32 $0xFFFFB800  }
0x115: {  	_ =	swait.ge [sflag:s30], $0x80  }
0x116: {  	[sflag:s30] =	ssyncset.done $0x0  }
0x117: {  	[sflag:s30] =	ssyncadd.s32 $0xFFFFFF80  }
0x118: {  	_ =	swait.ge [sflag:s10], $0x4800  }
0x119: {  	[sflag:s10] =	ssyncset.done $0x0  }
0x11a: {  	[sflag:s10] =	ssyncadd.s32 $0xFFFFB800  }
0x11b: {  	[tilespmem:s31], [sflag:$0x1] =	stream.indirect.gather [hbm4b:s12+s29], $0x90, s3, s29, $0xb8;
	[tilespmem:$0x1FAB0] =	vst v63  }
0x11c: {  	_ =	swait.ge [sflag:s11], $0x80  }
0x11d: {  	[sflag:s11] =	ssyncset.done $0x0  }
0x11e: {  	s22 =	rddreg [dreg:$0x9];
	[sflag:s11] =	ssyncadd.s32 $0xFFFFFF80  }
0x11f: {  	[spmem:s2] =	stream.indirect.scatter.add.f32 [tilespmem:s7], [sflag:$0x8], $0x90, s4, s29, $0xb8;
	[tilespmem:$0x1FAB0] =	vst v63  }
0x120: {  	s23 =	rddreg [dreg:$0x8];
	s20 =	sadd.s32 $0x0, s22  }
0x121: {  	[tilespmem:s0], [sflag:$0x4] =	stream.linear.gather [hbm4b:s20+s3], $0x80, $0x38;
	[tilespmem:$0x1FAB0] =	vst v63  }
0x122: {  	s15 =	sadd.s32 $0x0, s23  }
0x123: {  	[tilespmem:s4], [sflag:$0x6] =	stream.linear.gather [hbm4b:s15+s3], $0x80, $0x38;
	[tilespmem:$0x1FAB0] =	vst v63  }
0x124: {  	_ =	swait.ge [sflag:s5], $0x4800  }
0x125: {  	[sflag:s5] =	ssyncset.done $0x0  }
0x126: {  	[sflag:s5] =	ssyncadd.s32 $0xFFFFB800  }
0x127: {  	_ =	swait.ge [sflag:s6], $0x80  }
0x128: {  	[sflag:s6] =	ssyncset.done $0x0  }
0x129: {  	[sflag:s6] =	ssyncadd.s32 $0xFFFFFF80  }
0x12a: {  	_ =	swait.ge [sflag:s14], $0x4800  }
0x12b: {  	[sflag:s14] =	ssyncset.done $0x0  }
0x12c: {  	[sflag:s14] =	ssyncadd.s32 $0xFFFFB800  }
0x12d: {  	[tilespmem:s7], [sflag:$0x2] =	stream.indirect.gather [hbm4b:s12+s29], $0x90, s0, s29, $0xb8;
	[tilespmem:$0x1FAB0] =	vst v63  }
0x12e: {  	_ =	swait.ge [sflag:s8], $0x80  }
0x12f: {  	[sflag:s8] =	ssyncset.done $0x0  }
0x130: {  	s21 =	rddreg [dreg:$0x7];
	[sflag:s8] =	ssyncadd.s32 $0xFFFFFF80  }
0x131: {  	[spmem:s2] =	stream.indirect.scatter.add.f32 [tilespmem:s31], [sflag:$0x7], $0x90, s29, s29, $0xb8;
	[tilespmem:$0x1FAB0] =	vst v63  }
0x132: {  	s22 =	rddreg [dreg:$0x6];
	s20 =	sadd.s32 $0x0, s21  }
0x133: {  	[tilespmem:s3], [sflag:$0x3] =	stream.linear.gather [hbm4b:s20+s3], $0x80, $0x38;
	[tilespmem:$0x1FAB0] =	vst v63  }
0x134: {  	s23 =	sadd.s32 $0x0, s22  }
0x135: {  	[tilespmem:s29], [sflag:$0x5] =	stream.linear.gather [hbm4b:s23+s3], $0x80, $0x38;
	[tilespmem:$0x1FAB0] =	vst v63  }
0x136: {  	_ =	swait.ge [sflag:s9], $0x4800  }
0x137: {  	[sflag:s9] =	ssyncset.done $0x0  }
0x138: {  	[sflag:s9] =	ssyncadd.s32 $0xFFFFB800  }
0x139: {  	_ =	swait.ge [sflag:s30], $0x80  }
0x13a: {  	[sflag:s30] =	ssyncset.done $0x0  }
0x13b: {  	[sflag:s30] =	ssyncadd.s32 $0xFFFFFF80  }
0x13c: {  	_ =	swait.ge [sflag:s10], $0x4800  }
0x13d: {  	[sflag:s10] =	ssyncset.done $0x0  }
0x13e: {  	[sflag:s10] =	ssyncadd.s32 $0xFFFFB800  }
0x13f: {  	[tilespmem:s31], [sflag:$0x1] =	stream.indirect.gather [hbm4b:s12+s29], $0x90, s3, s29, $0xb8;
	[tilespmem:$0x1FAB0] =	vst v63  }
0x140: {  	_ =	swait.ge [sflag:s11], $0x80  }
0x141: {  	[sflag:s11] =	ssyncset.done $0x0  }
0x142: {  	[sflag:s11] =	ssyncadd.s32 $0xFFFFFF80  }
0x143: {  	[spmem:s2] =	stream.indirect.scatter.add.f32 [tilespmem:s7], [sflag:$0x8], $0x90, s4, s29, $0xb8;
	[tilespmem:$0x1FAB0] =	vst v63  }
0x144: {  	_ =	swait.ge [sflag:s5], $0x4800  }
0x145: {  	[sflag:s5] =	ssyncset.done $0x0  }
0x146: {  	[sflag:s5] =	ssyncadd.s32 $0xFFFFB800  }
0x147: {  	_ =	swait.ge [sflag:s8], $0x80  }
0x148: {  	[sflag:s8] =	ssyncset.done $0x0  }
0x149: {  	[sflag:s8] =	ssyncadd.s32 $0xFFFFFF80  }
0x14a: {  	[spmem:s2] =	stream.indirect.scatter.add.f32 [tilespmem:s31], [sflag:$0x7], $0x90, s29, s29, $0xb8;
	[tilespmem:$0x1FAB0] =	vst v63  }
0x14b: {  	_ =	swait.ge [sflag:s10], $0x4800  }
0x14c: {  	p3 =	por @!p0 $0x0, $0x0;
	p4 =	por @!p1 $0x1, $0x1;
	[sflag:s10] =	ssyncset.done $0x0  }
0x14d: {  	p4 =	por @!p2 p3, p3;
	p3 =	por $0x0, $0x0;
	[sflag:s10] =	ssyncadd.s32 $0xFFFFB800  }
0x14e: {  	p3 =	por @!p0 p4, p4;
	s21 =	simm.s32 $0x1A0;
	_ =	swait.ge [sflag:s14], $0x4800  }
0x14f: {  	s20 =	simm.s32 $0xD0;
	s23 =	rddreg [dreg:$0x5];
	[sflag:s14] =	ssyncset.done $0x0  }
.LBB2_2:
0x150: {  	[sflag:s14] =	ssyncadd.s32 $0xFFFFB800;
	s15 =	rddreg [dreg:$0x4];
	s23 =	sadd.s32 s20, s23  }
0x151: {  	[tilespmem:s3], [sflag:$0x3] =	stream.linear.gather [hbm4b:s23+s3], $0x80, $0x38;
	[tilespmem:$0x1FAB0] =	vst v63  }
0x152: {  	s15 =	sadd.s32 s20, s15  }
0x153: {  	[tilespmem:s29], [sflag:$0x5] =	stream.linear.gather [hbm4b:s15+s3], $0x80, $0x38;
	[tilespmem:$0x1FAB0] =	vst v63  }
0x154: {  	_ =	swait.ge [sflag:s30], $0x80  }
0x155: {  	[sflag:s30] =	ssyncset.done $0x0  }
0x156: {  	s15 =	rddreg [dreg:$0x1d];
	[sflag:s30] =	ssyncadd.s32 $0xFFFFFF80  }
0x157: {  	[tilespmem:s31], [sflag:$0x1] =	stream.indirect.gather [hbm4b:s12+s29], $0x90, s3, s29, $0xb8;
	[tilespmem:$0x1FAB0] =	vst v63  }
0x158: {  	s23 =	rddreg [dreg:$0x1c];
	s15 =	sadd.s32 s20, s15  }
0x159: {  	[tilespmem:s0], [sflag:$0x4] =	stream.linear.gather [hbm4b:s15+s3], $0x80, $0x38;
	[tilespmem:$0x1FAB0] =	vst v63  }
0x15a: {  	s23 =	sadd.s32 s20, s23  }
0x15b: {  	[tilespmem:s4], [sflag:$0x6] =	stream.linear.gather [hbm4b:s23+s3], $0x80, $0x38;
	[tilespmem:$0x1FAB0] =	vst v63  }
0x15c: {  	_ =	swait.ge [sflag:s5], $0x4800  }
0x15d: {  	[sflag:s5] =	ssyncset.done $0x0  }
0x15e: {  	[sflag:s5] =	ssyncadd.s32 $0xFFFFB800  }
0x15f: {  	_ =	swait.ge [sflag:s6], $0x80  }
0x160: {  	[sflag:s6] =	ssyncset.done $0x0  }
0x161: {  	[sflag:s6] =	ssyncadd.s32 $0xFFFFFF80  }
0x162: {  	[tilespmem:s7], [sflag:$0x2] =	stream.indirect.gather [hbm4b:s12+s29], $0x90, s0, s29, $0xb8;
	[tilespmem:$0x1FAB0] =	vst v63  }
0x163: {  	_ =	swait.ge [sflag:s8], $0x80  }
0x164: {  	[sflag:s8] =	ssyncset.done $0x0  }
0x165: {  	s15 =	rddreg [dreg:$0x1b];
	[sflag:s8] =	ssyncadd.s32 $0xFFFFFF80  }
0x166: {  	[spmem:s2] =	stream.indirect.scatter.add.f32 [tilespmem:s31], [sflag:$0x7], $0x90, s29, s29, $0xb8;
	[tilespmem:$0x1FAB0] =	vst v63  }
0x167: {  	s23 =	rddreg [dreg:$0x1a];
	s15 =	sadd.s32 s20, s15  }
0x168: {  	[tilespmem:s3], [sflag:$0x3] =	stream.linear.gather [hbm4b:s15+s3], $0x80, $0x38;
	[tilespmem:$0x1FAB0] =	vst v63  }
0x169: {  	s23 =	sadd.s32 s20, s23  }
0x16a: {  	[tilespmem:s29], [sflag:$0x5] =	stream.linear.gather [hbm4b:s23+s3], $0x80, $0x38;
	[tilespmem:$0x1FAB0] =	vst v63  }
0x16b: {  	_ =	swait.ge [sflag:s9], $0x4800  }
0x16c: {  	[sflag:s9] =	ssyncset.done $0x0  }
0x16d: {  	[sflag:s9] =	ssyncadd.s32 $0xFFFFB800  }
0x16e: {  	_ =	swait.ge [sflag:s30], $0x80  }
0x16f: {  	[sflag:s30] =	ssyncset.done $0x0  }
0x170: {  	[sflag:s30] =	ssyncadd.s32 $0xFFFFFF80  }
0x171: {  	_ =	swait.ge [sflag:s10], $0x4800  }
0x172: {  	[sflag:s10] =	ssyncset.done $0x0  }
0x173: {  	[sflag:s10] =	ssyncadd.s32 $0xFFFFB800  }
0x174: {  	[tilespmem:s31], [sflag:$0x1] =	stream.indirect.gather [hbm4b:s12+s29], $0x90, s3, s29, $0xb8;
	[tilespmem:$0x1FAB0] =	vst v63  }
0x175: {  	_ =	swait.ge [sflag:s11], $0x80  }
0x176: {  	[sflag:s11] =	ssyncset.done $0x0  }
0x177: {  	s15 =	rddreg [dreg:$0x19];
	[sflag:s11] =	ssyncadd.s32 $0xFFFFFF80  }
0x178: {  	[spmem:s2] =	stream.indirect.scatter.add.f32 [tilespmem:s7], [sflag:$0x8], $0x90, s4, s29, $0xb8;
	[tilespmem:$0x1FAB0] =	vst v63  }
0x179: {  	s23 =	rddreg [dreg:$0x18];
	s15 =	sadd.s32 s20, s15  }
0x17a: {  	[tilespmem:s0], [sflag:$0x4] =	stream.linear.gather [hbm4b:s15+s3], $0x80, $0x38;
	[tilespmem:$0x1FAB0] =	vst v63  }
0x17b: {  	s23 =	sadd.s32 s20, s23  }
0x17c: {  	[tilespmem:s4], [sflag:$0x6] =	stream.linear.gather [hbm4b:s23+s3], $0x80, $0x38;
	[tilespmem:$0x1FAB0] =	vst v63  }
0x17d: {  	_ =	swait.ge [sflag:s5], $0x4800  }
0x17e: {  	[sflag:s5] =	ssyncset.done $0x0  }
0x17f: {  	[sflag:s5] =	ssyncadd.s32 $0xFFFFB800  }
0x180: {  	_ =	swait.ge [sflag:s6], $0x80  }
0x181: {  	[sflag:s6] =	ssyncset.done $0x0  }
0x182: {  	[sflag:s6] =	ssyncadd.s32 $0xFFFFFF80  }
0x183: {  	_ =	swait.ge [sflag:s14], $0x4800  }
0x184: {  	[sflag:s14] =	ssyncset.done $0x0  }
0x185: {  	[sflag:s14] =	ssyncadd.s32 $0xFFFFB800  }
0x186: {  	[tilespmem:s7], [sflag:$0x2] =	stream.indirect.gather [hbm4b:s12+s29], $0x90, s0, s29, $0xb8;
	[tilespmem:$0x1FAB0] =	vst v63  }
0x187: {  	_ =	swait.ge [sflag:s8], $0x80  }
0x188: {  	[sflag:s8] =	ssyncset.done $0x0  }
0x189: {  	s15 =	rddreg [dreg:$0x17];
	[sflag:s8] =	ssyncadd.s32 $0xFFFFFF80  }
0x18a: {  	[spmem:s2] =	stream.indirect.scatter.add.f32 [tilespmem:s31], [sflag:$0x7], $0x90, s29, s29, $0xb8;
	[tilespmem:$0x1FAB0] =	vst v63  }
0x18b: {  	s23 =	rddreg [dreg:$0x16];
	s15 =	sadd.s32 s20, s15  }
0x18c: {  	[tilespmem:s3], [sflag:$0x3] =	stream.linear.gather [hbm4b:s15+s3], $0x80, $0x38;
	[tilespmem:$0x1FAB0] =	vst v63  }
0x18d: {  	s23 =	sadd.s32 s20, s23  }
0x18e: {  	[tilespmem:s29], [sflag:$0x5] =	stream.linear.gather [hbm4b:s23+s3], $0x80, $0x38;
	[tilespmem:$0x1FAB0] =	vst v63  }
0x18f: {  	_ =	swait.ge [sflag:s9], $0x4800  }
0x190: {  	[sflag:s9] =	ssyncset.done $0x0  }
0x191: {  	[sflag:s9] =	ssyncadd.s32 $0xFFFFB800  }
0x192: {  	_ =	swait.ge [sflag:s30], $0x80  }
0x193: {  	[sflag:s30] =	ssyncset.done $0x0  }
0x194: {  	[sflag:s30] =	ssyncadd.s32 $0xFFFFFF80  }
0x195: {  	_ =	swait.ge [sflag:s10], $0x4800  }
0x196: {  	[sflag:s10] =	ssyncset.done $0x0  }
0x197: {  	[sflag:s10] =	ssyncadd.s32 $0xFFFFB800  }
0x198: {  	[tilespmem:s31], [sflag:$0x1] =	stream.indirect.gather [hbm4b:s12+s29], $0x90, s3, s29, $0xb8;
	[tilespmem:$0x1FAB0] =	vst v63  }
0x199: {  	_ =	swait.ge [sflag:s11], $0x80  }
0x19a: {  	[sflag:s11] =	ssyncset.done $0x0  }
0x19b: {  	s15 =	rddreg [dreg:$0x15];
	[sflag:s11] =	ssyncadd.s32 $0xFFFFFF80  }
0x19c: {  	[spmem:s2] =	stream.indirect.scatter.add.f32 [tilespmem:s7], [sflag:$0x8], $0x90, s4, s29, $0xb8;
	[tilespmem:$0x1FAB0] =	vst v63  }
0x19d: {  	s23 =	rddreg [dreg:$0x14];
	s15 =	sadd.s32 s20, s15  }
0x19e: {  	[tilespmem:s0], [sflag:$0x4] =	stream.linear.gather [hbm4b:s15+s3], $0x80, $0x38;
	[tilespmem:$0x1FAB0] =	vst v63  }
0x19f: {  	s23 =	sadd.s32 s20, s23  }
0x1a0: {  	[tilespmem:s4], [sflag:$0x6] =	stream.linear.gather [hbm4b:s23+s3], $0x80, $0x38;
	[tilespmem:$0x1FAB0] =	vst v63  }
0x1a1: {  	_ =	swait.ge [sflag:s5], $0x4800  }
0x1a2: {  	[sflag:s5] =	ssyncset.done $0x0  }
0x1a3: {  	[sflag:s5] =	ssyncadd.s32 $0xFFFFB800  }
0x1a4: {  	_ =	swait.ge [sflag:s6], $0x80  }
0x1a5: {  	[sflag:s6] =	ssyncset.done $0x0  }
0x1a6: {  	[sflag:s6] =	ssyncadd.s32 $0xFFFFFF80  }
0x1a7: {  	_ =	swait.ge [sflag:s14], $0x4800  }
0x1a8: {  	[sflag:s14] =	ssyncset.done $0x0  }
0x1a9: {  	[sflag:s14] =	ssyncadd.s32 $0xFFFFB800  }
0x1aa: {  	[tilespmem:s7], [sflag:$0x2] =	stream.indirect.gather [hbm4b:s12+s29], $0x90, s0, s29, $0xb8;
	[tilespmem:$0x1FAB0] =	vst v63  }
0x1ab: {  	_ =	swait.ge [sflag:s8], $0x80  }
0x1ac: {  	[sflag:s8] =	ssyncset.done $0x0  }
0x1ad: {  	s15 =	rddreg [dreg:$0x13];
	[sflag:s8] =	ssyncadd.s32 $0xFFFFFF80  }
0x1ae: {  	[spmem:s2] =	stream.indirect.scatter.add.f32 [tilespmem:s31], [sflag:$0x7], $0x90, s29, s29, $0xb8;
	[tilespmem:$0x1FAB0] =	vst v63  }
0x1af: {  	s23 =	rddreg [dreg:$0x12];
	s15 =	sadd.s32 s20, s15  }
0x1b0: {  	[tilespmem:s3], [sflag:$0x3] =	stream.linear.gather [hbm4b:s15+s3], $0x80, $0x38;
	[tilespmem:$0x1FAB0] =	vst v63  }
0x1b1: {  	s23 =	sadd.s32 s20, s23  }
0x1b2: {  	[tilespmem:s29], [sflag:$0x5] =	stream.linear.gather [hbm4b:s23+s3], $0x80, $0x38;
	[tilespmem:$0x1FAB0] =	vst v63  }
0x1b3: {  	_ =	swait.ge [sflag:s9], $0x4800  }
0x1b4: {  	[sflag:s9] =	ssyncset.done $0x0  }
0x1b5: {  	[sflag:s9] =	ssyncadd.s32 $0xFFFFB800  }
0x1b6: {  	_ =	swait.ge [sflag:s30], $0x80  }
0x1b7: {  	[sflag:s30] =	ssyncset.done $0x0  }
0x1b8: {  	[sflag:s30] =	ssyncadd.s32 $0xFFFFFF80  }
0x1b9: {  	_ =	swait.ge [sflag:s10], $0x4800  }
0x1ba: {  	[sflag:s10] =	ssyncset.done $0x0  }
0x1bb: {  	[sflag:s10] =	ssyncadd.s32 $0xFFFFB800  }
0x1bc: {  	[tilespmem:s31], [sflag:$0x1] =	stream.indirect.gather [hbm4b:s12+s29], $0x90, s3, s29, $0xb8;
	[tilespmem:$0x1FAB0] =	vst v63  }
0x1bd: {  	_ =	swait.ge [sflag:s11], $0x80  }
0x1be: {  	[sflag:s11] =	ssyncset.done $0x0  }
0x1bf: {  	s15 =	rddreg [dreg:$0x11];
	[sflag:s11] =	ssyncadd.s32 $0xFFFFFF80  }
0x1c0: {  	[spmem:s2] =	stream.indirect.scatter.add.f32 [tilespmem:s7], [sflag:$0x8], $0x90, s4, s29, $0xb8;
	[tilespmem:$0x1FAB0] =	vst v63  }
0x1c1: {  	s23 =	rddreg [dreg:$0x10];
	s15 =	sadd.s32 s20, s15  }
0x1c2: {  	[tilespmem:s0], [sflag:$0x4] =	stream.linear.gather [hbm4b:s15+s3], $0x80, $0x38;
	[tilespmem:$0x1FAB0] =	vst v63  }
0x1c3: {  	s23 =	sadd.s32 s20, s23  }
0x1c4: {  	[tilespmem:s4], [sflag:$0x6] =	stream.linear.gather [hbm4b:s23+s3], $0x80, $0x38;
	[tilespmem:$0x1FAB0] =	vst v63  }
0x1c5: {  	_ =	swait.ge [sflag:s5], $0x4800  }
0x1c6: {  	[sflag:s5] =	ssyncset.done $0x0  }
0x1c7: {  	[sflag:s5] =	ssyncadd.s32 $0xFFFFB800  }
0x1c8: {  	_ =	swait.ge [sflag:s6], $0x80  }
0x1c9: {  	[sflag:s6] =	ssyncset.done $0x0  }
0x1ca: {  	[sflag:s6] =	ssyncadd.s32 $0xFFFFFF80  }
0x1cb: {  	_ =	swait.ge [sflag:s14], $0x4800  }
0x1cc: {  	[sflag:s14] =	ssyncset.done $0x0  }
0x1cd: {  	[sflag:s14] =	ssyncadd.s32 $0xFFFFB800  }
0x1ce: {  	[tilespmem:s7], [sflag:$0x2] =	stream.indirect.gather [hbm4b:s12+s29], $0x90, s0, s29, $0xb8;
	[tilespmem:$0x1FAB0] =	vst v63  }
0x1cf: {  	_ =	swait.ge [sflag:s8], $0x80  }
0x1d0: {  	[sflag:s8] =	ssyncset.done $0x0  }
0x1d1: {  	s15 =	rddreg [dreg:$0xf];
	[sflag:s8] =	ssyncadd.s32 $0xFFFFFF80  }
0x1d2: {  	[spmem:s2] =	stream.indirect.scatter.add.f32 [tilespmem:s31], [sflag:$0x7], $0x90, s29, s29, $0xb8;
	[tilespmem:$0x1FAB0] =	vst v63  }
0x1d3: {  	s23 =	rddreg [dreg:$0xe];
	s15 =	sadd.s32 s20, s15  }
0x1d4: {  	[tilespmem:s3], [sflag:$0x3] =	stream.linear.gather [hbm4b:s15+s3], $0x80, $0x38;
	[tilespmem:$0x1FAB0] =	vst v63  }
0x1d5: {  	s23 =	sadd.s32 s20, s23  }
0x1d6: {  	[tilespmem:s29], [sflag:$0x5] =	stream.linear.gather [hbm4b:s23+s3], $0x80, $0x38;
	[tilespmem:$0x1FAB0] =	vst v63  }
0x1d7: {  	_ =	swait.ge [sflag:s9], $0x4800  }
0x1d8: {  	[sflag:s9] =	ssyncset.done $0x0  }
0x1d9: {  	[sflag:s9] =	ssyncadd.s32 $0xFFFFB800  }
0x1da: {  	_ =	swait.ge [sflag:s30], $0x80  }
0x1db: {  	[sflag:s30] =	ssyncset.done $0x0  }
0x1dc: {  	[sflag:s30] =	ssyncadd.s32 $0xFFFFFF80  }
0x1dd: {  	_ =	swait.ge [sflag:s10], $0x4800  }
0x1de: {  	[sflag:s10] =	ssyncset.done $0x0  }
0x1df: {  	[sflag:s10] =	ssyncadd.s32 $0xFFFFB800  }
0x1e0: {  	[tilespmem:s31], [sflag:$0x1] =	stream.indirect.gather [hbm4b:s12+s29], $0x90, s3, s29, $0xb8;
	[tilespmem:$0x1FAB0] =	vst v63  }
0x1e1: {  	_ =	swait.ge [sflag:s11], $0x80  }
0x1e2: {  	[sflag:s11] =	ssyncset.done $0x0  }
0x1e3: {  	s15 =	rddreg [dreg:$0xd];
	[sflag:s11] =	ssyncadd.s32 $0xFFFFFF80  }
0x1e4: {  	[spmem:s2] =	stream.indirect.scatter.add.f32 [tilespmem:s7], [sflag:$0x8], $0x90, s4, s29, $0xb8;
	[tilespmem:$0x1FAB0] =	vst v63  }
0x1e5: {  	s23 =	rddreg [dreg:$0xc];
	s15 =	sadd.s32 s20, s15  }
0x1e6: {  	[tilespmem:s0], [sflag:$0x4] =	stream.linear.gather [hbm4b:s15+s3], $0x80, $0x38;
	[tilespmem:$0x1FAB0] =	vst v63  }
0x1e7: {  	s23 =	sadd.s32 s20, s23  }
0x1e8: {  	[tilespmem:s4], [sflag:$0x6] =	stream.linear.gather [hbm4b:s23+s3], $0x80, $0x38;
	[tilespmem:$0x1FAB0] =	vst v63  }
0x1e9: {  	_ =	swait.ge [sflag:s5], $0x4800  }
0x1ea: {  	[sflag:s5] =	ssyncset.done $0x0  }
0x1eb: {  	[sflag:s5] =	ssyncadd.s32 $0xFFFFB800  }
0x1ec: {  	_ =	swait.ge [sflag:s6], $0x80  }
0x1ed: {  	[sflag:s6] =	ssyncset.done $0x0  }
0x1ee: {  	[sflag:s6] =	ssyncadd.s32 $0xFFFFFF80  }
0x1ef: {  	_ =	swait.ge [sflag:s14], $0x4800  }
0x1f0: {  	[sflag:s14] =	ssyncset.done $0x0  }
0x1f1: {  	[sflag:s14] =	ssyncadd.s32 $0xFFFFB800  }
0x1f2: {  	[tilespmem:s7], [sflag:$0x2] =	stream.indirect.gather [hbm4b:s12+s29], $0x90, s0, s29, $0xb8;
	[tilespmem:$0x1FAB0] =	vst v63  }
0x1f3: {  	_ =	swait.ge [sflag:s8], $0x80  }
0x1f4: {  	[sflag:s8] =	ssyncset.done $0x0  }
0x1f5: {  	s15 =	rddreg [dreg:$0xb];
	[sflag:s8] =	ssyncadd.s32 $0xFFFFFF80  }
0x1f6: {  	[spmem:s2] =	stream.indirect.scatter.add.f32 [tilespmem:s31], [sflag:$0x7], $0x90, s29, s29, $0xb8;
	[tilespmem:$0x1FAB0] =	vst v63  }
0x1f7: {  	s23 =	rddreg [dreg:$0xa];
	s15 =	sadd.s32 s20, s15  }
0x1f8: {  	[tilespmem:s3], [sflag:$0x3] =	stream.linear.gather [hbm4b:s15+s3], $0x80, $0x38;
	[tilespmem:$0x1FAB0] =	vst v63  }
0x1f9: {  	s23 =	sadd.s32 s20, s23  }
0x1fa: {  	[tilespmem:s29], [sflag:$0x5] =	stream.linear.gather [hbm4b:s23+s3], $0x80, $0x38;
	[tilespmem:$0x1FAB0] =	vst v63  }
0x1fb: {  	_ =	swait.ge [sflag:s9], $0x4800  }
0x1fc: {  	[sflag:s9] =	ssyncset.done $0x0  }
0x1fd: {  	[sflag:s9] =	ssyncadd.s32 $0xFFFFB800  }
0x1fe: {  	_ =	swait.ge [sflag:s30], $0x80  }
0x1ff: {  	[sflag:s30] =	ssyncset.done $0x0  }
0x200: {  	[sflag:s30] =	ssyncadd.s32 $0xFFFFFF80  }
0x201: {  	_ =	swait.ge [sflag:s10], $0x4800  }
0x202: {  	[sflag:s10] =	ssyncset.done $0x0  }
0x203: {  	[sflag:s10] =	ssyncadd.s32 $0xFFFFB800  }
0x204: {  	[tilespmem:s31], [sflag:$0x1] =	stream.indirect.gather [hbm4b:s12+s29], $0x90, s3, s29, $0xb8;
	[tilespmem:$0x1FAB0] =	vst v63  }
0x205: {  	_ =	swait.ge [sflag:s11], $0x80  }
0x206: {  	[sflag:s11] =	ssyncset.done $0x0  }
0x207: {  	s15 =	rddreg [dreg:$0x9];
	[sflag:s11] =	ssyncadd.s32 $0xFFFFFF80  }
0x208: {  	[spmem:s2] =	stream.indirect.scatter.add.f32 [tilespmem:s7], [sflag:$0x8], $0x90, s4, s29, $0xb8;
	[tilespmem:$0x1FAB0] =	vst v63  }
0x209: {  	s23 =	rddreg [dreg:$0x8];
	s15 =	sadd.s32 s20, s15  }
0x20a: {  	[tilespmem:s0], [sflag:$0x4] =	stream.linear.gather [hbm4b:s15+s3], $0x80, $0x38;
	[tilespmem:$0x1FAB0] =	vst v63  }
0x20b: {  	s23 =	sadd.s32 s20, s23  }
0x20c: {  	[tilespmem:s4], [sflag:$0x6] =	stream.linear.gather [hbm4b:s23+s3], $0x80, $0x38;
	[tilespmem:$0x1FAB0] =	vst v63  }
0x20d: {  	_ =	swait.ge [sflag:s5], $0x4800  }
0x20e: {  	[sflag:s5] =	ssyncset.done $0x0  }
0x20f: {  	[sflag:s5] =	ssyncadd.s32 $0xFFFFB800  }
0x210: {  	_ =	swait.ge [sflag:s6], $0x80  }
0x211: {  	[sflag:s6] =	ssyncset.done $0x0  }
0x212: {  	[sflag:s6] =	ssyncadd.s32 $0xFFFFFF80  }
0x213: {  	_ =	swait.ge [sflag:s14], $0x4800  }
0x214: {  	[sflag:s14] =	ssyncset.done $0x0  }
0x215: {  	[sflag:s14] =	ssyncadd.s32 $0xFFFFB800  }
0x216: {  	[tilespmem:s7], [sflag:$0x2] =	stream.indirect.gather [hbm4b:s12+s29], $0x90, s0, s29, $0xb8;
	[tilespmem:$0x1FAB0] =	vst v63  }
0x217: {  	_ =	swait.ge [sflag:s8], $0x80  }
0x218: {  	[sflag:s8] =	ssyncset.done $0x0  }
0x219: {  	s15 =	rddreg [dreg:$0x7];
	[sflag:s8] =	ssyncadd.s32 $0xFFFFFF80  }
0x21a: {  	[spmem:s2] =	stream.indirect.scatter.add.f32 [tilespmem:s31], [sflag:$0x7], $0x90, s29, s29, $0xb8;
	[tilespmem:$0x1FAB0] =	vst v63  }
0x21b: {  	s23 =	rddreg [dreg:$0x6];
	s15 =	sadd.s32 s20, s15  }
0x21c: {  	[tilespmem:s3], [sflag:$0x3] =	stream.linear.gather [hbm4b:s15+s3], $0x80, $0x38;
	[tilespmem:$0x1FAB0] =	vst v63  }
0x21d: {  	s23 =	sadd.s32 s20, s23  }
0x21e: {  	[tilespmem:s29], [sflag:$0x5] =	stream.linear.gather [hbm4b:s23+s3], $0x80, $0x38;
	[tilespmem:$0x1FAB0] =	vst v63  }
0x21f: {  	_ =	swait.ge [sflag:s9], $0x4800  }
0x220: {  	[sflag:s9] =	ssyncset.done $0x0  }
0x221: {  	[sflag:s9] =	ssyncadd.s32 $0xFFFFB800  }
0x222: {  	_ =	swait.ge [sflag:s30], $0x80  }
0x223: {  	[sflag:s30] =	ssyncset.done $0x0  }
0x224: {  	[sflag:s30] =	ssyncadd.s32 $0xFFFFFF80  }
0x225: {  	_ =	swait.ge [sflag:s10], $0x4800  }
0x226: {  	[sflag:s10] =	ssyncset.done $0x0  }
0x227: {  	[sflag:s10] =	ssyncadd.s32 $0xFFFFB800  }
0x228: {  	[tilespmem:s31], [sflag:$0x1] =	stream.indirect.gather [hbm4b:s12+s29], $0x90, s3, s29, $0xb8;
	[tilespmem:$0x1FAB0] =	vst v63  }
0x229: {  	_ =	swait.ge [sflag:s11], $0x80  }
0x22a: {  	[sflag:s11] =	ssyncset.done $0x0  }
0x22b: {  	[sflag:s11] =	ssyncadd.s32 $0xFFFFFF80  }
0x22c: {  	[spmem:s2] =	stream.indirect.scatter.add.f32 [tilespmem:s7], [sflag:$0x8], $0x90, s4, s29, $0xb8;
	[tilespmem:$0x1FAB0] =	vst v63  }
0x22d: {  	_ =	swait.ge [sflag:s5], $0x4800  }
0x22e: {  	[sflag:s5] =	ssyncset.done $0x0  }
0x22f: {  	[sflag:s5] =	ssyncadd.s32 $0xFFFFB800  }
0x230: {  	_ =	swait.ge [sflag:s8], $0x80  }
0x231: {  	[sflag:s8] =	ssyncset.done $0x0  }
0x232: {  	p4 =	sne.s32 s21, $0x410;
	[sflag:s8] =	ssyncadd.s32 $0xFFFFFF80  }
0x233: {  	[spmem:s2] =	stream.indirect.scatter.add.f32 [tilespmem:s31], [sflag:$0x7], $0x90, s29, s29, $0xb8;
	[tilespmem:$0x1FAB0] =	vst v63  }
.Ltmp0:
0x234: {  	_ =	swait.ge [sflag:s10], $0x4800;
	(pc) =	sbr.rel @p4 .LBB2_2-.Ltmp0, $4  }
0x235: {  	[sflag:s10] =	ssyncset.done $0x0  }
0x236: {  	[sflag:s10] =	ssyncadd.s32 $0xFFFFB800  }
0x237: {  	s22 =	smov.u32 s21;
	s21 =	sadd.s32 $0xD0, s21;
	_ =	swait.ge [sflag:s14], $0x4800  }
0x238: {  	s20 =	smov.u32 s22;
	s23 =	rddreg [dreg:$0x5];
	[sflag:s14] =	ssyncset.done $0x0  }
0x239: {  	s15 =	rddreg [dreg:$0x4];
	[sflag:s14] =	ssyncadd.s32 $0xFFFFB800;
	s21 =	sadd.s32 s20, s23  }
0x23a: {  	[tilespmem:s3], [sflag:$0x3] =	stream.linear.gather [hbm4b:s21+s3], $0x80, $0x38;
	[tilespmem:$0x1FAB0] =	vst v63  }
0x23b: {  	s15 =	sadd.s32 s20, s15  }
0x23c: {  	[tilespmem:s29], [sflag:$0x5] =	stream.linear.gather [hbm4b:s15+s3], $0x80, $0x38;
	[tilespmem:$0x1FAB0] =	vst v63  }
0x23d: {  	_ =	swait.ge [sflag:s30], $0x80  }
0x23e: {  	[sflag:s30] =	ssyncset.done $0x0  }
0x23f: {  	s22 =	rddreg [dreg:$0x1d];
	[sflag:s30] =	ssyncadd.s32 $0xFFFFFF80  }
0x240: {  	[tilespmem:s31], [sflag:$0x1] =	stream.indirect.gather [hbm4b:s12+s29], $0x90, s3, s29, $0xb8;
	[tilespmem:$0x1FAB0] =	vst v63  }
0x241: {  	s23 =	rddreg [dreg:$0x1c];
	s15 =	sadd.s32 s20, s22  }
0x242: {  	[tilespmem:s0], [sflag:$0x4] =	stream.linear.gather [hbm4b:s15+s3], $0x80, $0x38;
	[tilespmem:$0x1FAB0] =	vst v63  }
0x243: {  	s21 =	sadd.s32 s20, s23  }
0x244: {  	[tilespmem:s4], [sflag:$0x6] =	stream.linear.gather [hbm4b:s21+s3], $0x80, $0x38;
	[tilespmem:$0x1FAB0] =	vst v63  }
0x245: {  	_ =	swait.ge [sflag:s5], $0x4800  }
0x246: {  	[sflag:s5] =	ssyncset.done $0x0  }
0x247: {  	[sflag:s5] =	ssyncadd.s32 $0xFFFFB800  }
0x248: {  	_ =	swait.ge [sflag:s6], $0x80  }
0x249: {  	[sflag:s6] =	ssyncset.done $0x0  }
0x24a: {  	[sflag:s6] =	ssyncadd.s32 $0xFFFFFF80  }
0x24b: {  	[tilespmem:s7], [sflag:$0x2] =	stream.indirect.gather [hbm4b:s12+s29], $0x90, s0, s29, $0xb8;
	[tilespmem:$0x1FAB0] =	vst v63  }
0x24c: {  	_ =	swait.ge [sflag:s8], $0x80  }
0x24d: {  	[sflag:s8] =	ssyncset.done $0x0  }
0x24e: {  	s22 =	rddreg [dreg:$0x1b];
	[sflag:s8] =	ssyncadd.s32 $0xFFFFFF80  }
0x24f: {  	[spmem:s2] =	stream.indirect.scatter.add.f32 [tilespmem:s31], [sflag:$0x7], $0x90, s29, s29, $0xb8;
	[tilespmem:$0x1FAB0] =	vst v63  }
0x250: {  	s23 =	rddreg [dreg:$0x1a];
	s15 =	sadd.s32 s20, s22  }
0x251: {  	[tilespmem:s3], [sflag:$0x3] =	stream.linear.gather [hbm4b:s15+s3], $0x80, $0x38;
	[tilespmem:$0x1FAB0] =	vst v63  }
0x252: {  	s21 =	sadd.s32 s20, s23  }
0x253: {  	[tilespmem:s29], [sflag:$0x5] =	stream.linear.gather [hbm4b:s21+s3], $0x80, $0x38;
	[tilespmem:$0x1FAB0] =	vst v63  }
0x254: {  	_ =	swait.ge [sflag:s9], $0x4800  }
0x255: {  	[sflag:s9] =	ssyncset.done $0x0  }
0x256: {  	[sflag:s9] =	ssyncadd.s32 $0xFFFFB800  }
0x257: {  	_ =	swait.ge [sflag:s30], $0x80  }
0x258: {  	[sflag:s30] =	ssyncset.done $0x0  }
0x259: {  	[sflag:s30] =	ssyncadd.s32 $0xFFFFFF80  }
0x25a: {  	_ =	swait.ge [sflag:s10], $0x4800  }
0x25b: {  	[sflag:s10] =	ssyncset.done $0x0  }
0x25c: {  	[sflag:s10] =	ssyncadd.s32 $0xFFFFB800  }
0x25d: {  	[tilespmem:s31], [sflag:$0x1] =	stream.indirect.gather [hbm4b:s12+s29], $0x90, s3, s29, $0xb8;
	[tilespmem:$0x1FAB0] =	vst v63  }
0x25e: {  	_ =	swait.ge [sflag:s11], $0x80  }
0x25f: {  	[sflag:s11] =	ssyncset.done $0x0  }
0x260: {  	s22 =	rddreg [dreg:$0x19];
	[sflag:s11] =	ssyncadd.s32 $0xFFFFFF80  }
0x261: {  	[spmem:s2] =	stream.indirect.scatter.add.f32 [tilespmem:s7], [sflag:$0x8], $0x90, s4, s29, $0xb8;
	[tilespmem:$0x1FAB0] =	vst v63  }
0x262: {  	s23 =	rddreg [dreg:$0x18];
	s15 =	sadd.s32 s20, s22  }
0x263: {  	[tilespmem:s0], [sflag:$0x4] =	stream.linear.gather [hbm4b:s15+s3], $0x80, $0x38;
	[tilespmem:$0x1FAB0] =	vst v63  }
0x264: {  	s21 =	sadd.s32 s20, s23  }
0x265: {  	[tilespmem:s4], [sflag:$0x6] =	stream.linear.gather [hbm4b:s21+s3], $0x80, $0x38;
	[tilespmem:$0x1FAB0] =	vst v63  }
0x266: {  	_ =	swait.ge [sflag:s5], $0x4800  }
0x267: {  	[sflag:s5] =	ssyncset.done $0x0  }
0x268: {  	[sflag:s5] =	ssyncadd.s32 $0xFFFFB800  }
0x269: {  	_ =	swait.ge [sflag:s6], $0x80  }
0x26a: {  	[sflag:s6] =	ssyncset.done $0x0  }
0x26b: {  	[sflag:s6] =	ssyncadd.s32 $0xFFFFFF80  }
0x26c: {  	_ =	swait.ge [sflag:s14], $0x4800  }
0x26d: {  	[sflag:s14] =	ssyncset.done $0x0  }
0x26e: {  	[sflag:s14] =	ssyncadd.s32 $0xFFFFB800  }
0x26f: {  	[tilespmem:s7], [sflag:$0x2] =	stream.indirect.gather [hbm4b:s12+s29], $0x90, s0, s29, $0xb8;
	[tilespmem:$0x1FAB0] =	vst v63  }
0x270: {  	_ =	swait.ge [sflag:s8], $0x80  }
0x271: {  	[sflag:s8] =	ssyncset.done $0x0  }
0x272: {  	s22 =	rddreg [dreg:$0x17];
	[sflag:s8] =	ssyncadd.s32 $0xFFFFFF80  }
0x273: {  	[spmem:s2] =	stream.indirect.scatter.add.f32 [tilespmem:s31], [sflag:$0x7], $0x90, s29, s29, $0xb8;
	[tilespmem:$0x1FAB0] =	vst v63  }
0x274: {  	s23 =	rddreg [dreg:$0x16];
	s15 =	sadd.s32 s20, s22  }
0x275: {  	[tilespmem:s3], [sflag:$0x3] =	stream.linear.gather [hbm4b:s15+s3], $0x80, $0x38;
	[tilespmem:$0x1FAB0] =	vst v63  }
0x276: {  	s21 =	sadd.s32 s20, s23  }
0x277: {  	[tilespmem:s29], [sflag:$0x5] =	stream.linear.gather [hbm4b:s21+s3], $0x80, $0x38;
	[tilespmem:$0x1FAB0] =	vst v63  }
0x278: {  	_ =	swait.ge [sflag:s9], $0x4800  }
0x279: {  	[sflag:s9] =	ssyncset.done $0x0  }
0x27a: {  	[sflag:s9] =	ssyncadd.s32 $0xFFFFB800  }
0x27b: {  	_ =	swait.ge [sflag:s30], $0x80  }
0x27c: {  	[sflag:s30] =	ssyncset.done $0x0  }
0x27d: {  	[sflag:s30] =	ssyncadd.s32 $0xFFFFFF80  }
0x27e: {  	_ =	swait.ge [sflag:s10], $0x4800  }
0x27f: {  	[sflag:s10] =	ssyncset.done $0x0  }
0x280: {  	[sflag:s10] =	ssyncadd.s32 $0xFFFFB800  }
0x281: {  	[tilespmem:s31], [sflag:$0x1] =	stream.indirect.gather [hbm4b:s12+s29], $0x90, s3, s29, $0xb8;
	[tilespmem:$0x1FAB0] =	vst v63  }
0x282: {  	_ =	swait.ge [sflag:s11], $0x80  }
0x283: {  	[sflag:s11] =	ssyncset.done $0x0  }
0x284: {  	s22 =	rddreg [dreg:$0x15];
	[sflag:s11] =	ssyncadd.s32 $0xFFFFFF80  }
0x285: {  	[spmem:s2] =	stream.indirect.scatter.add.f32 [tilespmem:s7], [sflag:$0x8], $0x90, s4, s29, $0xb8;
	[tilespmem:$0x1FAB0] =	vst v63  }
0x286: {  	s23 =	rddreg [dreg:$0x14];
	s15 =	sadd.s32 s20, s22  }
0x287: {  	[tilespmem:s0], [sflag:$0x4] =	stream.linear.gather [hbm4b:s15+s3], $0x80, $0x38;
	[tilespmem:$0x1FAB0] =	vst v63  }
0x288: {  	s21 =	sadd.s32 s20, s23  }
0x289: {  	[tilespmem:s4], [sflag:$0x6] =	stream.linear.gather [hbm4b:s21+s3], $0x80, $0x38;
	[tilespmem:$0x1FAB0] =	vst v63  }
0x28a: {  	_ =	swait.ge [sflag:s5], $0x4800  }
0x28b: {  	[sflag:s5] =	ssyncset.done $0x0  }
0x28c: {  	[sflag:s5] =	ssyncadd.s32 $0xFFFFB800  }
0x28d: {  	_ =	swait.ge [sflag:s6], $0x80  }
0x28e: {  	[sflag:s6] =	ssyncset.done $0x0  }
0x28f: {  	[sflag:s6] =	ssyncadd.s32 $0xFFFFFF80  }
0x290: {  	_ =	swait.ge [sflag:s14], $0x4800  }
0x291: {  	[sflag:s14] =	ssyncset.done $0x0  }
0x292: {  	[sflag:s14] =	ssyncadd.s32 $0xFFFFB800  }
0x293: {  	[tilespmem:s7], [sflag:$0x2] =	stream.indirect.gather [hbm4b:s12+s29], $0x90, s0, s29, $0xb8;
	[tilespmem:$0x1FAB0] =	vst v63  }
0x294: {  	_ =	swait.ge [sflag:s8], $0x80  }
0x295: {  	[sflag:s8] =	ssyncset.done $0x0  }
0x296: {  	s22 =	rddreg [dreg:$0x13];
	[sflag:s8] =	ssyncadd.s32 $0xFFFFFF80  }
0x297: {  	[spmem:s2] =	stream.indirect.scatter.add.f32 [tilespmem:s31], [sflag:$0x7], $0x90, s29, s29, $0xb8;
	[tilespmem:$0x1FAB0] =	vst v63  }
0x298: {  	s23 =	rddreg [dreg:$0x12];
	s15 =	sadd.s32 s20, s22  }
0x299: {  	[tilespmem:s3], [sflag:$0x3] =	stream.linear.gather [hbm4b:s15+s3], $0x80, $0x38;
	[tilespmem:$0x1FAB0] =	vst v63  }
0x29a: {  	s21 =	sadd.s32 s20, s23  }
0x29b: {  	[tilespmem:s29], [sflag:$0x5] =	stream.linear.gather [hbm4b:s21+s3], $0x80, $0x38;
	[tilespmem:$0x1FAB0] =	vst v63  }
0x29c: {  	_ =	swait.ge [sflag:s9], $0x4800  }
0x29d: {  	[sflag:s9] =	ssyncset.done $0x0  }
0x29e: {  	[sflag:s9] =	ssyncadd.s32 $0xFFFFB800  }
0x29f: {  	_ =	swait.ge [sflag:s30], $0x80  }
0x2a0: {  	[sflag:s30] =	ssyncset.done $0x0  }
0x2a1: {  	[sflag:s30] =	ssyncadd.s32 $0xFFFFFF80  }
0x2a2: {  	_ =	swait.ge [sflag:s10], $0x4800  }
0x2a3: {  	[sflag:s10] =	ssyncset.done $0x0  }
0x2a4: {  	[sflag:s10] =	ssyncadd.s32 $0xFFFFB800  }
0x2a5: {  	[tilespmem:s31], [sflag:$0x1] =	stream.indirect.gather [hbm4b:s12+s29], $0x90, s3, s29, $0xb8;
	[tilespmem:$0x1FAB0] =	vst v63  }
0x2a6: {  	_ =	swait.ge [sflag:s11], $0x80  }
0x2a7: {  	[sflag:s11] =	ssyncset.done $0x0  }
0x2a8: {  	s22 =	rddreg [dreg:$0x11];
	[sflag:s11] =	ssyncadd.s32 $0xFFFFFF80  }
0x2a9: {  	[spmem:s2] =	stream.indirect.scatter.add.f32 [tilespmem:s7], [sflag:$0x8], $0x90, s4, s29, $0xb8;
	[tilespmem:$0x1FAB0] =	vst v63  }
0x2aa: {  	s23 =	rddreg [dreg:$0x10];
	s15 =	sadd.s32 s20, s22  }
0x2ab: {  	[tilespmem:s0], [sflag:$0x4] =	stream.linear.gather [hbm4b:s15+s3], $0x80, $0x38;
	[tilespmem:$0x1FAB0] =	vst v63  }
0x2ac: {  	s21 =	sadd.s32 s20, s23  }
0x2ad: {  	[tilespmem:s4], [sflag:$0x6] =	stream.linear.gather [hbm4b:s21+s3], $0x80, $0x38;
	[tilespmem:$0x1FAB0] =	vst v63  }
0x2ae: {  	_ =	swait.ge [sflag:s5], $0x4800  }
0x2af: {  	[sflag:s5] =	ssyncset.done $0x0  }
0x2b0: {  	[sflag:s5] =	ssyncadd.s32 $0xFFFFB800  }
0x2b1: {  	_ =	swait.ge [sflag:s6], $0x80  }
0x2b2: {  	[sflag:s6] =	ssyncset.done $0x0  }
0x2b3: {  	[sflag:s6] =	ssyncadd.s32 $0xFFFFFF80  }
0x2b4: {  	_ =	swait.ge [sflag:s14], $0x4800  }
0x2b5: {  	[sflag:s14] =	ssyncset.done $0x0  }
0x2b6: {  	[sflag:s14] =	ssyncadd.s32 $0xFFFFB800  }
0x2b7: {  	[tilespmem:s7], [sflag:$0x2] =	stream.indirect.gather [hbm4b:s12+s29], $0x90, s0, s29, $0xb8;
	[tilespmem:$0x1FAB0] =	vst v63  }
0x2b8: {  	_ =	swait.ge [sflag:s8], $0x80  }
0x2b9: {  	[sflag:s8] =	ssyncset.done $0x0  }
0x2ba: {  	s22 =	rddreg [dreg:$0xf];
	[sflag:s8] =	ssyncadd.s32 $0xFFFFFF80  }
0x2bb: {  	[spmem:s2] =	stream.indirect.scatter.add.f32 [tilespmem:s31], [sflag:$0x7], $0x90, s29, s29, $0xb8;
	[tilespmem:$0x1FAB0] =	vst v63  }
0x2bc: {  	s23 =	rddreg [dreg:$0xe];
	s15 =	sadd.s32 s20, s22  }
0x2bd: {  	[tilespmem:s3], [sflag:$0x3] =	stream.linear.gather [hbm4b:s15+s3], $0x80, $0x38;
	[tilespmem:$0x1FAB0] =	vst v63  }
0x2be: {  	s21 =	sadd.s32 s20, s23  }
0x2bf: {  	[tilespmem:s29], [sflag:$0x5] =	stream.linear.gather [hbm4b:s21+s3], $0x80, $0x38;
	[tilespmem:$0x1FAB0] =	vst v63  }
0x2c0: {  	_ =	swait.ge [sflag:s9], $0x4800  }
0x2c1: {  	[sflag:s9] =	ssyncset.done $0x0  }
0x2c2: {  	[sflag:s9] =	ssyncadd.s32 $0xFFFFB800  }
0x2c3: {  	_ =	swait.ge [sflag:s30], $0x80  }
0x2c4: {  	[sflag:s30] =	ssyncset.done $0x0  }
0x2c5: {  	[sflag:s30] =	ssyncadd.s32 $0xFFFFFF80  }
0x2c6: {  	_ =	swait.ge [sflag:s10], $0x4800  }
0x2c7: {  	[sflag:s10] =	ssyncset.done $0x0  }
0x2c8: {  	[sflag:s10] =	ssyncadd.s32 $0xFFFFB800  }
0x2c9: {  	[tilespmem:s31], [sflag:$0x1] =	stream.indirect.gather [hbm4b:s12+s29], $0x90, s3, s29, $0xb8;
	[tilespmem:$0x1FAB0] =	vst v63  }
0x2ca: {  	_ =	swait.ge [sflag:s11], $0x80  }
0x2cb: {  	[sflag:s11] =	ssyncset.done $0x0  }
0x2cc: {  	s22 =	rddreg [dreg:$0xd];
	[sflag:s11] =	ssyncadd.s32 $0xFFFFFF80  }
0x2cd: {  	[spmem:s2] =	stream.indirect.scatter.add.f32 [tilespmem:s7], [sflag:$0x8], $0x90, s4, s29, $0xb8;
	[tilespmem:$0x1FAB0] =	vst v63  }
0x2ce: {  	s23 =	rddreg [dreg:$0xc];
	s15 =	sadd.s32 s20, s22  }
0x2cf: {  	[tilespmem:s0], [sflag:$0x4] =	stream.linear.gather [hbm4b:s15+s3], $0x80, $0x38;
	[tilespmem:$0x1FAB0] =	vst v63  }
0x2d0: {  	s21 =	sadd.s32 s20, s23  }
0x2d1: {  	[tilespmem:s4], [sflag:$0x6] =	stream.linear.gather [hbm4b:s21+s3], $0x80, $0x38;
	[tilespmem:$0x1FAB0] =	vst v63  }
0x2d2: {  	_ =	swait.ge [sflag:s5], $0x4800  }
0x2d3: {  	[sflag:s5] =	ssyncset.done $0x0  }
0x2d4: {  	[sflag:s5] =	ssyncadd.s32 $0xFFFFB800  }
0x2d5: {  	_ =	swait.ge [sflag:s6], $0x80  }
0x2d6: {  	[sflag:s6] =	ssyncset.done $0x0  }
0x2d7: {  	[sflag:s6] =	ssyncadd.s32 $0xFFFFFF80  }
0x2d8: {  	_ =	swait.ge [sflag:s14], $0x4800  }
0x2d9: {  	[sflag:s14] =	ssyncset.done $0x0  }
0x2da: {  	[sflag:s14] =	ssyncadd.s32 $0xFFFFB800  }
0x2db: {  	[tilespmem:s7], [sflag:$0x2] =	stream.indirect.gather [hbm4b:s12+s29], $0x90, s0, s29, $0xb8;
	[tilespmem:$0x1FAB0] =	vst v63  }
0x2dc: {  	_ =	swait.ge [sflag:s8], $0x80  }
0x2dd: {  	[sflag:s8] =	ssyncset.done $0x0  }
0x2de: {  	s22 =	rddreg [dreg:$0xb];
	[sflag:s8] =	ssyncadd.s32 $0xFFFFFF80  }
0x2df: {  	[spmem:s2] =	stream.indirect.scatter.add.f32 [tilespmem:s31], [sflag:$0x7], $0x90, s29, s29, $0xb8;
	[tilespmem:$0x1FAB0] =	vst v63  }
0x2e0: {  	s23 =	rddreg [dreg:$0xa];
	s15 =	sadd.s32 s20, s22  }
0x2e1: {  	[tilespmem:s3], [sflag:$0x3] =	stream.linear.gather [hbm4b:s15+s3], $0x80, $0x38;
	[tilespmem:$0x1FAB0] =	vst v63  }
0x2e2: {  	s21 =	sadd.s32 s20, s23  }
0x2e3: {  	[tilespmem:s29], [sflag:$0x5] =	stream.linear.gather [hbm4b:s21+s3], $0x80, $0x38;
	[tilespmem:$0x1FAB0] =	vst v63  }
0x2e4: {  	_ =	swait.ge [sflag:s9], $0x4800  }
0x2e5: {  	[sflag:s9] =	ssyncset.done $0x0  }
0x2e6: {  	[sflag:s9] =	ssyncadd.s32 $0xFFFFB800  }
0x2e7: {  	_ =	swait.ge [sflag:s30], $0x80  }
0x2e8: {  	[sflag:s30] =	ssyncset.done $0x0  }
0x2e9: {  	[sflag:s30] =	ssyncadd.s32 $0xFFFFFF80  }
0x2ea: {  	_ =	swait.ge [sflag:s10], $0x4800  }
0x2eb: {  	[sflag:s10] =	ssyncset.done $0x0  }
0x2ec: {  	[sflag:s10] =	ssyncadd.s32 $0xFFFFB800  }
0x2ed: {  	[tilespmem:s31], [sflag:$0x1] =	stream.indirect.gather [hbm4b:s12+s29], $0x90, s3, s29, $0xb8;
	[tilespmem:$0x1FAB0] =	vst v63  }
0x2ee: {  	_ =	swait.ge [sflag:s11], $0x80  }
0x2ef: {  	[sflag:s11] =	ssyncset.done $0x0  }
0x2f0: {  	s22 =	rddreg [dreg:$0x9];
	[sflag:s11] =	ssyncadd.s32 $0xFFFFFF80  }
0x2f1: {  	[spmem:s2] =	stream.indirect.scatter.add.f32 [tilespmem:s7], [sflag:$0x8], $0x90, s4, s29, $0xb8;
	[tilespmem:$0x1FAB0] =	vst v63  }
0x2f2: {  	s23 =	rddreg [dreg:$0x8];
	s15 =	sadd.s32 s20, s22  }
0x2f3: {  	[tilespmem:s0], [sflag:$0x4] =	stream.linear.gather [hbm4b:s15+s3], $0x80, $0x38;
	[tilespmem:$0x1FAB0] =	vst v63  }
0x2f4: {  	s21 =	sadd.s32 s20, s23  }
0x2f5: {  	[tilespmem:s4], [sflag:$0x6] =	stream.linear.gather [hbm4b:s21+s3], $0x80, $0x38;
	[tilespmem:$0x1FAB0] =	vst v63  }
0x2f6: {  	_ =	swait.ge [sflag:s5], $0x4800  }
0x2f7: {  	[sflag:s5] =	ssyncset.done $0x0  }
0x2f8: {  	[sflag:s5] =	ssyncadd.s32 $0xFFFFB800  }
0x2f9: {  	_ =	swait.ge [sflag:s6], $0x80  }
0x2fa: {  	[sflag:s6] =	ssyncset.done $0x0  }
0x2fb: {  	[sflag:s6] =	ssyncadd.s32 $0xFFFFFF80  }
0x2fc: {  	_ =	swait.ge [sflag:s14], $0x4800  }
0x2fd: {  	[sflag:s14] =	ssyncset.done $0x0  }
0x2fe: {  	[sflag:s14] =	ssyncadd.s32 $0xFFFFB800  }
0x2ff: {  	[tilespmem:s7], [sflag:$0x2] =	stream.indirect.gather [hbm4b:s12+s29], $0x90, s0, s29, $0xb8;
	[tilespmem:$0x1FAB0] =	vst v63  }
0x300: {  	_ =	swait.ge [sflag:s8], $0x80  }
0x301: {  	[sflag:s8] =	ssyncset.done $0x0  }
0x302: {  	s22 =	rddreg [dreg:$0x7];
	[sflag:s8] =	ssyncadd.s32 $0xFFFFFF80  }
0x303: {  	[spmem:s2] =	stream.indirect.scatter.add.f32 [tilespmem:s31], [sflag:$0x7], $0x90, s29, s29, $0xb8;
	[tilespmem:$0x1FAB0] =	vst v63  }
0x304: {  	s23 =	rddreg [dreg:$0x6];
	s15 =	sadd.s32 s20, s22  }
0x305: {  	[tilespmem:s3], [sflag:$0x3] =	stream.linear.gather [hbm4b:s15+s3], $0x80, $0x38;
	[tilespmem:$0x1FAB0] =	vst v63  }
0x306: {  	s20 =	sadd.s32 s20, s23  }
0x307: {  	[tilespmem:s29], [sflag:$0x5] =	stream.linear.gather [hbm4b:s20+s3], $0x80, $0x38;
	[tilespmem:$0x1FAB0] =	vst v63  }
0x308: {  	_ =	swait.ge [sflag:s9], $0x4800  }
0x309: {  	[sflag:s9] =	ssyncset.done $0x0  }
0x30a: {  	[sflag:s9] =	ssyncadd.s32 $0xFFFFB800  }
0x30b: {  	_ =	swait.ge [sflag:s30], $0x80  }
0x30c: {  	[sflag:s30] =	ssyncset.done $0x0  }
0x30d: {  	[sflag:s30] =	ssyncadd.s32 $0xFFFFFF80  }
0x30e: {  	_ =	swait.ge [sflag:s10], $0x4800  }
0x30f: {  	[sflag:s10] =	ssyncset.done $0x0  }
0x310: {  	[sflag:s10] =	ssyncadd.s32 $0xFFFFB800  }
0x311: {  	[tilespmem:s31], [sflag:$0x1] =	stream.indirect.gather [hbm4b:s12+s29], $0x90, s3, s29, $0xb8;
	[tilespmem:$0x1FAB0] =	vst v63  }
0x312: {  	_ =	swait.ge [sflag:s11], $0x80  }
0x313: {  	[sflag:s11] =	ssyncset.done $0x0  }
0x314: {  	[sflag:s11] =	ssyncadd.s32 $0xFFFFFF80  }
0x315: {  	[spmem:s2] =	stream.indirect.scatter.add.f32 [tilespmem:s7], [sflag:$0x8], $0x90, s4, s29, $0xb8;
	[tilespmem:$0x1FAB0] =	vst v63  }
0x316: {  	_ =	swait.ge [sflag:s5], $0x4800  }
0x317: {  	[sflag:s5] =	ssyncset.done $0x0  }
0x318: {  	[sflag:s5] =	ssyncadd.s32 $0xFFFFB800  }
0x319: {  	_ =	swait.ge [sflag:s8], $0x80  }
0x31a: {  	[sflag:s8] =	ssyncset.done $0x0  }
0x31b: {  	[sflag:s8] =	ssyncadd.s32 $0xFFFFFF80  }
0x31c: {  	[spmem:s2] =	stream.indirect.scatter.add.f32 [tilespmem:s31], [sflag:$0x7], $0x90, s29, s29, $0xb8;
	[tilespmem:$0x1FAB0] =	vst v63  }
0x31d: {  	_ =	swait.ge [sflag:s10], $0x4800  }
0x31e: {  	[sflag:s10] =	ssyncset.done $0x0  }
0x31f: {  	[sflag:s10] =	ssyncadd.s32 $0xFFFFB800  }
0x320: {  	_ =	swait.ge [sflag:s14], $0x4800  }
0x321: {  	s21 =	sld [smem:$0x7F3]  }
0x322: {  	[sflag:s14] =	ssyncset.done $0x0  }
0x323: {  	s22 =	simm.s32 $0x9200;
	[sflag:s14] =	ssyncadd.s32 $0xFFFFB800  }
0x324: {  	[tilespmem:s22], [sflag:$0x9] =	stream.linear.gather [hbm4b:s21+s3], $0x10, $0x38;
	[tilespmem:$0x1FAB0] =	vst v63  }
0x325: {  	_ =	swait.ge [sflag:s28], $0x10  }
0x326: {  	s23 =	sld [smem:$0x7F2]  }
0x327: {  	[sflag:s28] =	ssyncset.done $0x0  }
0x328: {  	[sflag:s28] =	ssyncadd.s32 $0xFFFFFFF0  }
0x329: {  	[tilespmem:s16], [sflag:$0x9] =	stream.linear.gather [hbm4b:s23+s3], $0x10, $0x38;
	[tilespmem:$0x1FAB0] =	vst v63  }
0x32a: {  	_ =	swait.ge [sflag:s28], $0x10  }
0x32b: {  	[sflag:s28] =	ssyncset.done $0x0  }
0x32c: {  	[sflag:s28] =	ssyncadd.s32 $0xFFFFFFF0  }
0x32d: {  	[tilespmem:s18], [sflag:$0x1] =	stream.indirect.gather [hbm4b:s12+s17], $0x90, s22, s17, $0xb8;
	[tilespmem:$0x1FAB0] =	vst v63  }
0x32e: {  	_ =	swait.ge [sflag:s5], $0x900  }
0x32f: {  	[sflag:s5] =	ssyncset.done $0x0  }
0x330: {  	[sflag:s5] =	ssyncadd.s32 $0xFFFFF700  }
0x331: {  	[spmem:s2] =	stream.indirect.scatter.add.f32 [tilespmem:s18], [sflag:$0x9], $0x90, s16, s17, $0xb8;
	[tilespmem:$0x1FAB0] =	vst v63  }
0x332: {  	_ =	swait.ge [sflag:s28], $0x900  }
0x333: {  	[sflag:s28] =	ssyncset.done $0x0  }
0x334: {  	[sflag:s28] =	ssyncadd.s32 $0xFFFFF700  }
0x335: {  	[bflag:$0x0] =	sbarrier.arrive $0xFFFF  }
0x336: {  	s21 =	sld [smem:$0x7FB];
	_ =	sdelay $0x1  }
0x337: {  	s20 =	rddreg [dreg:$0x1e]  }
0x338: {  	[hbm:s20], [sflag:s13] =	dma.local [spmem:s21], $0x900  }
0x339: {  	_ =	swait.ge [sflag:s28], $0x900  }
0x33a: {  	s23 =	sld [smem:$0x7FC]  }
0x33b: {  	[sflag:s28] =	ssyncset.done $0x0  }
0x33c: {  	s22 =	rddreg [dreg:$0x1f];
	[sflag:s28] =	ssyncadd.s32 $0xFFFFF700  }
0x33d: {  	[hbm:s22], [sflag:s13] =	dma.local [spmem:s23], $0x900  }
0x33e: {  	_ =	swait.ge [sflag:s28], $0x900  }
0x33f: {  	s20 =	sld [smem:$0x7EF]  }
0x340: {  	s21 =	sld [smem:$0x7FD]  }
0x341: {  	[sflag:s28] =	ssyncset.done $0x0  }
0x342: {  	[sflag:s28] =	ssyncadd.s32 $0xFFFFF700  }
0x343: {  	[hbm:s20], [sflag:s13] =	dma.local [spmem:s21], $0x900  }
0x344: {  	_ =	swait.ge [sflag:s28], $0x900  }
0x345: {  	s22 =	sld [smem:$0x7F0]  }
0x346: {  	[sflag:s28] =	ssyncset.done $0x0  }
0x347: {  	[sflag:s28] =	ssyncadd.s32 $0xFFFFF700  }
0x348: {  	[hbm:s22], [sflag:s13] =	dma.local [spmem:s24], $0x900  }
0x349: {  	_ =	swait.ge [sflag:s28], $0x900  }
0x34a: {  	s15 =	sld [smem:$0x7F1]  }
0x34b: {  	[sflag:s28] =	ssyncset.done $0x0  }
0x34c: {  	[sflag:s28] =	ssyncadd.s32 $0xFFFFF700  }
0x34d: {  	[hbm:s15], [sflag:s13] =	dma.local @!p0 [spmem:s25], $0x900  }
0x34e: {  	s15 =	simm.s32 @!p0 $0x9  }
0x34f: {  	_ =	swait.ge @!p0 [sflag:s15], $0x900  }
0x350: {  	s20 =	sld [smem:$0x7F4]  }
0x351: {  	[sflag:s15] =	ssyncset.done @!p0 $0x0  }
0x352: {  	[sflag:s15] =	ssyncadd.s32 @!p0 $0xFFFFF700;
	s15 =	sshrl.u32 @p3 s26, $0x3  }
0x353: {  	[hbm:s20], [sflag:s13] =	dma.local @p3 [spmem:s15], $0x120  }
0x354: {  	s15 =	simm.s32 @p3 $0x9  }
0x355: {  	_ =	swait.ge @p3 [sflag:s15], $0x120  }
0x356: {  	s23 =	sld [smem:$0x7F5];
	_ =	sdelay $0x1  }
0x357: {  	s19 =	sadd.s32 $0x1, s19  }
0x358: {  	p4 =	sne.s32 s19, s23  }
.Ltmp1:
0x359: {  	_ = 	snop;
	(pc) =	sbr.rel @p4 .LBB2_1-.Ltmp1, $3  }
0x35a: {  	_ =	sdelay $0x1  }
0x35b: {  	[sflag:s15] =	ssyncset.done @p3 $0x0  }
0x35c: {  	[sflag:s15] =	ssyncadd.s32 @p3 $0xFFFFFEE0  }
0x35d: {  	_ =	sfence.sel $0x180000  }
0x35e: {  	[bflag:$0x0] =	sbarrier.arrive $0xFFFF  }
0x35f: {  	_ =	strace $0x90000047  }
0x360: {  	s0 =	stileid.u32;
	[bflag:$0x2] =	sbarrier.arrive $0xFFFF  }
0x361: {  	p0 =	sne.s32 s0, $0x0;
	s0 =	rddreg [dreg:$0x3]  }
0x362: {  	s0 =	sadd.s32 @!p0 $0x100000, s0  }
0x363: {  	[sflag:s0] =	ssyncadd.tile.s32 @!p0 $0x1;
	_ =	shalt  }
.Lfunc_end2:
_tile_overlayer_lowered:
.L_overlay_start_2:
0x364: {  	(tag) =	ssettag $0x2  }
0x365: {  	s0 =	rddreg [dreg:$0x0];
	s2 =	stileid.u32  }
0x366: {  	s1 =	rddreg [dreg:$0x1];
	p0 =	sne.s32 s2, $0x0  }
0x367: {  	s3 =	rddreg [dreg:$0x2];
	[bflag:$0x3] =	sbarrier.arrive $0xFFFF;
	s2 =	simm.s32 @!p0 $0x1C09  }
0x368: {  	[timem:s3], [sflag:s2] =	dma.local @!p0 [hbm:s0], s1  }
0x369: {  	s0 =	simm.s32 @!p0 $0x9  }
0x36a: {  	_ =	swait.ge @!p0 [sflag:s0], s1  }
0x36b: {  	s1 =	ssub.s32 @!p0 $0x0, s1;
	[sflag:s0] =	ssyncset.done @!p0 $0x0  }
0x36c: {  	[sflag:s0] =	ssyncadd.s32 @!p0 s1  }
0x36d: {  	[bflag:$0x3] =	sbarrier.arrive $0xFFFF  }
0x36e: {  	_ =	shalt  }

// kernel: kernel.9.cloned.1.call-start
scs
__scs_entry_jumppad:
0x0: {  	(pc) =	sbr.rel $0x88, $3  }
0x1: {  	(tag) =	ssettag $0x0;
	lr =	simm.s32 $0x1  }
0x2: {  	[smem:$0x3F99] =	sst lr;
	_ =	strace $0xD0000000  }
0x3: {  	_ = 	snop  }
0x4: {  	_ = 	snop  }
0x5: {  	_ = 	snop  }
0x6: {  	_ = 	snop  }
0x7: {  	_ = 	snop  }
__scs_overlays_trampoline_lowered:
0x8: {  	[smem:$0x3FA8] =	sst s0  }
0x9: {  	[smem:$0x3FA9] =	sst s1  }
0xa: {  	[smem:$0x3FAA] =	sst s2  }
0xb: {  	[smem:$0x3FAB] =	sst s3  }
0xc: {  	[smem:$0x3FAC] =	sst s4  }
0xd: {  	[smem:$0x3FAD] =	sst s5  }
0xe: {  	[smem:$0x3FAE] =	sst s6  }
0xf: {  	[smem:$0x3FAF] =	sst s7  }
0x10: {  	[smem:$0x3FB0] =	sst s8  }
0x11: {  	[smem:$0x3FB1] =	sst s9;
	s0 =	simm.s32 @!p0 $0x0  }
0x12: {  	s1 =	sld [smem:$0x3F97];
	s0 =	simm.s32 @p0 $0x1  }
0x13: {  	[smem:$0x3FB2] =	sst s0;
	s0 =	simm.s32 @!p1 $0x0  }
0x14: {  	s2 =	sld [smem:$0x3F96];
	s0 =	simm.s32 @p1 $0x1  }
0x15: {  	[smem:$0x3FB3] =	sst s0;
	s0 =	simm.s32 @!p2 $0x0  }
0x16: {  	s3 =	sld [smem:$0x3FDB];
	s0 =	simm.s32 @p2 $0x1  }
0x17: {  	s4 =	simm.s32 $0x1BF5;
	[smem:$0x3FB5] =	sst s0  }
0x18: {  	s0 =	sld [smem:$0x3F98];
	_ =	swait.ge [sflag:s4], $0x0  }
0x19: {  	s7 =	sld [smem:$0x3F99]  }
0x1a: {  	s8 =	sadd.s32 $0xFFFFE003, lr  }
0x1b: {  	s9 =	sadd.s32 $0xFFFFFEF7, lr;
	s5 =	simm.s32 $0xFFFFFFFF;
	p2 =	slt.u32 s8, $0xFFFFF086  }
0x1c: {  	p1 =	slt.u32 s9, $0xF7A;
	s5 =	simm.s32 @!p2 $0x0  }
0x1d: {  	s5 =	simm.s32 @p1 $0x1;
	p0 =	seq.s32 s7, s2  }
0x1e: {  	s7 =	smul.u32 @!p0 $0xF7A, s2;
	p2 =	seq.s32 @!p0 s5, $0x0  }
0x1f: {  	s9 =	smul.u32 $0xF7A, s1;
	s8 =	simm.s32 @!p0 $0x1BF5;
	p2 =	por !p2, p0  }
0x20: {  	[sflag:s8] =	ssyncset.s32 @!p0 $0xFFFFF086;
	s6 =	sadd.s32 @!p0 s3, s7;
	s7 =	simm.s32 @!p0 $0x108  }
0x21: {  	s3 =	sadd.s32 s3, s9;
	s6 =	sadd.s32 @!p0 $0x88, s6;
	s7 =	simm.s32 @p2 $0x1082  }
0x22: {  	[simem:s7], [sflag:s8] =	dma.local @!p0 [hbm:s6], $0xF7A  }
0x23: {  	s9 =	sor.u32 $0xD0000000, s2;
	s6 =	simm.s32 $0x108;
	_ =	swait.ge @!p0 [sflag:s8], $0x0  }
0x24: {  	s3 =	sadd.s32 $0x88, s3;
	s6 =	simm.s32 @!p1 $0x1082;
	[sflag:s4] =	ssyncset.s32 $0xFFFFF086  }
0x25: {  	[simem:s6], [sflag:s4] =	dma.local [hbm:s3], $0xF7A  }
0x26: {  	[smem:$0x3F99] =	sst s1;
	(tag) =	ssettag s2;
	_ =	strace s9  }
0x27: {  	s1 =	sld [smem:$0x3FA9]  }
0x28: {  	s2 =	sld [smem:$0x3FAA]  }
0x29: {  	s4 =	sld [smem:$0x3FAC]  }
0x2a: {  	p0 =	seq.s32 s5, $0x0;
	s5 =	sld [smem:$0x3FAD]  }
0x2b: {  	s6 =	sld [smem:$0x3FAE]  }
0x2c: {  	s7 =	sld [smem:$0x3FAF]  }
0x2d: {  	s3 =	simm.s32 $0x108;
	s8 =	sld [smem:$0x3FB0]  }
0x2e: {  	s3 =	simm.s32 @!p0 $0x1082;
	s9 =	sld [smem:$0x3FB1]  }
0x2f: {  	lr =	sadd.s32 s0, s3;
	s0 =	sld [smem:$0x3FA8]  }
0x30: {  	s3 =	sld [smem:$0x3FAB]  }
0x31: {  	[smem:$0x3FB4] =	sst s10  }
0x32: {  	s10 =	sld [smem:$0x3FB2];
	_ =	sdelay $0x3  }
0x33: {  	p0 =	seq.s32 s10, $0x1;
	s10 =	sld [smem:$0x3FB4];
	_ =	sdelay $0x3  }
0x34: {  	[smem:$0x3FB4] =	sst s10  }
0x35: {  	s10 =	sld [smem:$0x3FB3];
	_ =	sdelay $0x3  }
0x36: {  	p1 =	seq.s32 s10, $0x1;
	s10 =	sld [smem:$0x3FB4];
	_ =	sdelay $0x3  }
0x37: {  	[smem:$0x3FB4] =	sst s10  }
0x38: {  	s10 =	sld [smem:$0x3FB5]  }
0x39: {  	_ = 	snop;
	(pc) =	sbr.ind lr, $3  }
0x3a: {  	_ = 	snop  }
0x3b: {  	_ = 	snop  }
0x3c: {  	p2 =	seq.s32 s10, $0x1;
	s10 =	sld [smem:$0x3FB4]  }
0x3d: {  	_ =	shalt  }
0x3e: {  	_ =	shalt  }
0x3f: {  	_ =	shalt  }
0x40: {  	_ =	shalt  }
0x41: {  	_ =	shalt  }
0x42: {  	_ =	shalt  }
0x43: {  	_ =	shalt  }
0x44: {  	_ =	shalt  }
0x45: {  	_ =	shalt  }
0x46: {  	_ =	shalt  }
0x47: {  	_ =	shalt  }
0x48: {  	_ =	shalt  }
0x49: {  	_ =	shalt  }
0x4a: {  	_ =	shalt  }
0x4b: {  	_ =	shalt  }
0x4c: {  	_ =	shalt  }
0x4d: {  	_ =	shalt  }
0x4e: {  	_ =	shalt  }
0x4f: {  	_ =	shalt  }
0x50: {  	_ =	shalt  }
0x51: {  	_ =	shalt  }
0x52: {  	_ =	shalt  }
0x53: {  	_ =	shalt  }
0x54: {  	_ =	shalt  }
0x55: {  	_ =	shalt  }
0x56: {  	_ =	shalt  }
0x57: {  	_ =	shalt  }
0x58: {  	_ =	shalt  }
0x59: {  	_ =	shalt  }
0x5a: {  	_ =	shalt  }
0x5b: {  	_ =	shalt  }
0x5c: {  	_ =	shalt  }
0x5d: {  	_ =	shalt  }
0x5e: {  	_ =	shalt  }
0x5f: {  	_ =	shalt  }
0x60: {  	_ =	shalt  }
0x61: {  	_ =	shalt  }
0x62: {  	_ =	shalt  }
0x63: {  	_ =	shalt  }
0x64: {  	_ =	shalt  }
0x65: {  	_ =	shalt  }
0x66: {  	_ =	shalt  }
0x67: {  	_ =	shalt  }
0x68: {  	_ =	shalt  }
0x69: {  	_ =	shalt  }
0x6a: {  	_ =	shalt  }
0x6b: {  	_ =	shalt  }
0x6c: {  	_ =	shalt  }
0x6d: {  	_ =	shalt  }
0x6e: {  	_ =	shalt  }
0x6f: {  	_ =	shalt  }
0x70: {  	_ =	shalt  }
0x71: {  	_ =	shalt  }
0x72: {  	_ =	shalt  }
0x73: {  	_ =	shalt  }
0x74: {  	_ =	shalt  }
0x75: {  	_ =	shalt  }
0x76: {  	_ =	shalt  }
0x77: {  	_ =	shalt  }
0x78: {  	_ =	shalt  }
0x79: {  	_ =	shalt  }
0x7a: {  	_ =	shalt  }
0x7b: {  	_ =	shalt  }
0x7c: {  	_ =	shalt  }
0x7d: {  	_ =	shalt  }
0x7e: {  	_ =	shalt  }
0x7f: {  	_ =	shalt  }
0x80: {  	_ =	shalt  }
0x81: {  	_ =	shalt  }
0x82: {  	_ =	shalt  }
0x83: {  	_ =	shalt  }
0x84: {  	_ =	shalt  }
0x85: {  	_ =	shalt  }
0x86: {  	_ =	shalt  }
0x87: {  	_ =	shalt  }
.Lfunc_end0:
.L_simem_size_0:
called_computation.1_lowered:
.L_overlay_start_0:
0x88: {  	s2 =	sld [smem:$0x3FD9]  }
0x89: {  	s3 =	sld [smem:$0x3FFE];
	_ =	sdelay $0x1  }
0x8a: {  	s1 =	srdreg.scid  }
0x8b: {  	s0 =	sand.u32 $0x1, s1  }
0x8c: {  	s14 =	sshll.u32 s0, $0xA;
	s2 =	sadd.s32 s3, s2  }
0x8d: {  	s2 =	sadd.s32 s2, s14  }
0x8e: {  	[smem:$0x3FC0] =	sst s2  }
0x8f: {  	_ = 	snop  }
0x90: {  	s2 =	sld [smem:$0x3FD0];
	_ =	sdelay $0x2  }
0x91: {  	s15 =	simm.s32 $0xA;
	s4 =	simm.s32 $0x10  }
0x92: {  	[smem:s4], [sflag:s15] =	dma.local [hbm:s2], $0x1  }
0x93: {  	_ =	swait.eq [sflag:s15], $0x1  }
0x94: {  	[sflag:s15] =	ssyncset.done $0x0  }
0x95: {  	[sflag:s15] =	ssyncadd.s32 $0xFFFFFFFF  }
0x96: {  	s16 =	sld [smem:$0x10];
	(tm) =	ssettm $0x1  }
0x97: {  	s17 =	sld [smem:$0x3FFB];
	_ =	sdelay $0x3  }
0x98: {  	_ =	strace s17  }
0x99: {  	s3 =	sld [smem:$0x3FFC];
	_ =	sdelay $0x3  }
0x9a: {  	_ =	strace s3  }
0x9b: {  	s3 =	sld [smem:$0x3FFD];
	_ =	sdelay $0x3  }
0x9c: {  	_ =	strace s3  }
0x9d: {  	_ =	strace $0x8FFFFFFF  }
0x9e: {  	s18 =	sld [smem:$0x3FDB];
	_ =	sdelay $0x1  }
0x9f: {  	s19 =	simm.s32 $_scs_section_size  }
0xa0: {  	s5 =	simm.s32 $_size__tile_overlayer_lowered;
	s6 =	simm.s32 $_tile_overlayer_lowered  }
0xa1: {  	s22 =	simm.s32 $0x1BFF;
	s21 =	sshll.u32 s6, $0x1;
	s3 =	sadd.s32 s19, s18  }
0xa2: {  	s7 =	simm.s32 $0x0;
	s20 =	sshll.u32 s5, $0x1;
	s5 =	sadd.s32 s21, s3  }
0xa3: {  	[timem:s7], [sflag:s22] =	dma.local [hbm:s5], s20  }
0xa4: {  	_ =	swait.ge [sflag:s22], s20  }
0xa5: {  	s4 =	ssub.s32 $0x0, s20;
	[sflag:s22] =	ssyncset.done $0x0  }
0xa6: {  	[sflag:s22] =	ssyncadd.s32 s4;
	_ =	sdelay $0x1  }
0xa7: {  	s23 =	simm.s32 $0x1B8B  }
0xa8: {  	_ =	swait.ge [sflag:s23], $0x1  }
0xa9: {  	[sflag:s23] =	ssyncset.done $0x0  }
0xaa: {  	s25 =	simm.s32 $0x1B8E;
	s24 =	sld [smem:$0x3FFE];
	[sflag:s23] =	ssyncadd.s32 $0xFFFFFFFF  }
0xab: {  	s26 =	simm.s32 $execute0_lowered;
	[smem:$0x3FD2] =	sst s25  }
0xac: {  	s5 =	sshll.u32 s26, $0x1;
	_ =	strace $0x80000049;
	[dreg:$0x1] =	wrdreg $0xFFFFFFFF  }
0xad: {  	s28 =	simm.s32 $_size_execute0_lowered;
	s3 =	sadd.s32 s3, s5;
	[dreg:$0x0] =	wrdreg $0x0  }
0xae: {  	s5 =	sshll.u32 s28, $0x1;
	[dreg:$0x2] =	wrdreg s3  }
0xaf: {  	[dreg:$0x3] =	wrdreg s5  }
0xb0: {  	[dreg:$0x4] =	wrdreg $0xC0  }
0xb1: {  	_ =	task [dreg:s7], $0x5FFFF  }
0xb2: {  	[dreg:$0x1] =	wrdreg $0xFFFFFFFF  }
0xb3: {  	[dreg:$0x0] =	wrdreg $0x60  }
0xb4: {  	[dreg:$0x2] =	wrdreg s16  }
0xb5: {  	[dreg:$0x3] =	wrdreg s24  }
0xb6: {  	[dreg:$0x4] =	wrdreg $0x9  }
0xb7: {  	_ =	task.clear_ibuf [dreg:s7], $0x5FFFF;
	_ =	strace $0x90000049  }
0xb8: {  	s29 =	simm.s32 $0x9;
	_ =	strace $0x8000004B  }
0xb9: {  	_ =	swait.ge [sflag:s29], $0x1  }
0xba: {  	[sflag:s29] =	ssyncadd.s32 $0xFFFFFFFF  }
0xbb: {  	_ =	strace $0x9000004B  }
0xbc: {  	_ =	sfence  }
0xbd: {  	s30 =	sld [smem:$0x0];
	_ =	sdelay $0x2  }
0xbe: {  	s31 =	sshll.u32 s1, $0xD;
	s1 =	sshrl.u32 s1, $0x2  }
0xbf: {  	s3 =	sand.u32 $0x4000, s31;
	s1 =	sadd.s32 s1, s30  }
0xc0: {  	s0 =	sor.u32 s3, s0;
	s1 =	sshll.u32 s1, $0x11  }
0xc1: {  	s0 =	sor.u32 s1, s0  }
0xc2: {  	s0 =	sadd.s32 $0x8F2B, s0  }
0xc3: {  	[sflag:s0] =	ssyncadd.remote.s32 $0x1  }
0xc4: {  	_ =	sfence.sel $0xFFFF  }
0xc5: {  	[dreg:$0x0] =	wrdreg $0xFFFFFFFF;
	(pc) =	sbr.abs _section_cstart, $3  }
0xc6: {  	[dreg:$0x1] =	wrdreg $0xFFFFFFFF  }
0xc7: {  	_ =	task.clear_ibuf [dreg:s7], $0x2FFFF;
	_ =	strace $0x9FFFFFFF  }
0xc8: {  	(tm) =	ssettm $0x7FFFFFFF  }
0xc9: {  	_ =	shalt  }
tec
execute0_lowered:
.L_overlay_start_1:
0x0: {  	(tag) =	ssettag $0x1  }
0x1: {  	s2 =	rddreg [dreg:$0x0]  }
0x2: {  	s0 =	srdreg.scid;
	s5 =	rddreg [dreg:$0x1]  }
0x3: {  	s3 =	simm.s32 $0x0;
	s10 =	simm.s32 $0x13880;
	s4 =	sand.u32 $0x1, s0  }
0x4: {  	s11 =	simm.s32 $0x15F90;
	s0 =	stileid.u32;
	s1 =	sshll.u32 s4, $0x4  }
0x5: {  	s12 =	simm.s32 $0x1ADB0;
	s13 =	simm.s32 $0x186A0;
	s6 =	sor.u32 s0, s1  }
0x6: {  	s14 =	simm.s32 $0x0;
	[smem:$0x7FF] =	sst s3;
	s6 =	smul.u32 $0x4E2, s6  }
0x7: {  	s7 =	ssub.s32 $0x2, s4;
	s4 =	sadd.s32 $0x14A00, s5;
	s1 =	rddreg [dreg:$0x2]  }
0x8: {  	_ =	strace $0x8000004A;
	s31 =	sshrl.u32 s7, $0x1;
	s8 =	sadd.s32 s6, s5  }
0x9: {  	s9 =	ssub.s32 s7, s31;
	s5 =	sadd.s32 $0xAC00, s8;
	s6 =	sadd.s32 $0xE00, s8  }
0xa: {  	s7 =	sadd.s32 $0x14C00, s8;
	s8 =	smax.u32 s9, $0x1;
	s9 =	simm.s32 $0x1  }
.LBB2_1:
0xb: {  	[tilespmem:s3], [sflag:$0x1] =	stream.linear.gather [hbm4b:s2+s3], $0x13880, $0x38;
	[tilespmem:$0x1ADC0] =	vst v63  }
0xc: {  	_ =	swait.ge [sflag:s9], $0x13880  }
0xd: {  	[sflag:s9] =	ssyncset.done $0x0  }
0xe: {  	[sflag:s9] =	ssyncadd.s32 $0xFFFEC780  }
0xf: {  	[tilespmem:s10], [sflag:$0x1] =	stream.linear.gather [hbm4b:s5+s3], $0x2710, $0x38;
	[tilespmem:$0x1ADC0] =	vst v63  }
0x10: {  	_ =	swait.ge [sflag:s9], $0x2710  }
0x11: {  	[sflag:s9] =	ssyncset.done $0x0  }
0x12: {  	[sflag:s9] =	ssyncadd.s32 $0xFFFFD8F0  }
0x13: {  	[tilespmem:s11], [sflag:$0x1] =	stream.linear.gather [hbm4b:s6+s3], $0x2710, $0x38;
	[tilespmem:$0x1ADC0] =	vst v63  }
0x14: {  	_ =	swait.ge [sflag:s9], $0x2710  }
0x15: {  	[sflag:s9] =	ssyncset.done $0x0  }
0x16: {  	[sflag:s9] =	ssyncadd.s32 $0xFFFFD8F0  }
0x17: {  	[tilespmem:s12], [sflag:$0x1] =	stream.linear.gather [hbm4b:s4+s3], $0x10, $0x38;
	[tilespmem:$0x1ADC0] =	vst v63  }
0x18: {  	_ =	swait.ge [sflag:s9], $0x10  }
0x19: {  	[sflag:s9] =	ssyncset.done $0x0  }
0x1a: {  	s15 =	simm.s32 $0x0;
	[sflag:s9] =	ssyncadd.s32 $0xFFFFFFF0  }
0x1b: {  	v0 =	vld [tilespmem:s15+$0x15F90]  }
0x1c: {  	v1 =	vld [tilespmem:s15+$0x13880];
	_ =	sdelay $0x4  }
0x1d: {  	v0 =	vshll.u32 v0, $0x3;
	v3 =	vshll.u32 v1, $0x3  }
0x1e: {  	v2 =	vor.u32 $0x1, v0  }
0x1f: {  	s16 =	simm.s32 $0x10  }
0x20: {  	v1 =	vld [tilespmem:s16+$0x15F90]  }
0x21: {  	v0 =	vld [tilespmem:$0x1ADB0]  }
0x22: {  	v3 =	vld.idx.msk [tilespmem:v3+s3+$0x0], $0xffff  }
0x23: {  	s17 =	simm.s32 $0x80;
	v2 =	vld.idx.msk [tilespmem:v2+s3+$0x0], $0xffff  }
.LBB2_2:
0x24: {  	p0 =	sne.s32 s17, $0x9C00  }
0x25: {  	v4 =	vld [tilespmem:s16+$0x13880];
	_ =	sdelay $0x2  }
0x26: {  	v1 =	vshll.u32 v1, $0x3  }
0x27: {  	v5 =	vor.u32 $0x1, v1;
	v1 =	vadd.f32 v2, v3  }
0x28: {  	v3 =	vshll.u32 v4, $0x3  }
.Ltmp0:
0x29: {  	v2 =	vadd.f32 v1, v0;
	(pc) =	sbr.rel @p0 .LBB2_2-.Ltmp0, $4  }
0x2a: {  	s18 =	sshra.s32 s17, $0x2  }
0x2b: {  	v1 =	vld [tilespmem:s18+$0x15F90];
	[tilespmem:s15+$0x186A0] =	vst v2;
	s15 =	smov.u32 s16;
	s16 =	smov.u32 s18  }
0x2c: {  	v2 =	vld.idx.msk [tilespmem:v5+s3+$0x0], $0xffff  }
0x2d: {  	s17 =	sadd.s32 $0x40, s17;
	v3 =	vld.idx.msk [tilespmem:v3+s3+$0x0], $0xffff  }
0x2e: {  	v4 =	vld [tilespmem:s16+$0x13880];
	_ =	sdelay $0x2  }
0x2f: {  	v1 =	vshll.u32 v1, $0x3  }
0x30: {  	v1 =	vor.u32 $0x1, v1;
	v2 =	vadd.f32 v2, v3  }
0x31: {  	v62 =	vshll.u32 v4, $0x3  }
0x32: {  	v2 =	vadd.f32 v2, v0;
	_ =	sdelay $0x1  }
0x33: {  	[tilespmem:s15+$0x186A0] =	vst v2  }
0x34: {  	v1 =	vld.idx.msk [tilespmem:v1+s3+$0x0], $0xffff  }
0x35: {  	v2 =	vld.idx.msk [tilespmem:v62+s3+$0x0], $0xffff;
	_ =	sdelay $0x4  }
0x36: {  	v1 =	vadd.f32 v1, v2;
	_ =	sdelay $0x1  }
0x37: {  	s14 =	sadd.s32 $0x1, s14;
	v63 =	vadd.f32 v1, v0  }
0x38: {  	p0 =	sne.s32 s14, s8  }
.Ltmp1:
0x39: {  	[tilespmem:s16+$0x186A0] =	vst v63;
	(pc) =	sbr.rel @p0 .LBB2_1-.Ltmp1, $4  }
0x3a: {  	[hbm4b:s7+s3] =	stream.linear.scatter [tilespmem:s13], [sflag:$0x1], $0x2710, $0x38;
	[tilespmem:$0x1ADC0] =	vst v63  }
0x3b: {  	_ =	swait.ge [sflag:s9], $0x2710  }
0x3c: {  	[sflag:s9] =	ssyncset.done $0x0  }
0x3d: {  	[sflag:s9] =	ssyncadd.s32 $0xFFFFD8F0  }
0x3e: {  	_ =	sfence.sel $0x180000  }
0x3f: {  	[bflag:$0x0] =	sbarrier.arrive $0xFFFF  }
0x40: {  	p0 =	sne.s32 s0, $0x0;
	_ =	strace $0x9000004A  }
0x41: {  	s0 =	sadd.s32 @!p0 $0x100000, s1;
	[bflag:$0x2] =	sbarrier.arrive $0xFFFF  }
0x42: {  	[sflag:s0] =	ssyncadd.tile.s32 @!p0 $0x1;
	_ =	shalt  }
.Lfunc_end2:
_tile_overlayer_lowered:
.L_overlay_start_2:
0x43: {  	(tag) =	ssettag $0x2  }
0x44: {  	s0 =	rddreg [dreg:$0x0];
	s2 =	stileid.u32  }
0x45: {  	s1 =	rddreg [dreg:$0x1];
	p0 =	sne.s32 s2, $0x0  }
0x46: {  	s3 =	rddreg [dreg:$0x2];
	[bflag:$0x3] =	sbarrier.arrive $0xFFFF;
	s2 =	simm.s32 @!p0 $0x1C01  }
0x47: {  	[timem:s3], [sflag:s2] =	dma.local @!p0 [hbm:s0], s1  }
0x48: {  	s0 =	simm.s32 @!p0 $0x1  }
0x49: {  	_ =	swait.ge @!p0 [sflag:s0], s1  }
0x4a: {  	s1 =	ssub.s32 @!p0 $0x0, s1;
	[sflag:s0] =	ssyncset.done @!p0 $0x0  }
0x4b: {  	[sflag:s0] =	ssyncadd.s32 @!p0 s1  }
0x4c: {  	[bflag:$0x3] =	sbarrier.arrive $0xFFFF  }
0x4d: {  	_ =	shalt  }

</sc_bundles>
